<compile_context>
chip_gen: v7x
topology: tpu7x:2x2x1
jax: 0.10.2.dev20260603
libtpu: 0.0.44.dev20260713+nightly
codegen_flags: <defaults>
</compile_context>

<pallas_src>
import functools

import jax
import jax.numpy as jnp
from jax import lax
from jax.experimental import pallas as pl
from jax.experimental.pallas import tpu as pltpu
from jax.experimental.pallas import tpu_sc as plsc


TM = 128
TF = 1024


def _fused_moe_body(ft_ref, nt_ref, st_ref, en_ref,
                    x_ref, wg_ref, wu_ref, wd_ref, out_ref,
                    wg_bf, wu_bf, wd_bf):
    e = pl.program_id(0)
    f = pl.program_id(1)

    @pl.when((e == 0) & (f == 0))
    def _():
        out_ref[...] = jnp.zeros_like(out_ref)

    wg_bf[...] = wg_ref[0].astype(jnp.bfloat16)
    wu_bf[...] = wu_ref[0].astype(jnp.bfloat16)
    wd_bf[...] = wd_ref[0].astype(jnp.bfloat16)

    start = st_ref[e]
    end = en_ref[e]
    first = ft_ref[e]

    def chunk(c, carry):
        base = (first + c) * TM
        x = x_ref[pl.ds(base, TM), :]
        gate = jnp.dot(x, wg_bf[...], preferred_element_type=jnp.float32)
        up = jnp.dot(x, wu_bf[...], preferred_element_type=jnp.float32)
        fused = gate * jax.lax.logistic(gate) * up
        part = jnp.dot(fused.astype(jnp.bfloat16), wd_bf[...],
                       preferred_element_type=jnp.float32)
        row = base + jax.lax.broadcasted_iota(jnp.int32, (TM, 1), 0)
        mask = (row >= start) & (row < end)
        out_ref[pl.ds(base, TM), :] += jnp.where(mask, part, 0.0)
        return carry

    jax.lax.fori_loop(0, nt_ref[e], chunk, 0)


@functools.cache
def _make_combine(T, D):
    info = plsc.get_sparse_core_info()
    NW = info.num_cores * info.num_subcores
    CT = T // NW
    CH = 32
    NCH = CT // CH
    L = info.num_lanes
    mesh = plsc.VectorSubcoreMesh(core_axis_name="c", subcore_axis_name="s")

    @functools.partial(
        pl.kernel, mesh=mesh,
        out_type=jax.ShapeDtypeStruct((T, D), jnp.float32),
        scratch_types=[
            pltpu.VMEM((CH,), jnp.int32),
            pltpu.VMEM((CH,), jnp.int32),
            pltpu.VMEM((2 * CH,), jnp.float32),
            pltpu.VMEM((CH, D), jnp.float32),
            pltpu.VMEM((CH, D), jnp.float32),
            pltpu.VMEM((CH, D), jnp.float32),
            pltpu.SemaphoreType.DMA,
            pltpu.SemaphoreType.DMA,
        ])
    def combine(y_hbm, pe_hbm, po_hbm, rw_hbm, out_hbm,
                i0, i1, wb, b0, b1, ob, s0, s1):
        wid = lax.axis_index("s") * info.num_cores + lax.axis_index("c")
        base = wid * CT
        for c in range(NCH):
            tb = base + c * CH
            pltpu.sync_copy(pe_hbm.at[pl.ds(tb, CH)], i0)
            pltpu.sync_copy(po_hbm.at[pl.ds(tb, CH)], i1)
            pltpu.sync_copy(rw_hbm.at[pl.ds(2 * tb, 2 * CH)], wb)
            cp0 = pltpu.async_copy(y_hbm.at[i0], b0, s0)
            cp1 = pltpu.async_copy(y_hbm.at[i1], b1, s1)
            cp0.wait()
            cp1.wait()

            ws = []
            for g in range(2 * CH // L):
                wv = wb[pl.ds(g * L, L)]
                for l in range(L):
                    ws.append(wv[l])

            def col(cc, carry):
                off = cc * L
                for j in range(CH):
                    ob[j, pl.ds(off, L)] = (
                        b0[j, pl.ds(off, L)] * ws[2 * j]
                        + b1[j, pl.ds(off, L)] * ws[2 * j + 1])
                return carry

            lax.fori_loop(0, D // L, col, 0)
            pltpu.sync_copy(ob, out_hbm.at[pl.ds(tb, CH)])

    return combine


@functools.partial(jax.jit, static_argnums=())
def kernel(x_TD, router_weights_TX, selected_experts_TX,
           kernel_gating, kernel_up_proj, kernel_down_proj):
    T, D = x_TD.shape
    K = router_weights_TX.shape[1]
    E, _, F = kernel_gating.shape
    M = T * K
    m_tiles = M // TM
    NF = F // TF

    flat = selected_experts_TX.reshape(-1)
    oh = (jnp.arange(E)[:, None] == flat[None, :]).astype(jnp.int32)
    csum = jnp.cumsum(oh, axis=1)
    sizes = csum[:, -1]
    ends = jnp.cumsum(sizes)
    starts = ends - sizes
    rank = jnp.sum(oh * csum, axis=0) - 1
    pos = jnp.sum(oh * starts[:, None], axis=0) + rank

    slot_iota = jnp.arange(M, dtype=jnp.int32)
    tok_sorted = jnp.zeros((M,), jnp.int32).at[pos].set(slot_iota // K)
    x_sorted = jnp.take(x_TD.astype(jnp.bfloat16), tok_sorted, axis=0)

    nonempty = sizes > 0
    first_tile = jnp.where(nonempty, starts // TM, 0).astype(jnp.int32)
    last_tile = jnp.where(nonempty, (ends - 1) // TM, -1)
    ntiles = jnp.maximum(last_tile - first_tile + 1, 0).astype(jnp.int32)

    grid_spec = pltpu.PrefetchScalarGridSpec(
        num_scalar_prefetch=4,
        grid=(E, NF),
        in_specs=[
            pl.BlockSpec((M, D), lambda e, f, ft, nt, st, en: (0, 0)),
            pl.BlockSpec((1, D, TF), lambda e, f, ft, nt, st, en: (e, 0, f)),
            pl.BlockSpec((1, D, TF), lambda e, f, ft, nt, st, en: (e, 0, f)),
            pl.BlockSpec((1, TF, D), lambda e, f, ft, nt, st, en: (e, f, 0)),
        ],
        out_specs=pl.BlockSpec((M, D), lambda e, f, ft, nt, st, en: (0, 0)),
        scratch_shapes=[
            pltpu.VMEM((D, TF), jnp.bfloat16),
            pltpu.VMEM((D, TF), jnp.bfloat16),
            pltpu.VMEM((TF, D), jnp.bfloat16),
        ],
    )
    y_sorted = pl.pallas_call(
        _fused_moe_body,
        grid_spec=grid_spec,
        out_shape=jax.ShapeDtypeStruct((M, D), jnp.float32),
        compiler_params=pltpu.CompilerParams(vmem_limit_bytes=62 * 1024 * 1024),
    )(first_tile, ntiles, starts.astype(jnp.int32), ends.astype(jnp.int32),
      x_sorted, kernel_gating, kernel_up_proj, kernel_down_proj)

    pos_TK = pos.reshape(T, K).astype(jnp.int32)
    out_TD = _make_combine(T, D)(y_sorted, pos_TK[:, 0], pos_TK[:, 1],
                                 router_weights_TX.reshape(-1))
    return out_TD.astype(jnp.float32)

# --- scband reference (transcript-rebuilt; emitter-appended) ---
"""Pipeline reference for scband-sparse-mo-eengine-46359876993227 (READ-ONLY COPY).

The authoritative reference and input builder live on the scoring server;
editing this copy changes nothing except your own understanding.
"""

import jax, jax.numpy as jnp
import numpy as np

T, D, F, E, K = 2048, 1024, 2048, 8, 2


def setup_inputs(seed: int = 0) -> dict:
    key = jax.random.key(seed)
    ks = jax.random.split(key, 6)
    x_TD = jax.random.normal(ks[0], (T, D), dtype=jnp.float32)
    router_weights_TX = jax.random.uniform(ks[1], (T, K), dtype=jnp.float32)
    selected_experts_TX = jax.random.randint(ks[2], (T, K), 0, E).astype(jnp.int32)
    kernel_gating = jax.random.normal(ks[3], (E, D, F), dtype=jnp.float32) * 0.02
    kernel_up_proj = jax.random.normal(ks[4], (E, D, F), dtype=jnp.float32) * 0.02
    kernel_down_proj = jax.random.normal(ks[5], (E, F, D), dtype=jnp.float32) * 0.02
    return {
        'x_TD': x_TD,
        'router_weights_TX': router_weights_TX,
        'selected_experts_TX': selected_experts_TX,
        'kernel_gating': kernel_gating,
        'kernel_up_proj': kernel_up_proj,
        'kernel_down_proj': kernel_down_proj,
    }


def _gmm(inputs, kernel, expert_ids):
    # Grouped matrix multiply: row i uses kernel[expert_ids[i]].
    # Dense-equivalent of megablox gmm: mask-and-matmul per expert, accumulated.
    out = jnp.zeros((inputs.shape[0], kernel.shape[2]), dtype=inputs.dtype)
    for e in range(kernel.shape[0]):
        mask = (expert_ids == e).astype(inputs.dtype)[:, None]
        out = out + (inputs * mask) @ kernel[e]
    return out


def reference(x_TD, router_weights_TX, selected_experts_TX, kernel_gating, kernel_up_proj, kernel_down_proj):
    T_, D_ = x_TD.shape
    K_ = router_weights_TX.shape[1]
    E_ = kernel_gating.shape[0]
    # ---- global_permute_fn: sort token-expert assignments by expert id ----
    flat_experts = selected_experts_TX.reshape(-1)            # [T*K]
    global_sort_indices = jnp.argsort(flat_experts)           # stable sort
    token_idx = global_sort_indices // K_
    sorted_inputs = jnp.take(x_TD, token_idx, axis=0)         # [T*K, D]
    global_sorted_experts = jnp.take(flat_experts, global_sort_indices)
    global_group_sizes = jnp.bincount(flat_experts, length=E_)  # per-expert counts
    # num_expert_parallelism == 1 path: compute on full sorted assignment list
    compute_inputs = sorted_inputs
    compute_expert_ids = global_sorted_experts
    # ---- gating ----
    gating_TEF = _gmm(compute_inputs, kernel_gating, compute_expert_ids)
    activated_gating_TEF = jax.nn.silu(gating_TEF)
    # ---- up projection ----
    up_proj_TEF = _gmm(compute_inputs, kernel_up_proj, compute_expert_ids)
    fuse_TEF = activated_gating_TEF * up_proj_TEF
    # ---- down projection ----
    intermediate_output = _gmm(fuse_TEF, kernel_down_proj, compute_expert_ids)  # [T*K, D]
    # ---- unpermute_fn: invert sort, weight by router probs, sum over top-k ----
    inv_sort = jnp.argsort(global_sort_indices)
    unsorted = jnp.take(intermediate_output, inv_sort, axis=0)  # back to [T*K, D] in (token, k) order
    combined = unsorted.reshape(T_, K_, D_) * router_weights_TX[:, :, None]
    output_TD = jnp.sum(combined, axis=1).astype(jnp.float32)
    return output_TD

if __name__ == "__main__":
    import jax
    _d = setup_inputs()
    print(jax.jit(kernel)(*tuple(_d.values())))

</pallas_src>

<mosaic_0001>
#map = affine_map<(d0, d1) -> (0, 0)>
#map1 = affine_map<(d0, d1) -> (0)>
module attributes {stable_mosaic.version = 14 : i64} {
  func.func @combine(%arg0: i32, %arg1: i32, %arg2: memref<4096x1024xf32, #tpu.memory_space<hbm>>, %arg3: memref<2048xi32, #tpu.memory_space<hbm>>, %arg4: memref<2048xi32, #tpu.memory_space<hbm>>, %arg5: memref<4096xf32, #tpu.memory_space<hbm>>, %arg6: memref<2048x1024xf32, #tpu.memory_space<hbm>>, %arg7: memref<32xi32, #tpu.memory_space<vmem>>, %arg8: memref<32xi32, #tpu.memory_space<vmem>>, %arg9: memref<64xf32, #tpu.memory_space<vmem>>, %arg10: memref<32x1024xf32, #tpu.memory_space<vmem>>, %arg11: memref<32x1024xf32, #tpu.memory_space<vmem>>, %arg12: memref<32x1024xf32, #tpu.memory_space<vmem>>, %arg13: memref<!tpu.dma_semaphore, #tpu.memory_space<semaphore_mem>>, %arg14: memref<!tpu.dma_semaphore, #tpu.memory_space<semaphore_mem>>) attributes {dimension_semantics = [#tpu.dimension_semantics<core_parallel>, #tpu.dimension_semantics<subcore_parallel>], iteration_bounds = array<i64: 2, 16>, scalar_prefetch = 0 : i64, scratch_operands = 8 : i64, tpu.core_type = #tpu.core_type<sc_vector_subcore>, window_params = [{transform_indices = #map}, {transform_indices = #map1}, {transform_indices = #map1}, {transform_indices = #map1}, {transform_indices = #map}]} {
    %mul3A = arith.constant 2 : i32
    %mul3A_0 = arith.muli %arg1, %mul3A : i32
    %add3A = arith.addi %mul3A_0, %arg0 : i32
    %mul3A_1 = arith.constant 64 : i32
    %mul3A_2 = arith.muli %add3A, %mul3A_1 : i32
    %add3A_3 = arith.constant 0 : i32
    %add3A_4 = arith.addi %mul3A_2, %add3A_3 : i32
    "tpu.region"() ({
      %run_scoped3A = tpu.sem_alloc : memref<!tpu.dma_semaphore, #tpu.memory_space<semaphore_mem>>
      %dma_start3A_321 = tpu.memref_slice %arg3[%add3A_4] : memref<2048xi32, #tpu.memory_space<hbm>> -> memref<32xi32, #tpu.memory_space<hbm>>
      %dma_start3A_322 = tpu.memref_slice %arg3[%add3A_4] : memref<2048xi32, #tpu.memory_space<hbm>> -> memref<32xi32, #tpu.memory_space<hbm>>
      tpu.enqueue_dma source(%dma_start3A_322 : memref<32xi32, #tpu.memory_space<hbm>>) target(%arg7 : memref<32xi32, #tpu.memory_space<vmem>>) target_semaphore(%run_scoped3A : memref<!tpu.dma_semaphore, #tpu.memory_space<semaphore_mem>>)
      %dma_wait3A_323 = tpu.memref_slice %arg3[%add3A_4] : memref<2048xi32, #tpu.memory_space<hbm>> -> memref<32xi32, #tpu.memory_space<hbm>>
      %dma_wait3A_324 = tpu.memref_slice %arg3[%add3A_4] : memref<2048xi32, #tpu.memory_space<hbm>> -> memref<32xi32, #tpu.memory_space<hbm>>
      tpu.wait_dma2 semaphore(%run_scoped3A : memref<!tpu.dma_semaphore, #tpu.memory_space<semaphore_mem>>) src(%dma_wait3A_324 : memref<32xi32, #tpu.memory_space<hbm>>) dst(%arg7 : memref<32xi32, #tpu.memory_space<vmem>>)
      tpu.yield
    }) : () -> ()
    "tpu.region"() ({
      %run_scoped3A = tpu.sem_alloc : memref<!tpu.dma_semaphore, #tpu.memory_space<semaphore_mem>>
      %dma_start3A_321 = tpu.memref_slice %arg4[%add3A_4] : memref<2048xi32, #tpu.memory_space<hbm>> -> memref<32xi32, #tpu.memory_space<hbm>>
      %dma_start3A_322 = tpu.memref_slice %arg4[%add3A_4] : memref<2048xi32, #tpu.memory_space<hbm>> -> memref<32xi32, #tpu.memory_space<hbm>>
      tpu.enqueue_dma source(%dma_start3A_322 : memref<32xi32, #tpu.memory_space<hbm>>) target(%arg8 : memref<32xi32, #tpu.memory_space<vmem>>) target_semaphore(%run_scoped3A : memref<!tpu.dma_semaphore, #tpu.memory_space<semaphore_mem>>)
      %dma_wait3A_323 = tpu.memref_slice %arg4[%add3A_4] : memref<2048xi32, #tpu.memory_space<hbm>> -> memref<32xi32, #tpu.memory_space<hbm>>
      %dma_wait3A_324 = tpu.memref_slice %arg4[%add3A_4] : memref<2048xi32, #tpu.memory_space<hbm>> -> memref<32xi32, #tpu.memory_space<hbm>>
      tpu.wait_dma2 semaphore(%run_scoped3A : memref<!tpu.dma_semaphore, #tpu.memory_space<semaphore_mem>>) src(%dma_wait3A_324 : memref<32xi32, #tpu.memory_space<hbm>>) dst(%arg8 : memref<32xi32, #tpu.memory_space<vmem>>)
      tpu.yield
    }) : () -> ()
    %mul3A_5 = arith.constant 2 : i32
    %mul3A_6 = arith.muli %mul3A_5, %add3A_4 : i32
    "tpu.region"() ({
      %run_scoped3A = tpu.sem_alloc : memref<!tpu.dma_semaphore, #tpu.memory_space<semaphore_mem>>
      %dma_start3A_321 = tpu.memref_slice %arg5[%mul3A_6] : memref<4096xf32, #tpu.memory_space<hbm>> -> memref<64xf32, #tpu.memory_space<hbm>>
      %dma_start3A_322 = tpu.memref_slice %arg5[%mul3A_6] : memref<4096xf32, #tpu.memory_space<hbm>> -> memref<64xf32, #tpu.memory_space<hbm>>
      tpu.enqueue_dma source(%dma_start3A_322 : memref<64xf32, #tpu.memory_space<hbm>>) target(%arg9 : memref<64xf32, #tpu.memory_space<vmem>>) target_semaphore(%run_scoped3A : memref<!tpu.dma_semaphore, #tpu.memory_space<semaphore_mem>>)
      %dma_wait3A_323 = tpu.memref_slice %arg5[%mul3A_6] : memref<4096xf32, #tpu.memory_space<hbm>> -> memref<64xf32, #tpu.memory_space<hbm>>
      %dma_wait3A_324 = tpu.memref_slice %arg5[%mul3A_6] : memref<4096xf32, #tpu.memory_space<hbm>> -> memref<64xf32, #tpu.memory_space<hbm>>
      tpu.wait_dma2 semaphore(%run_scoped3A : memref<!tpu.dma_semaphore, #tpu.memory_space<semaphore_mem>>) src(%dma_wait3A_324 : memref<64xf32, #tpu.memory_space<hbm>>) dst(%arg9 : memref<64xf32, #tpu.memory_space<vmem>>)
      tpu.yield
    }) : () -> ()
    %dma_start3A = arith.constant 0 : i32
    %dma_start3A_7 = arith.constant 0 : i32
    %dma_start3A_8 = tpu.memref_slice %arg2[%dma_start3A, %dma_start3A_7] : memref<4096x1024xf32, #tpu.memory_space<hbm>> -> memref<4096x1024xf32, #tpu.memory_space<hbm>>
    tpu.enqueue_indirect_dma source(%dma_start3A_8 : memref<4096x1024xf32, #tpu.memory_space<hbm>>) target(%arg10 : memref<32x1024xf32, #tpu.memory_space<vmem>>) offsets(%arg7 : memref<32xi32, #tpu.memory_space<vmem>>) semaphore(%arg13 : memref<!tpu.dma_semaphore, #tpu.memory_space<semaphore_mem>>)
    %dma_start3A_9 = arith.constant 0 : i32
    %dma_start3A_10 = arith.constant 0 : i32
    %dma_start3A_11 = tpu.memref_slice %arg2[%dma_start3A_9, %dma_start3A_10] : memref<4096x1024xf32, #tpu.memory_space<hbm>> -> memref<4096x1024xf32, #tpu.memory_space<hbm>>
    tpu.enqueue_indirect_dma source(%dma_start3A_11 : memref<4096x1024xf32, #tpu.memory_space<hbm>>) target(%arg11 : memref<32x1024xf32, #tpu.memory_space<vmem>>) offsets(%arg8 : memref<32xi32, #tpu.memory_space<vmem>>) semaphore(%arg14 : memref<!tpu.dma_semaphore, #tpu.memory_space<semaphore_mem>>)
    %dma_wait3A = arith.constant 0 : i32
    %dma_wait3A_12 = arith.constant 0 : i32
    %dma_wait3A_13 = tpu.memref_slice %arg2[%dma_wait3A, %dma_wait3A_12] : memref<4096x1024xf32, #tpu.memory_space<hbm>> -> memref<4096x1024xf32, #tpu.memory_space<hbm>>
    tpu.wait_indirect_dma semaphore(%arg13 : memref<!tpu.dma_semaphore, #tpu.memory_space<semaphore_mem>>) src(%dma_wait3A_13 : memref<4096x1024xf32, #tpu.memory_space<hbm>>) dst(%arg10 : memref<32x1024xf32, #tpu.memory_space<vmem>>)
    %dma_wait3A_14 = arith.constant 0 : i32
    %dma_wait3A_15 = arith.constant 0 : i32
    %dma_wait3A_16 = tpu.memref_slice %arg2[%dma_wait3A_14, %dma_wait3A_15] : memref<4096x1024xf32, #tpu.memory_space<hbm>> -> memref<4096x1024xf32, #tpu.memory_space<hbm>>
    tpu.wait_indirect_dma semaphore(%arg14 : memref<!tpu.dma_semaphore, #tpu.memory_space<semaphore_mem>>) src(%dma_wait3A_16 : memref<4096x1024xf32, #tpu.memory_space<hbm>>) dst(%arg11 : memref<32x1024xf32, #tpu.memory_space<vmem>>)
    %get3A = arith.constant 0 : index
    %get3A_17 = tpu.vector_load %arg9[%get3A] {strides = array<i32>} : memref<64xf32, #tpu.memory_space<vmem>>, vector<16xf32>,
    %get3A_18 = vector.shape_cast %get3A_17 : vector<16xf32> to vector<16xf32>
    %slice3A = vector.extract_strided_slice %get3A_18 {offsets = [0], sizes = [1], strides = [1]} : vector<16xf32> to vector<1xf32>
    %squeeze3A = vector.extract %slice3A[0] : f32 from vector<1xf32>
    %slice3A_19 = vector.extract_strided_slice %get3A_18 {offsets = [1], sizes = [1], strides = [1]} : vector<16xf32> to vector<1xf32>
    %squeeze3A_20 = vector.extract %slice3A_19[0] : f32 from vector<1xf32>
    %slice3A_21 = vector.extract_strided_slice %get3A_18 {offsets = [2], sizes = [1], strides = [1]} : vector<16xf32> to vector<1xf32>
    %squeeze3A_22 = vector.extract %slice3A_21[0] : f32 from vector<1xf32>
    %slice3A_23 = vector.extract_strided_slice %get3A_18 {offsets = [3], sizes = [1], strides = [1]} : vector<16xf32> to vector<1xf32>
    %squeeze3A_24 = vector.extract %slice3A_23[0] : f32 from vector<1xf32>
    %slice3A_25 = vector.extract_strided_slice %get3A_18 {offsets = [4], sizes = [1], strides = [1]} : vector<16xf32> to vector<1xf32>
    %squeeze3A_26 = vector.extract %slice3A_25[0] : f32 from vector<1xf32>
    %slice3A_27 = vector.extract_strided_slice %get3A_18 {offsets = [5], sizes = [1], strides = [1]} : vector<16xf32> to vector<1xf32>
    %squeeze3A_28 = vector.extract %slice3A_27[0] : f32 from vector<1xf32>
    %slice3A_29 = vector.extract_strided_slice %get3A_18 {offsets = [6], sizes = [1], strides = [1]} : vector<16xf32> to vector<1xf32>
    %squeeze3A_30 = vector.extract %slice3A_29[0] : f32 from vector<1xf32>
    %slice3A_31 = vector.extract_strided_slice %get3A_18 {offsets = [7], sizes = [1], strides = [1]} : vector<16xf32> to vector<1xf32>
    %squeeze3A_32 = vector.extract %slice3A_31[0] : f32 from vector<1xf32>
    %slice3A_33 = vector.extract_strided_slice %get3A_18 {offsets = [8], sizes = [1], strides = [1]} : vector<16xf32> to vector<1xf32>
    %squeeze3A_34 = vector.extract %slice3A_33[0] : f32 from vector<1xf32>
    %slice3A_35 = vector.extract_strided_slice %get3A_18 {offsets = [9], sizes = [1], strides = [1]} : vector<16xf32> to vector<1xf32>
    %squeeze3A_36 = vector.extract %slice3A_35[0] : f32 from vector<1xf32>
    %slice3A_37 = vector.extract_strided_slice %get3A_18 {offsets = [10], sizes = [1], strides = [1]} : vector<16xf32> to vector<1xf32>
    %squeeze3A_38 = vector.extract %slice3A_37[0] : f32 from vector<1xf32>
    %slice3A_39 = vector.extract_strided_slice %get3A_18 {offsets = [11], sizes = [1], strides = [1]} : vector<16xf32> to vector<1xf32>
    %squeeze3A_40 = vector.extract %slice3A_39[0] : f32 from vector<1xf32>
    %slice3A_41 = vector.extract_strided_slice %get3A_18 {offsets = [12], sizes = [1], strides = [1]} : vector<16xf32> to vector<1xf32>
    %squeeze3A_42 = vector.extract %slice3A_41[0] : f32 from vector<1xf32>
    %slice3A_43 = vector.extract_strided_slice %get3A_18 {offsets = [13], sizes = [1], strides = [1]} : vector<16xf32> to vector<1xf32>
    %squeeze3A_44 = vector.extract %slice3A_43[0] : f32 from vector<1xf32>
    %slice3A_45 = vector.extract_strided_slice %get3A_18 {offsets = [14], sizes = [1], strides = [1]} : vector<16xf32> to vector<1xf32>
    %squeeze3A_46 = vector.extract %slice3A_45[0] : f32 from vector<1xf32>
    %slice3A_47 = vector.extract_strided_slice %get3A_18 {offsets = [15], sizes = [1], strides = [1]} : vector<16xf32> to vector<1xf32>
    %squeeze3A_48 = vector.extract %slice3A_47[0] : f32 from vector<1xf32>
    %get3A_49 = arith.constant 16 : index
    %get3A_50 = tpu.vector_load %arg9[%get3A_49] {strides = array<i32>} : memref<64xf32, #tpu.memory_space<vmem>>, vector<16xf32>,
    %get3A_51 = vector.shape_cast %get3A_50 : vector<16xf32> to vector<16xf32>
    %slice3A_52 = vector.extract_strided_slice %get3A_51 {offsets = [0], sizes = [1], strides = [1]} : vector<16xf32> to vector<1xf32>
    %squeeze3A_53 = vector.extract %slice3A_52[0] : f32 from vector<1xf32>
    %slice3A_54 = vector.extract_strided_slice %get3A_51 {offsets = [1], sizes = [1], strides = [1]} : vector<16xf32> to vector<1xf32>
    %squeeze3A_55 = vector.extract %slice3A_54[0] : f32 from vector<1xf32>
    %slice3A_56 = vector.extract_strided_slice %get3A_51 {offsets = [2], sizes = [1], strides = [1]} : vector<16xf32> to vector<1xf32>
    %squeeze3A_57 = vector.extract %slice3A_56[0] : f32 from vector<1xf32>
    %slice3A_58 = vector.extract_strided_slice %get3A_51 {offsets = [3], sizes = [1], strides = [1]} : vector<16xf32> to vector<1xf32>
    %squeeze3A_59 = vector.extract %slice3A_58[0] : f32 from vector<1xf32>
    %slice3A_60 = vector.extract_strided_slice %get3A_51 {offsets = [4], sizes = [1], strides = [1]} : vector<16xf32> to vector<1xf32>
    %squeeze3A_61 = vector.extract %slice3A_60[0] : f32 from vector<1xf32>
    %slice3A_62 = vector.extract_strided_slice %get3A_51 {offsets = [5], sizes = [1], strides = [1]} : vector<16xf32> to vector<1xf32>
    %squeeze3A_63 = vector.extract %slice3A_62[0] : f32 from vector<1xf32>
    %slice3A_64 = vector.extract_strided_slice %get3A_51 {offsets = [6], sizes = [1], strides = [1]} : vector<16xf32> to vector<1xf32>
    %squeeze3A_65 = vector.extract %slice3A_64[0] : f32 from vector<1xf32>
    %slice3A_66 = vector.extract_strided_slice %get3A_51 {offsets = [7], sizes = [1], strides = [1]} : vector<16xf32> to vector<1xf32>
    %squeeze3A_67 = vector.extract %slice3A_66[0] : f32 from vector<1xf32>
    %slice3A_68 = vector.extract_strided_slice %get3A_51 {offsets = [8], sizes = [1], strides = [1]} : vector<16xf32> to vector<1xf32>
    %squeeze3A_69 = vector.extract %slice3A_68[0] : f32 from vector<1xf32>
    %slice3A_70 = vector.extract_strided_slice %get3A_51 {offsets = [9], sizes = [1], strides = [1]} : vector<16xf32> to vector<1xf32>
    %squeeze3A_71 = vector.extract %slice3A_70[0] : f32 from vector<1xf32>
    %slice3A_72 = vector.extract_strided_slice %get3A_51 {offsets = [10], sizes = [1], strides = [1]} : vector<16xf32> to vector<1xf32>
    %squeeze3A_73 = vector.extract %slice3A_72[0] : f32 from vector<1xf32>
    %slice3A_74 = vector.extract_strided_slice %get3A_51 {offsets = [11], sizes = [1], strides = [1]} : vector<16xf32> to vector<1xf32>
    %squeeze3A_75 = vector.extract %slice3A_74[0] : f32 from vector<1xf32>
    %slice3A_76 = vector.extract_strided_slice %get3A_51 {offsets = [12], sizes = [1], strides = [1]} : vector<16xf32> to vector<1xf32>
    %squeeze3A_77 = vector.extract %slice3A_76[0] : f32 from vector<1xf32>
    %slice3A_78 = vector.extract_strided_slice %get3A_51 {offsets = [13], sizes = [1], strides = [1]} : vector<16xf32> to vector<1xf32>
    %squeeze3A_79 = vector.extract %slice3A_78[0] : f32 from vector<1xf32>
    %slice3A_80 = vector.extract_strided_slice %get3A_51 {offsets = [14], sizes = [1], strides = [1]} : vector<16xf32> to vector<1xf32>
    %squeeze3A_81 = vector.extract %slice3A_80[0] : f32 from vector<1xf32>
    %slice3A_82 = vector.extract_strided_slice %get3A_51 {offsets = [15], sizes = [1], strides = [1]} : vector<16xf32> to vector<1xf32>
    %squeeze3A_83 = vector.extract %slice3A_82[0] : f32 from vector<1xf32>
    %get3A_84 = arith.constant 32 : index
    %get3A_85 = tpu.vector_load %arg9[%get3A_84] {strides = array<i32>} : memref<64xf32, #tpu.memory_space<vmem>>, vector<16xf32>,
    %get3A_86 = vector.shape_cast %get3A_85 : vector<16xf32> to vector<16xf32>
    %slice3A_87 = vector.extract_strided_slice %get3A_86 {offsets = [0], sizes = [1], strides = [1]} : vector<16xf32> to vector<1xf32>
    %squeeze3A_88 = vector.extract %slice3A_87[0] : f32 from vector<1xf32>
    %slice3A_89 = vector.extract_strided_slice %get3A_86 {offsets = [1], sizes = [1], strides = [1]} : vector<16xf32> to vector<1xf32>
    %squeeze3A_90 = vector.extract %slice3A_89[0] : f32 from vector<1xf32>
    %slice3A_91 = vector.extract_strided_slice %get3A_86 {offsets = [2], sizes = [1], strides = [1]} : vector<16xf32> to vector<1xf32>
    %squeeze3A_92 = vector.extract %slice3A_91[0] : f32 from vector<1xf32>
    %slice3A_93 = vector.extract_strided_slice %get3A_86 {offsets = [3], sizes = [1], strides = [1]} : vector<16xf32> to vector<1xf32>
    %squeeze3A_94 = vector.extract %slice3A_93[0] : f32 from vector<1xf32>
    %slice3A_95 = vector.extract_strided_slice %get3A_86 {offsets = [4], sizes = [1], strides = [1]} : vector<16xf32> to vector<1xf32>
    %squeeze3A_96 = vector.extract %slice3A_95[0] : f32 from vector<1xf32>
    %slice3A_97 = vector.extract_strided_slice %get3A_86 {offsets = [5], sizes = [1], strides = [1]} : vector<16xf32> to vector<1xf32>
    %squeeze3A_98 = vector.extract %slice3A_97[0] : f32 from vector<1xf32>
    %slice3A_99 = vector.extract_strided_slice %get3A_86 {offsets = [6], sizes = [1], strides = [1]} : vector<16xf32> to vector<1xf32>
    %squeeze3A_100 = vector.extract %slice3A_99[0] : f32 from vector<1xf32>
    %slice3A_101 = vector.extract_strided_slice %get3A_86 {offsets = [7], sizes = [1], strides = [1]} : vector<16xf32> to vector<1xf32>
    %squeeze3A_102 = vector.extract %slice3A_101[0] : f32 from vector<1xf32>
    %slice3A_103 = vector.extract_strided_slice %get3A_86 {offsets = [8], sizes = [1], strides = [1]} : vector<16xf32> to vector<1xf32>
    %squeeze3A_104 = vector.extract %slice3A_103[0] : f32 from vector<1xf32>
    %slice3A_105 = vector.extract_strided_slice %get3A_86 {offsets = [9], sizes = [1], strides = [1]} : vector<16xf32> to vector<1xf32>
    %squeeze3A_106 = vector.extract %slice3A_105[0] : f32 from vector<1xf32>
    %slice3A_107 = vector.extract_strided_slice %get3A_86 {offsets = [10], sizes = [1], strides = [1]} : vector<16xf32> to vector<1xf32>
    %squeeze3A_108 = vector.extract %slice3A_107[0] : f32 from vector<1xf32>
    %slice3A_109 = vector.extract_strided_slice %get3A_86 {offsets = [11], sizes = [1], strides = [1]} : vector<16xf32> to vector<1xf32>
    %squeeze3A_110 = vector.extract %slice3A_109[0] : f32 from vector<1xf32>
    %slice3A_111 = vector.extract_strided_slice %get3A_86 {offsets = [12], sizes = [1], strides = [1]} : vector<16xf32> to vector<1xf32>
    %squeeze3A_112 = vector.extract %slice3A_111[0] : f32 from vector<1xf32>
    %slice3A_113 = vector.extract_strided_slice %get3A_86 {offsets = [13], sizes = [1], strides = [1]} : vector<16xf32> to vector<1xf32>
    %squeeze3A_114 = vector.extract %slice3A_113[0] : f32 from vector<1xf32>
    %slice3A_115 = vector.extract_strided_slice %get3A_86 {offsets = [14], sizes = [1], strides = [1]} : vector<16xf32> to vector<1xf32>
    %squeeze3A_116 = vector.extract %slice3A_115[0] : f32 from vector<1xf32>
    %slice3A_117 = vector.extract_strided_slice %get3A_86 {offsets = [15], sizes = [1], strides = [1]} : vector<16xf32> to vector<1xf32>
    %squeeze3A_118 = vector.extract %slice3A_117[0] : f32 from vector<1xf32>
    %get3A_119 = arith.constant 48 : index
    %get3A_120 = tpu.vector_load %arg9[%get3A_119] {strides = array<i32>} : memref<64xf32, #tpu.memory_space<vmem>>, vector<16xf32>,
    %get3A_121 = vector.shape_cast %get3A_120 : vector<16xf32> to vector<16xf32>
    %slice3A_122 = vector.extract_strided_slice %get3A_121 {offsets = [0], sizes = [1], strides = [1]} : vector<16xf32> to vector<1xf32>
    %squeeze3A_123 = vector.extract %slice3A_122[0] : f32 from vector<1xf32>
    %slice3A_124 = vector.extract_strided_slice %get3A_121 {offsets = [1], sizes = [1], strides = [1]} : vector<16xf32> to vector<1xf32>
    %squeeze3A_125 = vector.extract %slice3A_124[0] : f32 from vector<1xf32>
    %slice3A_126 = vector.extract_strided_slice %get3A_121 {offsets = [2], sizes = [1], strides = [1]} : vector<16xf32> to vector<1xf32>
    %squeeze3A_127 = vector.extract %slice3A_126[0] : f32 from vector<1xf32>
    %slice3A_128 = vector.extract_strided_slice %get3A_121 {offsets = [3], sizes = [1], strides = [1]} : vector<16xf32> to vector<1xf32>
    %squeeze3A_129 = vector.extract %slice3A_128[0] : f32 from vector<1xf32>
    %slice3A_130 = vector.extract_strided_slice %get3A_121 {offsets = [4], sizes = [1], strides = [1]} : vector<16xf32> to vector<1xf32>
    %squeeze3A_131 = vector.extract %slice3A_130[0] : f32 from vector<1xf32>
    %slice3A_132 = vector.extract_strided_slice %get3A_121 {offsets = [5], sizes = [1], strides = [1]} : vector<16xf32> to vector<1xf32>
    %squeeze3A_133 = vector.extract %slice3A_132[0] : f32 from vector<1xf32>
    %slice3A_134 = vector.extract_strided_slice %get3A_121 {offsets = [6], sizes = [1], strides = [1]} : vector<16xf32> to vector<1xf32>
    %squeeze3A_135 = vector.extract %slice3A_134[0] : f32 from vector<1xf32>
    %slice3A_136 = vector.extract_strided_slice %get3A_121 {offsets = [7], sizes = [1], strides = [1]} : vector<16xf32> to vector<1xf32>
    %squeeze3A_137 = vector.extract %slice3A_136[0] : f32 from vector<1xf32>
    %slice3A_138 = vector.extract_strided_slice %get3A_121 {offsets = [8], sizes = [1], strides = [1]} : vector<16xf32> to vector<1xf32>
    %squeeze3A_139 = vector.extract %slice3A_138[0] : f32 from vector<1xf32>
    %slice3A_140 = vector.extract_strided_slice %get3A_121 {offsets = [9], sizes = [1], strides = [1]} : vector<16xf32> to vector<1xf32>
    %squeeze3A_141 = vector.extract %slice3A_140[0] : f32 from vector<1xf32>
    %slice3A_142 = vector.extract_strided_slice %get3A_121 {offsets = [10], sizes = [1], strides = [1]} : vector<16xf32> to vector<1xf32>
    %squeeze3A_143 = vector.extract %slice3A_142[0] : f32 from vector<1xf32>
    %slice3A_144 = vector.extract_strided_slice %get3A_121 {offsets = [11], sizes = [1], strides = [1]} : vector<16xf32> to vector<1xf32>
    %squeeze3A_145 = vector.extract %slice3A_144[0] : f32 from vector<1xf32>
    %slice3A_146 = vector.extract_strided_slice %get3A_121 {offsets = [12], sizes = [1], strides = [1]} : vector<16xf32> to vector<1xf32>
    %squeeze3A_147 = vector.extract %slice3A_146[0] : f32 from vector<1xf32>
    %slice3A_148 = vector.extract_strided_slice %get3A_121 {offsets = [13], sizes = [1], strides = [1]} : vector<16xf32> to vector<1xf32>
    %squeeze3A_149 = vector.extract %slice3A_148[0] : f32 from vector<1xf32>
    %slice3A_150 = vector.extract_strided_slice %get3A_121 {offsets = [14], sizes = [1], strides = [1]} : vector<16xf32> to vector<1xf32>
    %squeeze3A_151 = vector.extract %slice3A_150[0] : f32 from vector<1xf32>
    %slice3A_152 = vector.extract_strided_slice %get3A_121 {offsets = [15], sizes = [1], strides = [1]} : vector<16xf32> to vector<1xf32>
    %squeeze3A_153 = vector.extract %slice3A_152[0] : f32 from vector<1xf32>
    %scan3A = arith.constant 0 : i32
    %scan3A_154 = arith.constant 0 : i32
    %scan3A_155 = arith.constant 64 : i32
    %scan3A_156 = arith.addi %scan3A_154, %scan3A_155 : i32
    %scan3A_157 = arith.constant 1 : i32
    scf.for %scan3A_321 = %scan3A_154 to %scan3A_156 step %scan3A_157  : i32 {
      %mul3A_322 = arith.constant 16 : i32
      %mul3A_323 = arith.muli %scan3A_321, %mul3A_322 : i32
      %get3A_324 = arith.constant 0 : i32
      %get3A_325 = arith.index_cast %get3A_324 : i32 to index
      %get3A_326 = arith.index_cast %mul3A_323 : i32 to index
      %get3A_327 = tpu.vector_load %arg10[%get3A_325, %get3A_326] {strides = array<i32>} : memref<32x1024xf32, #tpu.memory_space<vmem>>, vector<1x16xf32>,
      %get3A_328 = vector.shape_cast %get3A_327 : vector<1x16xf32> to vector<16xf32>
      %mul3A_329 = vector.broadcast %squeeze3A : f32 to vector<16xf32>
      %mul3A_330 = arith.mulf %get3A_328, %mul3A_329 : vector<16xf32>
      %get3A_331 = arith.constant 0 : i32
      %get3A_332 = arith.index_cast %get3A_331 : i32 to index
      %get3A_333 = arith.index_cast %mul3A_323 : i32 to index
      %get3A_334 = tpu.vector_load %arg11[%get3A_332, %get3A_333] {strides = array<i32>} : memref<32x1024xf32, #tpu.memory_space<vmem>>, vector<1x16xf32>,
      %get3A_335 = vector.shape_cast %get3A_334 : vector<1x16xf32> to vector<16xf32>
      %mul3A_336 = vector.broadcast %squeeze3A_20 : f32 to vector<16xf32>
      %mul3A_337 = arith.mulf %get3A_335, %mul3A_336 : vector<16xf32>
      %add3A_338 = arith.addf %mul3A_330, %mul3A_337 : vector<16xf32>
      %swap3A = arith.constant 0 : i32
      %swap3A_339 = arith.index_cast %swap3A : i32 to index
      %swap3A_340 = arith.index_cast %mul3A_323 : i32 to index
      %swap3A_341 = tpu.vector_load %arg12[%swap3A_339, %swap3A_340] {strides = array<i32>} : memref<32x1024xf32, #tpu.memory_space<vmem>>, vector<1x16xf32>,
      %swap3A_342 = vector.shape_cast %swap3A_341 : vector<1x16xf32> to vector<16xf32>
      %swap3A_343 = vector.shape_cast %add3A_338 : vector<16xf32> to vector<1x16xf32>
      tpu.vector_store %arg12[%swap3A_339, %swap3A_340], %swap3A_343 {strides = array<i32>} : memref<32x1024xf32, #tpu.memory_space<vmem>>, vector<1x16xf32>,
      %get3A_344 = arith.constant 1 : i32
      %get3A_345 = arith.index_cast %get3A_344 : i32 to index
      %get3A_346 = arith.index_cast %mul3A_323 : i32 to index
      %get3A_347 = tpu.vector_load %arg10[%get3A_345, %get3A_346] {strides = array<i32>} : memref<32x1024xf32, #tpu.memory_space<vmem>>, vector<1x16xf32>,
      %get3A_348 = vector.shape_cast %get3A_347 : vector<1x16xf32> to vector<16xf32>
      %mul3A_349 = vector.broadcast %squeeze3A_22 : f32 to vector<16xf32>
      %mul3A_350 = arith.mulf %get3A_348, %mul3A_349 : vector<16xf32>
      %get3A_351 = arith.constant 1 : i32
      %get3A_352 = arith.index_cast %get3A_351 : i32 to index
      %get3A_353 = arith.index_cast %mul3A_323 : i32 to index
      %get3A_354 = tpu.vector_load %arg11[%get3A_352, %get3A_353] {strides = array<i32>} : memref<32x1024xf32, #tpu.memory_space<vmem>>, vector<1x16xf32>,
      %get3A_355 = vector.shape_cast %get3A_354 : vector<1x16xf32> to vector<16xf32>
      %mul3A_356 = vector.broadcast %squeeze3A_24 : f32 to vector<16xf32>
      %mul3A_357 = arith.mulf %get3A_355, %mul3A_356 : vector<16xf32>
      %add3A_358 = arith.addf %mul3A_350, %mul3A_357 : vector<16xf32>
      %swap3A_359 = arith.constant 1 : i32
      %swap3A_360 = arith.index_cast %swap3A_359 : i32 to index
      %swap3A_361 = arith.index_cast %mul3A_323 : i32 to index
      %swap3A_362 = tpu.vector_load %arg12[%swap3A_360, %swap3A_361] {strides = array<i32>} : memref<32x1024xf32, #tpu.memory_space<vmem>>, vector<1x16xf32>,
      %swap3A_363 = vector.shape_cast %swap3A_362 : vector<1x16xf32> to vector<16xf32>
      %swap3A_364 = vector.shape_cast %add3A_358 : vector<16xf32> to vector<1x16xf32>
      tpu.vector_store %arg12[%swap3A_360, %swap3A_361], %swap3A_364 {strides = array<i32>} : memref<32x1024xf32, #tpu.memory_space<vmem>>, vector<1x16xf32>,
      %get3A_365 = arith.constant 2 : i32
      %get3A_366 = arith.index_cast %get3A_365 : i32 to index
      %get3A_367 = arith.index_cast %mul3A_323 : i32 to index
      %get3A_368 = tpu.vector_load %arg10[%get3A_366, %get3A_367] {strides = array<i32>} : memref<32x1024xf32, #tpu.memory_space<vmem>>, vector<1x16xf32>,
      %get3A_369 = vector.shape_cast %get3A_368 : vector<1x16xf32> to vector<16xf32>
      %mul3A_370 = vector.broadcast %squeeze3A_26 : f32 to vector<16xf32>
      %mul3A_371 = arith.mulf %get3A_369, %mul3A_370 : vector<16xf32>
      %get3A_372 = arith.constant 2 : i32
      %get3A_373 = arith.index_cast %get3A_372 : i32 to index
      %get3A_374 = arith.index_cast %mul3A_323 : i32 to index
      %get3A_375 = tpu.vector_load %arg11[%get3A_373, %get3A_374] {strides = array<i32>} : memref<32x1024xf32, #tpu.memory_space<vmem>>, vector<1x16xf32>,
      %get3A_376 = vector.shape_cast %get3A_375 : vector<1x16xf32> to vector<16xf32>
      %mul3A_377 = vector.broadcast %squeeze3A_28 : f32 to vector<16xf32>
      %mul3A_378 = arith.mulf %get3A_376, %mul3A_377 : vector<16xf32>
      %add3A_379 = arith.addf %mul3A_371, %mul3A_378 : vector<16xf32>
      %swap3A_380 = arith.constant 2 : i32
      %swap3A_381 = arith.index_cast %swap3A_380 : i32 to index
      %swap3A_382 = arith.index_cast %mul3A_323 : i32 to index
      %swap3A_383 = tpu.vector_load %arg12[%swap3A_381, %swap3A_382] {strides = array<i32>} : memref<32x1024xf32, #tpu.memory_space<vmem>>, vector<1x16xf32>,
      %swap3A_384 = vector.shape_cast %swap3A_383 : vector<1x16xf32> to vector<16xf32>
      %swap3A_385 = vector.shape_cast %add3A_379 : vector<16xf32> to vector<1x16xf32>
      tpu.vector_store %arg12[%swap3A_381, %swap3A_382], %swap3A_385 {strides = array<i32>} : memref<32x1024xf32, #tpu.memory_space<vmem>>, vector<1x16xf32>,
      %get3A_386 = arith.constant 3 : i32
      %get3A_387 = arith.index_cast %get3A_386 : i32 to index
      %get3A_388 = arith.index_cast %mul3A_323 : i32 to index
      %get3A_389 = tpu.vector_load %arg10[%get3A_387, %get3A_388] {strides = array<i32>} : memref<32x1024xf32, #tpu.memory_space<vmem>>, vector<1x16xf32>,
      %get3A_390 = vector.shape_cast %get3A_389 : vector<1x16xf32> to vector<16xf32>
      %mul3A_391 = vector.broadcast %squeeze3A_30 : f32 to vector<16xf32>
      %mul3A_392 = arith.mulf %get3A_390, %mul3A_391 : vector<16xf32>
      %get3A_393 = arith.constant 3 : i32
      %get3A_394 = arith.index_cast %get3A_393 : i32 to index
      %get3A_395 = arith.index_cast %mul3A_323 : i32 to index
      %get3A_396 = tpu.vector_load %arg11[%get3A_394, %get3A_395] {strides = array<i32>} : memref<32x1024xf32, #tpu.memory_space<vmem>>, vector<1x16xf32>,
      %get3A_397 = vector.shape_cast %get3A_396 : vector<1x16xf32> to vector<16xf32>
      %mul3A_398 = vector.broadcast %squeeze3A_32 : f32 to vector<16xf32>
      %mul3A_399 = arith.mulf %get3A_397, %mul3A_398 : vector<16xf32>
      %add3A_400 = arith.addf %mul3A_392, %mul3A_399 : vector<16xf32>
      %swap3A_401 = arith.constant 3 : i32
      %swap3A_402 = arith.index_cast %swap3A_401 : i32 to index
      %swap3A_403 = arith.index_cast %mul3A_323 : i32 to index
      %swap3A_404 = tpu.vector_load %arg12[%swap3A_402, %swap3A_403] {strides = array<i32>} : memref<32x1024xf32, #tpu.memory_space<vmem>>, vector<1x16xf32>,
      %swap3A_405 = vector.shape_cast %swap3A_404 : vector<1x16xf32> to vector<16xf32>
      %swap3A_406 = vector.shape_cast %add3A_400 : vector<16xf32> to vector<1x16xf32>
      tpu.vector_store %arg12[%swap3A_402, %swap3A_403], %swap3A_406 {strides = array<i32>} : memref<32x1024xf32, #tpu.memory_space<vmem>>, vector<1x16xf32>,
      %get3A_407 = arith.constant 4 : i32
      %get3A_408 = arith.index_cast %get3A_407 : i32 to index
      %get3A_409 = arith.index_cast %mul3A_323 : i32 to index
      %get3A_410 = tpu.vector_load %arg10[%get3A_408, %get3A_409] {strides = array<i32>} : memref<32x1024xf32, #tpu.memory_space<vmem>>, vector<1x16xf32>,
      %get3A_411 = vector.shape_cast %get3A_410 : vector<1x16xf32> to vector<16xf32>
      %mul3A_412 = vector.broadcast %squeeze3A_34 : f32 to vector<16xf32>
      %mul3A_413 = arith.mulf %get3A_411, %mul3A_412 : vector<16xf32>
      %get3A_414 = arith.constant 4 : i32
      %get3A_415 = arith.index_cast %get3A_414 : i32 to index
      %get3A_416 = arith.index_cast %mul3A_323 : i32 to index
      %get3A_417 = tpu.vector_load %arg11[%get3A_415, %get3A_416] {strides = array<i32>} : memref<32x1024xf32, #tpu.memory_space<vmem>>, vector<1x16xf32>,
      %get3A_418 = vector.shape_cast %get3A_417 : vector<1x16xf32> to vector<16xf32>
      %mul3A_419 = vector.broadcast %squeeze3A_36 : f32 to vector<16xf32>
      %mul3A_420 = arith.mulf %get3A_418, %mul3A_419 : vector<16xf32>
      %add3A_421 = arith.addf %mul3A_413, %mul3A_420 : vector<16xf32>
      %swap3A_422 = arith.constant 4 : i32
      %swap3A_423 = arith.index_cast %swap3A_422 : i32 to index
      %swap3A_424 = arith.index_cast %mul3A_323 : i32 to index
      %swap3A_425 = tpu.vector_load %arg12[%swap3A_423, %swap3A_424] {strides = array<i32>} : memref<32x1024xf32, #tpu.memory_space<vmem>>, vector<1x16xf32>,
      %swap3A_426 = vector.shape_cast %swap3A_425 : vector<1x16xf32> to vector<16xf32>
      %swap3A_427 = vector.shape_cast %add3A_421 : vector<16xf32> to vector<1x16xf32>
      tpu.vector_store %arg12[%swap3A_423, %swap3A_424], %swap3A_427 {strides = array<i32>} : memref<32x1024xf32, #tpu.memory_space<vmem>>, vector<1x16xf32>,
      %get3A_428 = arith.constant 5 : i32
      %get3A_429 = arith.index_cast %get3A_428 : i32 to index
      %get3A_430 = arith.index_cast %mul3A_323 : i32 to index
      %get3A_431 = tpu.vector_load %arg10[%get3A_429, %get3A_430] {strides = array<i32>} : memref<32x1024xf32, #tpu.memory_space<vmem>>, vector<1x16xf32>,
      %get3A_432 = vector.shape_cast %get3A_431 : vector<1x16xf32> to vector<16xf32>
      %mul3A_433 = vector.broadcast %squeeze3A_38 : f32 to vector<16xf32>
      %mul3A_434 = arith.mulf %get3A_432, %mul3A_433 : vector<16xf32>
      %get3A_435 = arith.constant 5 : i32
      %get3A_436 = arith.index_cast %get3A_435 : i32 to index
      %get3A_437 = arith.index_cast %mul3A_323 : i32 to index
      %get3A_438 = tpu.vector_load %arg11[%get3A_436, %get3A_437] {strides = array<i32>} : memref<32x1024xf32, #tpu.memory_space<vmem>>, vector<1x16xf32>,
      %get3A_439 = vector.shape_cast %get3A_438 : vector<1x16xf32> to vector<16xf32>
      %mul3A_440 = vector.broadcast %squeeze3A_40 : f32 to vector<16xf32>
      %mul3A_441 = arith.mulf %get3A_439, %mul3A_440 : vector<16xf32>
      %add3A_442 = arith.addf %mul3A_434, %mul3A_441 : vector<16xf32>
      %swap3A_443 = arith.constant 5 : i32
      %swap3A_444 = arith.index_cast %swap3A_443 : i32 to index
      %swap3A_445 = arith.index_cast %mul3A_323 : i32 to index
      %swap3A_446 = tpu.vector_load %arg12[%swap3A_444, %swap3A_445] {strides = array<i32>} : memref<32x1024xf32, #tpu.memory_space<vmem>>, vector<1x16xf32>,
      %swap3A_447 = vector.shape_cast %swap3A_446 : vector<1x16xf32> to vector<16xf32>
      %swap3A_448 = vector.shape_cast %add3A_442 : vector<16xf32> to vector<1x16xf32>
      tpu.vector_store %arg12[%swap3A_444, %swap3A_445], %swap3A_448 {strides = array<i32>} : memref<32x1024xf32, #tpu.memory_space<vmem>>, vector<1x16xf32>,
      %get3A_449 = arith.constant 6 : i32
      %get3A_450 = arith.index_cast %get3A_449 : i32 to index
      %get3A_451 = arith.index_cast %mul3A_323 : i32 to index
      %get3A_452 = tpu.vector_load %arg10[%get3A_450, %get3A_451] {strides = array<i32>} : memref<32x1024xf32, #tpu.memory_space<vmem>>, vector<1x16xf32>,
      %get3A_453 = vector.shape_cast %get3A_452 : vector<1x16xf32> to vector<16xf32>
      %mul3A_454 = vector.broadcast %squeeze3A_42 : f32 to vector<16xf32>
      %mul3A_455 = arith.mulf %get3A_453, %mul3A_454 : vector<16xf32>
      %get3A_456 = arith.constant 6 : i32
      %get3A_457 = arith.index_cast %get3A_456 : i32 to index
      %get3A_458 = arith.index_cast %mul3A_323 : i32 to index
      %get3A_459 = tpu.vector_load %arg11[%get3A_457, %get3A_458] {strides = array<i32>} : memref<32x1024xf32, #tpu.memory_space<vmem>>, vector<1x16xf32>,
      %get3A_460 = vector.shape_cast %get3A_459 : vector<1x16xf32> to vector<16xf32>
      %mul3A_461 = vector.broadcast %squeeze3A_44 : f32 to vector<16xf32>
      %mul3A_462 = arith.mulf %get3A_460, %mul3A_461 : vector<16xf32>
      %add3A_463 = arith.addf %mul3A_455, %mul3A_462 : vector<16xf32>
      %swap3A_464 = arith.constant 6 : i32
      %swap3A_465 = arith.index_cast %swap3A_464 : i32 to index
      %swap3A_466 = arith.index_cast %mul3A_323 : i32 to index
      %swap3A_467 = tpu.vector_load %arg12[%swap3A_465, %swap3A_466] {strides = array<i32>} : memref<32x1024xf32, #tpu.memory_space<vmem>>, vector<1x16xf32>,
      %swap3A_468 = vector.shape_cast %swap3A_467 : vector<1x16xf32> to vector<16xf32>
      %swap3A_469 = vector.shape_cast %add3A_463 : vector<16xf32> to vector<1x16xf32>
      tpu.vector_store %arg12[%swap3A_465, %swap3A_466], %swap3A_469 {strides = array<i32>} : memref<32x1024xf32, #tpu.memory_space<vmem>>, vector<1x16xf32>,
      %get3A_470 = arith.constant 7 : i32
      %get3A_471 = arith.index_cast %get3A_470 : i32 to index
      %get3A_472 = arith.index_cast %mul3A_323 : i32 to index
      %get3A_473 = tpu.vector_load %arg10[%get3A_471, %get3A_472] {strides = array<i32>} : memref<32x1024xf32, #tpu.memory_space<vmem>>, vector<1x16xf32>,
      %get3A_474 = vector.shape_cast %get3A_473 : vector<1x16xf32> to vector<16xf32>
      %mul3A_475 = vector.broadcast %squeeze3A_46 : f32 to vector<16xf32>
      %mul3A_476 = arith.mulf %get3A_474, %mul3A_475 : vector<16xf32>
      %get3A_477 = arith.constant 7 : i32
      %get3A_478 = arith.index_cast %get3A_477 : i32 to index
      %get3A_479 = arith.index_cast %mul3A_323 : i32 to index
      %get3A_480 = tpu.vector_load %arg11[%get3A_478, %get3A_479] {strides = array<i32>} : memref<32x1024xf32, #tpu.memory_space<vmem>>, vector<1x16xf32>,
      %get3A_481 = vector.shape_cast %get3A_480 : vector<1x16xf32> to vector<16xf32>
      %mul3A_482 = vector.broadcast %squeeze3A_48 : f32 to vector<16xf32>
      %mul3A_483 = arith.mulf %get3A_481, %mul3A_482 : vector<16xf32>
      %add3A_484 = arith.addf %mul3A_476, %mul3A_483 : vector<16xf32>
      %swap3A_485 = arith.constant 7 : i32
      %swap3A_486 = arith.index_cast %swap3A_485 : i32 to index
      %swap3A_487 = arith.index_cast %mul3A_323 : i32 to index
      %swap3A_488 = tpu.vector_load %arg12[%swap3A_486, %swap3A_487] {strides = array<i32>} : memref<32x1024xf32, #tpu.memory_space<vmem>>, vector<1x16xf32>,
      %swap3A_489 = vector.shape_cast %swap3A_488 : vector<1x16xf32> to vector<16xf32>
      %swap3A_490 = vector.shape_cast %add3A_484 : vector<16xf32> to vector<1x16xf32>
      tpu.vector_store %arg12[%swap3A_486, %swap3A_487], %swap3A_490 {strides = array<i32>} : memref<32x1024xf32, #tpu.memory_space<vmem>>, vector<1x16xf32>,
      %get3A_491 = arith.constant 8 : i32
      %get3A_492 = arith.index_cast %get3A_491 : i32 to index
      %get3A_493 = arith.index_cast %mul3A_323 : i32 to index
      %get3A_494 = tpu.vector_load %arg10[%get3A_492, %get3A_493] {strides = array<i32>} : memref<32x1024xf32, #tpu.memory_space<vmem>>, vector<1x16xf32>,
      %get3A_495 = vector.shape_cast %get3A_494 : vector<1x16xf32> to vector<16xf32>
      %mul3A_496 = vector.broadcast %squeeze3A_53 : f32 to vector<16xf32>
      %mul3A_497 = arith.mulf %get3A_495, %mul3A_496 : vector<16xf32>
      %get3A_498 = arith.constant 8 : i32
      %get3A_499 = arith.index_cast %get3A_498 : i32 to index
      %get3A_500 = arith.index_cast %mul3A_323 : i32 to index
      %get3A_501 = tpu.vector_load %arg11[%get3A_499, %get3A_500] {strides = array<i32>} : memref<32x1024xf32, #tpu.memory_space<vmem>>, vector<1x16xf32>,
      %get3A_502 = vector.shape_cast %get3A_501 : vector<1x16xf32> to vector<16xf32>
      %mul3A_503 = vector.broadcast %squeeze3A_55 : f32 to vector<16xf32>
      %mul3A_504 = arith.mulf %get3A_502, %mul3A_503 : vector<16xf32>
      %add3A_505 = arith.addf %mul3A_497, %mul3A_504 : vector<16xf32>
      %swap3A_506 = arith.constant 8 : i32
      %swap3A_507 = arith.index_cast %swap3A_506 : i32 to index
      %swap3A_508 = arith.index_cast %mul3A_323 : i32 to index
      %swap3A_509 = tpu.vector_load %arg12[%swap3A_507, %swap3A_508] {strides = array<i32>} : memref<32x1024xf32, #tpu.memory_space<vmem>>, vector<1x16xf32>,
      %swap3A_510 = vector.shape_cast %swap3A_509 : vector<1x16xf32> to vector<16xf32>
      %swap3A_511 = vector.shape_cast %add3A_505 : vector<16xf32> to vector<1x16xf32>
      tpu.vector_store %arg12[%swap3A_507, %swap3A_508], %swap3A_511 {strides = array<i32>} : memref<32x1024xf32, #tpu.memory_space<vmem>>, vector<1x16xf32>,
      %get3A_512 = arith.constant 9 : i32
      %get3A_513 = arith.index_cast %get3A_512 : i32 to index
      %get3A_514 = arith.index_cast %mul3A_323 : i32 to index
      %get3A_515 = tpu.vector_load %arg10[%get3A_513, %get3A_514] {strides = array<i32>} : memref<32x1024xf32, #tpu.memory_space<vmem>>, vector<1x16xf32>,
      %get3A_516 = vector.shape_cast %get3A_515 : vector<1x16xf32> to vector<16xf32>
      %mul3A_517 = vector.broadcast %squeeze3A_57 : f32 to vector<16xf32>
      %mul3A_518 = arith.mulf %get3A_516, %mul3A_517 : vector<16xf32>
      %get3A_519 = arith.constant 9 : i32
      %get3A_520 = arith.index_cast %get3A_519 : i32 to index
      %get3A_521 = arith.index_cast %mul3A_323 : i32 to index
      %get3A_522 = tpu.vector_load %arg11[%get3A_520, %get3A_521] {strides = array<i32>} : memref<32x1024xf32, #tpu.memory_space<vmem>>, vector<1x16xf32>,
      %get3A_523 = vector.shape_cast %get3A_522 : vector<1x16xf32> to vector<16xf32>
      %mul3A_524 = vector.broadcast %squeeze3A_59 : f32 to vector<16xf32>
      %mul3A_525 = arith.mulf %get3A_523, %mul3A_524 : vector<16xf32>
      %add3A_526 = arith.addf %mul3A_518, %mul3A_525 : vector<16xf32>
      %swap3A_527 = arith.constant 9 : i32
      %swap3A_528 = arith.index_cast %swap3A_527 : i32 to index
      %swap3A_529 = arith.index_cast %mul3A_323 : i32 to index
      %swap3A_530 = tpu.vector_load %arg12[%swap3A_528, %swap3A_529] {strides = array<i32>} : memref<32x1024xf32, #tpu.memory_space<vmem>>, vector<1x16xf32>,
      %swap3A_531 = vector.shape_cast %swap3A_530 : vector<1x16xf32> to vector<16xf32>
      %swap3A_532 = vector.shape_cast %add3A_526 : vector<16xf32> to vector<1x16xf32>
      tpu.vector_store %arg12[%swap3A_528, %swap3A_529], %swap3A_532 {strides = array<i32>} : memref<32x1024xf32, #tpu.memory_space<vmem>>, vector<1x16xf32>,
      %get3A_533 = arith.constant 10 : i32
      %get3A_534 = arith.index_cast %get3A_533 : i32 to index
      %get3A_535 = arith.index_cast %mul3A_323 : i32 to index
      %get3A_536 = tpu.vector_load %arg10[%get3A_534, %get3A_535] {strides = array<i32>} : memref<32x1024xf32, #tpu.memory_space<vmem>>, vector<1x16xf32>,
      %get3A_537 = vector.shape_cast %get3A_536 : vector<1x16xf32> to vector<16xf32>
      %mul3A_538 = vector.broadcast %squeeze3A_61 : f32 to vector<16xf32>
      %mul3A_539 = arith.mulf %get3A_537, %mul3A_538 : vector<16xf32>
      %get3A_540 = arith.constant 10 : i32
      %get3A_541 = arith.index_cast %get3A_540 : i32 to index
      %get3A_542 = arith.index_cast %mul3A_323 : i32 to index
      %get3A_543 = tpu.vector_load %arg11[%get3A_541, %get3A_542] {strides = array<i32>} : memref<32x1024xf32, #tpu.memory_space<vmem>>, vector<1x16xf32>,
      %get3A_544 = vector.shape_cast %get3A_543 : vector<1x16xf32> to vector<16xf32>
      %mul3A_545 = vector.broadcast %squeeze3A_63 : f32 to vector<16xf32>
      %mul3A_546 = arith.mulf %get3A_544, %mul3A_545 : vector<16xf32>
      %add3A_547 = arith.addf %mul3A_539, %mul3A_546 : vector<16xf32>
      %swap3A_548 = arith.constant 10 : i32
      %swap3A_549 = arith.index_cast %swap3A_548 : i32 to index
      %swap3A_550 = arith.index_cast %mul3A_323 : i32 to index
      %swap3A_551 = tpu.vector_load %arg12[%swap3A_549, %swap3A_550] {strides = array<i32>} : memref<32x1024xf32, #tpu.memory_space<vmem>>, vector<1x16xf32>,
      %swap3A_552 = vector.shape_cast %swap3A_551 : vector<1x16xf32> to vector<16xf32>
      %swap3A_553 = vector.shape_cast %add3A_547 : vector<16xf32> to vector<1x16xf32>
      tpu.vector_store %arg12[%swap3A_549, %swap3A_550], %swap3A_553 {strides = array<i32>} : memref<32x1024xf32, #tpu.memory_space<vmem>>, vector<1x16xf32>,
      %get3A_554 = arith.constant 11 : i32
      %get3A_555 = arith.index_cast %get3A_554 : i32 to index
      %get3A_556 = arith.index_cast %mul3A_323 : i32 to index
      %get3A_557 = tpu.vector_load %arg10[%get3A_555, %get3A_556] {strides = array<i32>} : memref<32x1024xf32, #tpu.memory_space<vmem>>, vector<1x16xf32>,
      %get3A_558 = vector.shape_cast %get3A_557 : vector<1x16xf32> to vector<16xf32>
      %mul3A_559 = vector.broadcast %squeeze3A_65 : f32 to vector<16xf32>
      %mul3A_560 = arith.mulf %get3A_558, %mul3A_559 : vector<16xf32>
      %get3A_561 = arith.constant 11 : i32
      %get3A_562 = arith.index_cast %get3A_561 : i32 to index
      %get3A_563 = arith.index_cast %mul3A_323 : i32 to index
      %get3A_564 = tpu.vector_load %arg11[%get3A_562, %get3A_563] {strides = array<i32>} : memref<32x1024xf32, #tpu.memory_space<vmem>>, vector<1x16xf32>,
      %get3A_565 = vector.shape_cast %get3A_564 : vector<1x16xf32> to vector<16xf32>
      %mul3A_566 = vector.broadcast %squeeze3A_67 : f32 to vector<16xf32>
      %mul3A_567 = arith.mulf %get3A_565, %mul3A_566 : vector<16xf32>
      %add3A_568 = arith.addf %mul3A_560, %mul3A_567 : vector<16xf32>
      %swap3A_569 = arith.constant 11 : i32
      %swap3A_570 = arith.index_cast %swap3A_569 : i32 to index
      %swap3A_571 = arith.index_cast %mul3A_323 : i32 to index
      %swap3A_572 = tpu.vector_load %arg12[%swap3A_570, %swap3A_571] {strides = array<i32>} : memref<32x1024xf32, #tpu.memory_space<vmem>>, vector<1x16xf32>,
      %swap3A_573 = vector.shape_cast %swap3A_572 : vector<1x16xf32> to vector<16xf32>
      %swap3A_574 = vector.shape_cast %add3A_568 : vector<16xf32> to vector<1x16xf32>
      tpu.vector_store %arg12[%swap3A_570, %swap3A_571], %swap3A_574 {strides = array<i32>} : memref<32x1024xf32, #tpu.memory_space<vmem>>, vector<1x16xf32>,
      %get3A_575 = arith.constant 12 : i32
      %get3A_576 = arith.index_cast %get3A_575 : i32 to index
      %get3A_577 = arith.index_cast %mul3A_323 : i32 to index
      %get3A_578 = tpu.vector_load %arg10[%get3A_576, %get3A_577] {strides = array<i32>} : memref<32x1024xf32, #tpu.memory_space<vmem>>, vector<1x16xf32>,
      %get3A_579 = vector.shape_cast %get3A_578 : vector<1x16xf32> to vector<16xf32>
      %mul3A_580 = vector.broadcast %squeeze3A_69 : f32 to vector<16xf32>
      %mul3A_581 = arith.mulf %get3A_579, %mul3A_580 : vector<16xf32>
      %get3A_582 = arith.constant 12 : i32
      %get3A_583 = arith.index_cast %get3A_582 : i32 to index
      %get3A_584 = arith.index_cast %mul3A_323 : i32 to index
      %get3A_585 = tpu.vector_load %arg11[%get3A_583, %get3A_584] {strides = array<i32>} : memref<32x1024xf32, #tpu.memory_space<vmem>>, vector<1x16xf32>,
      %get3A_586 = vector.shape_cast %get3A_585 : vector<1x16xf32> to vector<16xf32>
      %mul3A_587 = vector.broadcast %squeeze3A_71 : f32 to vector<16xf32>
      %mul3A_588 = arith.mulf %get3A_586, %mul3A_587 : vector<16xf32>
      %add3A_589 = arith.addf %mul3A_581, %mul3A_588 : vector<16xf32>
      %swap3A_590 = arith.constant 12 : i32
      %swap3A_591 = arith.index_cast %swap3A_590 : i32 to index
      %swap3A_592 = arith.index_cast %mul3A_323 : i32 to index
      %swap3A_593 = tpu.vector_load %arg12[%swap3A_591, %swap3A_592] {strides = array<i32>} : memref<32x1024xf32, #tpu.memory_space<vmem>>, vector<1x16xf32>,
      %swap3A_594 = vector.shape_cast %swap3A_593 : vector<1x16xf32> to vector<16xf32>
      %swap3A_595 = vector.shape_cast %add3A_589 : vector<16xf32> to vector<1x16xf32>
      tpu.vector_store %arg12[%swap3A_591, %swap3A_592], %swap3A_595 {strides = array<i32>} : memref<32x1024xf32, #tpu.memory_space<vmem>>, vector<1x16xf32>,
      %get3A_596 = arith.constant 13 : i32
      %get3A_597 = arith.index_cast %get3A_596 : i32 to index
      %get3A_598 = arith.index_cast %mul3A_323 : i32 to index
      %get3A_599 = tpu.vector_load %arg10[%get3A_597, %get3A_598] {strides = array<i32>} : memref<32x1024xf32, #tpu.memory_space<vmem>>, vector<1x16xf32>,
      %get3A_600 = vector.shape_cast %get3A_599 : vector<1x16xf32> to vector<16xf32>
      %mul3A_601 = vector.broadcast %squeeze3A_73 : f32 to vector<16xf32>
      %mul3A_602 = arith.mulf %get3A_600, %mul3A_601 : vector<16xf32>
      %get3A_603 = arith.constant 13 : i32
      %get3A_604 = arith.index_cast %get3A_603 : i32 to index
      %get3A_605 = arith.index_cast %mul3A_323 : i32 to index
      %get3A_606 = tpu.vector_load %arg11[%get3A_604, %get3A_605] {strides = array<i32>} : memref<32x1024xf32, #tpu.memory_space<vmem>>, vector<1x16xf32>,
      %get3A_607 = vector.shape_cast %get3A_606 : vector<1x16xf32> to vector<16xf32>
      %mul3A_608 = vector.broadcast %squeeze3A_75 : f32 to vector<16xf32>
      %mul3A_609 = arith.mulf %get3A_607, %mul3A_608 : vector<16xf32>
      %add3A_610 = arith.addf %mul3A_602, %mul3A_609 : vector<16xf32>
      %swap3A_611 = arith.constant 13 : i32
      %swap3A_612 = arith.index_cast %swap3A_611 : i32 to index
      %swap3A_613 = arith.index_cast %mul3A_323 : i32 to index
      %swap3A_614 = tpu.vector_load %arg12[%swap3A_612, %swap3A_613] {strides = array<i32>} : memref<32x1024xf32, #tpu.memory_space<vmem>>, vector<1x16xf32>,
      %swap3A_615 = vector.shape_cast %swap3A_614 : vector<1x16xf32> to vector<16xf32>
      %swap3A_616 = vector.shape_cast %add3A_610 : vector<16xf32> to vector<1x16xf32>
      tpu.vector_store %arg12[%swap3A_612, %swap3A_613], %swap3A_616 {strides = array<i32>} : memref<32x1024xf32, #tpu.memory_space<vmem>>, vector<1x16xf32>,
      %get3A_617 = arith.constant 14 : i32
      %get3A_618 = arith.index_cast %get3A_617 : i32 to index
      %get3A_619 = arith.index_cast %mul3A_323 : i32 to index
      %get3A_620 = tpu.vector_load %arg10[%get3A_618, %get3A_619] {strides = array<i32>} : memref<32x1024xf32, #tpu.memory_space<vmem>>, vector<1x16xf32>,
      %get3A_621 = vector.shape_cast %get3A_620 : vector<1x16xf32> to vector<16xf32>
      %mul3A_622 = vector.broadcast %squeeze3A_77 : f32 to vector<16xf32>
      %mul3A_623 = arith.mulf %get3A_621, %mul3A_622 : vector<16xf32>
      %get3A_624 = arith.constant 14 : i32
      %get3A_625 = arith.index_cast %get3A_624 : i32 to index
      %get3A_626 = arith.index_cast %mul3A_323 : i32 to index
      %get3A_627 = tpu.vector_load %arg11[%get3A_625, %get3A_626] {strides = array<i32>} : memref<32x1024xf32, #tpu.memory_space<vmem>>, vector<1x16xf32>,
      %get3A_628 = vector.shape_cast %get3A_627 : vector<1x16xf32> to vector<16xf32>
      %mul3A_629 = vector.broadcast %squeeze3A_79 : f32 to vector<16xf32>
      %mul3A_630 = arith.mulf %get3A_628, %mul3A_629 : vector<16xf32>
      %add3A_631 = arith.addf %mul3A_623, %mul3A_630 : vector<16xf32>
      %swap3A_632 = arith.constant 14 : i32
      %swap3A_633 = arith.index_cast %swap3A_632 : i32 to index
      %swap3A_634 = arith.index_cast %mul3A_323 : i32 to index
      %swap3A_635 = tpu.vector_load %arg12[%swap3A_633, %swap3A_634] {strides = array<i32>} : memref<32x1024xf32, #tpu.memory_space<vmem>>, vector<1x16xf32>,
      %swap3A_636 = vector.shape_cast %swap3A_635 : vector<1x16xf32> to vector<16xf32>
      %swap3A_637 = vector.shape_cast %add3A_631 : vector<16xf32> to vector<1x16xf32>
      tpu.vector_store %arg12[%swap3A_633, %swap3A_634], %swap3A_637 {strides = array<i32>} : memref<32x1024xf32, #tpu.memory_space<vmem>>, vector<1x16xf32>,
      %get3A_638 = arith.constant 15 : i32
      %get3A_639 = arith.index_cast %get3A_638 : i32 to index
      %get3A_640 = arith.index_cast %mul3A_323 : i32 to index
      %get3A_641 = tpu.vector_load %arg10[%get3A_639, %get3A_640] {strides = array<i32>} : memref<32x1024xf32, #tpu.memory_space<vmem>>, vector<1x16xf32>,
      %get3A_642 = vector.shape_cast %get3A_641 : vector<1x16xf32> to vector<16xf32>
      %mul3A_643 = vector.broadcast %squeeze3A_81 : f32 to vector<16xf32>
      %mul3A_644 = arith.mulf %get3A_642, %mul3A_643 : vector<16xf32>
      %get3A_645 = arith.constant 15 : i32
      %get3A_646 = arith.index_cast %get3A_645 : i32 to index
      %get3A_647 = arith.index_cast %mul3A_323 : i32 to index
      %get3A_648 = tpu.vector_load %arg11[%get3A_646, %get3A_647] {strides = array<i32>} : memref<32x1024xf32, #tpu.memory_space<vmem>>, vector<1x16xf32>,
      %get3A_649 = vector.shape_cast %get3A_648 : vector<1x16xf32> to vector<16xf32>
      %mul3A_650 = vector.broadcast %squeeze3A_83 : f32 to vector<16xf32>
      %mul3A_651 = arith.mulf %get3A_649, %mul3A_650 : vector<16xf32>
      %add3A_652 = arith.addf %mul3A_644, %mul3A_651 : vector<16xf32>
      %swap3A_653 = arith.constant 15 : i32
      %swap3A_654 = arith.index_cast %swap3A_653 : i32 to index
      %swap3A_655 = arith.index_cast %mul3A_323 : i32 to index
      %swap3A_656 = tpu.vector_load %arg12[%swap3A_654, %swap3A_655] {strides = array<i32>} : memref<32x1024xf32, #tpu.memory_space<vmem>>, vector<1x16xf32>,
      %swap3A_657 = vector.shape_cast %swap3A_656 : vector<1x16xf32> to vector<16xf32>
      %swap3A_658 = vector.shape_cast %add3A_652 : vector<16xf32> to vector<1x16xf32>
      tpu.vector_store %arg12[%swap3A_654, %swap3A_655], %swap3A_658 {strides = array<i32>} : memref<32x1024xf32, #tpu.memory_space<vmem>>, vector<1x16xf32>,
      %get3A_659 = arith.constant 16 : i32
      %get3A_660 = arith.index_cast %get3A_659 : i32 to index
      %get3A_661 = arith.index_cast %mul3A_323 : i32 to index
      %get3A_662 = tpu.vector_load %arg10[%get3A_660, %get3A_661] {strides = array<i32>} : memref<32x1024xf32, #tpu.memory_space<vmem>>, vector<1x16xf32>,
      %get3A_663 = vector.shape_cast %get3A_662 : vector<1x16xf32> to vector<16xf32>
      %mul3A_664 = vector.broadcast %squeeze3A_88 : f32 to vector<16xf32>
      %mul3A_665 = arith.mulf %get3A_663, %mul3A_664 : vector<16xf32>
      %get3A_666 = arith.constant 16 : i32
      %get3A_667 = arith.index_cast %get3A_666 : i32 to index
      %get3A_668 = arith.index_cast %mul3A_323 : i32 to index
      %get3A_669 = tpu.vector_load %arg11[%get3A_667, %get3A_668] {strides = array<i32>} : memref<32x1024xf32, #tpu.memory_space<vmem>>, vector<1x16xf32>,
      %get3A_670 = vector.shape_cast %get3A_669 : vector<1x16xf32> to vector<16xf32>
      %mul3A_671 = vector.broadcast %squeeze3A_90 : f32 to vector<16xf32>
      %mul3A_672 = arith.mulf %get3A_670, %mul3A_671 : vector<16xf32>
      %add3A_673 = arith.addf %mul3A_665, %mul3A_672 : vector<16xf32>
      %swap3A_674 = arith.constant 16 : i32
      %swap3A_675 = arith.index_cast %swap3A_674 : i32 to index
      %swap3A_676 = arith.index_cast %mul3A_323 : i32 to index
      %swap3A_677 = tpu.vector_load %arg12[%swap3A_675, %swap3A_676] {strides = array<i32>} : memref<32x1024xf32, #tpu.memory_space<vmem>>, vector<1x16xf32>,
      %swap3A_678 = vector.shape_cast %swap3A_677 : vector<1x16xf32> to vector<16xf32>
      %swap3A_679 = vector.shape_cast %add3A_673 : vector<16xf32> to vector<1x16xf32>
      tpu.vector_store %arg12[%swap3A_675, %swap3A_676], %swap3A_679 {strides = array<i32>} : memref<32x1024xf32, #tpu.memory_space<vmem>>, vector<1x16xf32>,
      %get3A_680 = arith.constant 17 : i32
      %get3A_681 = arith.index_cast %get3A_680 : i32 to index
      %get3A_682 = arith.index_cast %mul3A_323 : i32 to index
      %get3A_683 = tpu.vector_load %arg10[%get3A_681, %get3A_682] {strides = array<i32>} : memref<32x1024xf32, #tpu.memory_space<vmem>>, vector<1x16xf32>,
      %get3A_684 = vector.shape_cast %get3A_683 : vector<1x16xf32> to vector<16xf32>
      %mul3A_685 = vector.broadcast %squeeze3A_92 : f32 to vector<16xf32>
      %mul3A_686 = arith.mulf %get3A_684, %mul3A_685 : vector<16xf32>
      %get3A_687 = arith.constant 17 : i32
      %get3A_688 = arith.index_cast %get3A_687 : i32 to index
      %get3A_689 = arith.index_cast %mul3A_323 : i32 to index
      %get3A_690 = tpu.vector_load %arg11[%get3A_688, %get3A_689] {strides = array<i32>} : memref<32x1024xf32, #tpu.memory_space<vmem>>, vector<1x16xf32>,
      %get3A_691 = vector.shape_cast %get3A_690 : vector<1x16xf32> to vector<16xf32>
      %mul3A_692 = vector.broadcast %squeeze3A_94 : f32 to vector<16xf32>
      %mul3A_693 = arith.mulf %get3A_691, %mul3A_692 : vector<16xf32>
      %add3A_694 = arith.addf %mul3A_686, %mul3A_693 : vector<16xf32>
      %swap3A_695 = arith.constant 17 : i32
      %swap3A_696 = arith.index_cast %swap3A_695 : i32 to index
      %swap3A_697 = arith.index_cast %mul3A_323 : i32 to index
      %swap3A_698 = tpu.vector_load %arg12[%swap3A_696, %swap3A_697] {strides = array<i32>} : memref<32x1024xf32, #tpu.memory_space<vmem>>, vector<1x16xf32>,
      %swap3A_699 = vector.shape_cast %swap3A_698 : vector<1x16xf32> to vector<16xf32>
      %swap3A_700 = vector.shape_cast %add3A_694 : vector<16xf32> to vector<1x16xf32>
      tpu.vector_store %arg12[%swap3A_696, %swap3A_697], %swap3A_700 {strides = array<i32>} : memref<32x1024xf32, #tpu.memory_space<vmem>>, vector<1x16xf32>,
      %get3A_701 = arith.constant 18 : i32
      %get3A_702 = arith.index_cast %get3A_701 : i32 to index
      %get3A_703 = arith.index_cast %mul3A_323 : i32 to index
      %get3A_704 = tpu.vector_load %arg10[%get3A_702, %get3A_703] {strides = array<i32>} : memref<32x1024xf32, #tpu.memory_space<vmem>>, vector<1x16xf32>,
      %get3A_705 = vector.shape_cast %get3A_704 : vector<1x16xf32> to vector<16xf32>
      %mul3A_706 = vector.broadcast %squeeze3A_96 : f32 to vector<16xf32>
      %mul3A_707 = arith.mulf %get3A_705, %mul3A_706 : vector<16xf32>
      %get3A_708 = arith.constant 18 : i32
      %get3A_709 = arith.index_cast %get3A_708 : i32 to index
      %get3A_710 = arith.index_cast %mul3A_323 : i32 to index
      %get3A_711 = tpu.vector_load %arg11[%get3A_709, %get3A_710] {strides = array<i32>} : memref<32x1024xf32, #tpu.memory_space<vmem>>, vector<1x16xf32>,
      %get3A_712 = vector.shape_cast %get3A_711 : vector<1x16xf32> to vector<16xf32>
      %mul3A_713 = vector.broadcast %squeeze3A_98 : f32 to vector<16xf32>
      %mul3A_714 = arith.mulf %get3A_712, %mul3A_713 : vector<16xf32>
      %add3A_715 = arith.addf %mul3A_707, %mul3A_714 : vector<16xf32>
      %swap3A_716 = arith.constant 18 : i32
      %swap3A_717 = arith.index_cast %swap3A_716 : i32 to index
      %swap3A_718 = arith.index_cast %mul3A_323 : i32 to index
      %swap3A_719 = tpu.vector_load %arg12[%swap3A_717, %swap3A_718] {strides = array<i32>} : memref<32x1024xf32, #tpu.memory_space<vmem>>, vector<1x16xf32>,
      %swap3A_720 = vector.shape_cast %swap3A_719 : vector<1x16xf32> to vector<16xf32>
      %swap3A_721 = vector.shape_cast %add3A_715 : vector<16xf32> to vector<1x16xf32>
      tpu.vector_store %arg12[%swap3A_717, %swap3A_718], %swap3A_721 {strides = array<i32>} : memref<32x1024xf32, #tpu.memory_space<vmem>>, vector<1x16xf32>,
      %get3A_722 = arith.constant 19 : i32
      %get3A_723 = arith.index_cast %get3A_722 : i32 to index
      %get3A_724 = arith.index_cast %mul3A_323 : i32 to index
      %get3A_725 = tpu.vector_load %arg10[%get3A_723, %get3A_724] {strides = array<i32>} : memref<32x1024xf32, #tpu.memory_space<vmem>>, vector<1x16xf32>,
      %get3A_726 = vector.shape_cast %get3A_725 : vector<1x16xf32> to vector<16xf32>
      %mul3A_727 = vector.broadcast %squeeze3A_100 : f32 to vector<16xf32>
      %mul3A_728 = arith.mulf %get3A_726, %mul3A_727 : vector<16xf32>
      %get3A_729 = arith.constant 19 : i32
      %get3A_730 = arith.index_cast %get3A_729 : i32 to index
      %get3A_731 = arith.index_cast %mul3A_323 : i32 to index
      %get3A_732 = tpu.vector_load %arg11[%get3A_730, %get3A_731] {strides = array<i32>} : memref<32x1024xf32, #tpu.memory_space<vmem>>, vector<1x16xf32>,
      %get3A_733 = vector.shape_cast %get3A_732 : vector<1x16xf32> to vector<16xf32>
      %mul3A_734 = vector.broadcast %squeeze3A_102 : f32 to vector<16xf32>
      %mul3A_735 = arith.mulf %get3A_733, %mul3A_734 : vector<16xf32>
      %add3A_736 = arith.addf %mul3A_728, %mul3A_735 : vector<16xf32>
      %swap3A_737 = arith.constant 19 : i32
      %swap3A_738 = arith.index_cast %swap3A_737 : i32 to index
      %swap3A_739 = arith.index_cast %mul3A_323 : i32 to index
      %swap3A_740 = tpu.vector_load %arg12[%swap3A_738, %swap3A_739] {strides = array<i32>} : memref<32x1024xf32, #tpu.memory_space<vmem>>, vector<1x16xf32>,
      %swap3A_741 = vector.shape_cast %swap3A_740 : vector<1x16xf32> to vector<16xf32>
      %swap3A_742 = vector.shape_cast %add3A_736 : vector<16xf32> to vector<1x16xf32>
      tpu.vector_store %arg12[%swap3A_738, %swap3A_739], %swap3A_742 {strides = array<i32>} : memref<32x1024xf32, #tpu.memory_space<vmem>>, vector<1x16xf32>,
      %get3A_743 = arith.constant 20 : i32
      %get3A_744 = arith.index_cast %get3A_743 : i32 to index
      %get3A_745 = arith.index_cast %mul3A_323 : i32 to index
      %get3A_746 = tpu.vector_load %arg10[%get3A_744, %get3A_745] {strides = array<i32>} : memref<32x1024xf32, #tpu.memory_space<vmem>>, vector<1x16xf32>,
      %get3A_747 = vector.shape_cast %get3A_746 : vector<1x16xf32> to vector<16xf32>
      %mul3A_748 = vector.broadcast %squeeze3A_104 : f32 to vector<16xf32>
      %mul3A_749 = arith.mulf %get3A_747, %mul3A_748 : vector<16xf32>
      %get3A_750 = arith.constant 20 : i32
      %get3A_751 = arith.index_cast %get3A_750 : i32 to index
      %get3A_752 = arith.index_cast %mul3A_323 : i32 to index
      %get3A_753 = tpu.vector_load %arg11[%get3A_751, %get3A_752] {strides = array<i32>} : memref<32x1024xf32, #tpu.memory_space<vmem>>, vector<1x16xf32>,
      %get3A_754 = vector.shape_cast %get3A_753 : vector<1x16xf32> to vector<16xf32>
      %mul3A_755 = vector.broadcast %squeeze3A_106 : f32 to vector<16xf32>
      %mul3A_756 = arith.mulf %get3A_754, %mul3A_755 : vector<16xf32>
      %add3A_757 = arith.addf %mul3A_749, %mul3A_756 : vector<16xf32>
      %swap3A_758 = arith.constant 20 : i32
      %swap3A_759 = arith.index_cast %swap3A_758 : i32 to index
      %swap3A_760 = arith.index_cast %mul3A_323 : i32 to index
      %swap3A_761 = tpu.vector_load %arg12[%swap3A_759, %swap3A_760] {strides = array<i32>} : memref<32x1024xf32, #tpu.memory_space<vmem>>, vector<1x16xf32>,
      %swap3A_762 = vector.shape_cast %swap3A_761 : vector<1x16xf32> to vector<16xf32>
      %swap3A_763 = vector.shape_cast %add3A_757 : vector<16xf32> to vector<1x16xf32>
      tpu.vector_store %arg12[%swap3A_759, %swap3A_760], %swap3A_763 {strides = array<i32>} : memref<32x1024xf32, #tpu.memory_space<vmem>>, vector<1x16xf32>,
      %get3A_764 = arith.constant 21 : i32
      %get3A_765 = arith.index_cast %get3A_764 : i32 to index
      %get3A_766 = arith.index_cast %mul3A_323 : i32 to index
      %get3A_767 = tpu.vector_load %arg10[%get3A_765, %get3A_766] {strides = array<i32>} : memref<32x1024xf32, #tpu.memory_space<vmem>>, vector<1x16xf32>,
      %get3A_768 = vector.shape_cast %get3A_767 : vector<1x16xf32> to vector<16xf32>
      %mul3A_769 = vector.broadcast %squeeze3A_108 : f32 to vector<16xf32>
      %mul3A_770 = arith.mulf %get3A_768, %mul3A_769 : vector<16xf32>
      %get3A_771 = arith.constant 21 : i32
      %get3A_772 = arith.index_cast %get3A_771 : i32 to index
      %get3A_773 = arith.index_cast %mul3A_323 : i32 to index
      %get3A_774 = tpu.vector_load %arg11[%get3A_772, %get3A_773] {strides = array<i32>} : memref<32x1024xf32, #tpu.memory_space<vmem>>, vector<1x16xf32>,
      %get3A_775 = vector.shape_cast %get3A_774 : vector<1x16xf32> to vector<16xf32>
      %mul3A_776 = vector.broadcast %squeeze3A_110 : f32 to vector<16xf32>
      %mul3A_777 = arith.mulf %get3A_775, %mul3A_776 : vector<16xf32>
      %add3A_778 = arith.addf %mul3A_770, %mul3A_777 : vector<16xf32>
      %swap3A_779 = arith.constant 21 : i32
      %swap3A_780 = arith.index_cast %swap3A_779 : i32 to index
      %swap3A_781 = arith.index_cast %mul3A_323 : i32 to index
      %swap3A_782 = tpu.vector_load %arg12[%swap3A_780, %swap3A_781] {strides = array<i32>} : memref<32x1024xf32, #tpu.memory_space<vmem>>, vector<1x16xf32>,
      %swap3A_783 = vector.shape_cast %swap3A_782 : vector<1x16xf32> to vector<16xf32>
      %swap3A_784 = vector.shape_cast %add3A_778 : vector<16xf32> to vector<1x16xf32>
      tpu.vector_store %arg12[%swap3A_780, %swap3A_781], %swap3A_784 {strides = array<i32>} : memref<32x1024xf32, #tpu.memory_space<vmem>>, vector<1x16xf32>,
      %get3A_785 = arith.constant 22 : i32
      %get3A_786 = arith.index_cast %get3A_785 : i32 to index
      %get3A_787 = arith.index_cast %mul3A_323 : i32 to index
      %get3A_788 = tpu.vector_load %arg10[%get3A_786, %get3A_787] {strides = array<i32>} : memref<32x1024xf32, #tpu.memory_space<vmem>>, vector<1x16xf32>,
      %get3A_789 = vector.shape_cast %get3A_788 : vector<1x16xf32> to vector<16xf32>
      %mul3A_790 = vector.broadcast %squeeze3A_112 : f32 to vector<16xf32>
      %mul3A_791 = arith.mulf %get3A_789, %mul3A_790 : vector<16xf32>
      %get3A_792 = arith.constant 22 : i32
      %get3A_793 = arith.index_cast %get3A_792 : i32 to index
      %get3A_794 = arith.index_cast %mul3A_323 : i32 to index
      %get3A_795 = tpu.vector_load %arg11[%get3A_793, %get3A_794] {strides = array<i32>} : memref<32x1024xf32, #tpu.memory_space<vmem>>, vector<1x16xf32>,
      %get3A_796 = vector.shape_cast %get3A_795 : vector<1x16xf32> to vector<16xf32>
      %mul3A_797 = vector.broadcast %squeeze3A_114 : f32 to vector<16xf32>
      %mul3A_798 = arith.mulf %get3A_796, %mul3A_797 : vector<16xf32>
      %add3A_799 = arith.addf %mul3A_791, %mul3A_798 : vector<16xf32>
      %swap3A_800 = arith.constant 22 : i32
      %swap3A_801 = arith.index_cast %swap3A_800 : i32 to index
      %swap3A_802 = arith.index_cast %mul3A_323 : i32 to index
      %swap3A_803 = tpu.vector_load %arg12[%swap3A_801, %swap3A_802] {strides = array<i32>} : memref<32x1024xf32, #tpu.memory_space<vmem>>, vector<1x16xf32>,
      %swap3A_804 = vector.shape_cast %swap3A_803 : vector<1x16xf32> to vector<16xf32>
      %swap3A_805 = vector.shape_cast %add3A_799 : vector<16xf32> to vector<1x16xf32>
      tpu.vector_store %arg12[%swap3A_801, %swap3A_802], %swap3A_805 {strides = array<i32>} : memref<32x1024xf32, #tpu.memory_space<vmem>>, vector<1x16xf32>,
      %get3A_806 = arith.constant 23 : i32
      %get3A_807 = arith.index_cast %get3A_806 : i32 to index
      %get3A_808 = arith.index_cast %mul3A_323 : i32 to index
      %get3A_809 = tpu.vector_load %arg10[%get3A_807, %get3A_808] {strides = array<i32>} : memref<32x1024xf32, #tpu.memory_space<vmem>>, vector<1x16xf32>,
      %get3A_810 = vector.shape_cast %get3A_809 : vector<1x16xf32> to vector<16xf32>
      %mul3A_811 = vector.broadcast %squeeze3A_116 : f32 to vector<16xf32>
      %mul3A_812 = arith.mulf %get3A_810, %mul3A_811 : vector<16xf32>
      %get3A_813 = arith.constant 23 : i32
      %get3A_814 = arith.index_cast %get3A_813 : i32 to index
      %get3A_815 = arith.index_cast %mul3A_323 : i32 to index
      %get3A_816 = tpu.vector_load %arg11[%get3A_814, %get3A_815] {strides = array<i32>} : memref<32x1024xf32, #tpu.memory_space<vmem>>, vector<1x16xf32>,
      %get3A_817 = vector.shape_cast %get3A_816 : vector<1x16xf32> to vector<16xf32>
      %mul3A_818 = vector.broadcast %squeeze3A_118 : f32 to vector<16xf32>
      %mul3A_819 = arith.mulf %get3A_817, %mul3A_818 : vector<16xf32>
      %add3A_820 = arith.addf %mul3A_812, %mul3A_819 : vector<16xf32>
      %swap3A_821 = arith.constant 23 : i32
      %swap3A_822 = arith.index_cast %swap3A_821 : i32 to index
      %swap3A_823 = arith.index_cast %mul3A_323 : i32 to index
      %swap3A_824 = tpu.vector_load %arg12[%swap3A_822, %swap3A_823] {strides = array<i32>} : memref<32x1024xf32, #tpu.memory_space<vmem>>, vector<1x16xf32>,
      %swap3A_825 = vector.shape_cast %swap3A_824 : vector<1x16xf32> to vector<16xf32>
      %swap3A_826 = vector.shape_cast %add3A_820 : vector<16xf32> to vector<1x16xf32>
      tpu.vector_store %arg12[%swap3A_822, %swap3A_823], %swap3A_826 {strides = array<i32>} : memref<32x1024xf32, #tpu.memory_space<vmem>>, vector<1x16xf32>,
      %get3A_827 = arith.constant 24 : i32
      %get3A_828 = arith.index_cast %get3A_827 : i32 to index
      %get3A_829 = arith.index_cast %mul3A_323 : i32 to index
      %get3A_830 = tpu.vector_load %arg10[%get3A_828, %get3A_829] {strides = array<i32>} : memref<32x1024xf32, #tpu.memory_space<vmem>>, vector<1x16xf32>,
      %get3A_831 = vector.shape_cast %get3A_830 : vector<1x16xf32> to vector<16xf32>
      %mul3A_832 = vector.broadcast %squeeze3A_123 : f32 to vector<16xf32>
      %mul3A_833 = arith.mulf %get3A_831, %mul3A_832 : vector<16xf32>
      %get3A_834 = arith.constant 24 : i32
      %get3A_835 = arith.index_cast %get3A_834 : i32 to index
      %get3A_836 = arith.index_cast %mul3A_323 : i32 to index
      %get3A_837 = tpu.vector_load %arg11[%get3A_835, %get3A_836] {strides = array<i32>} : memref<32x1024xf32, #tpu.memory_space<vmem>>, vector<1x16xf32>,
      %get3A_838 = vector.shape_cast %get3A_837 : vector<1x16xf32> to vector<16xf32>
      %mul3A_839 = vector.broadcast %squeeze3A_125 : f32 to vector<16xf32>
      %mul3A_840 = arith.mulf %get3A_838, %mul3A_839 : vector<16xf32>
      %add3A_841 = arith.addf %mul3A_833, %mul3A_840 : vector<16xf32>
      %swap3A_842 = arith.constant 24 : i32
      %swap3A_843 = arith.index_cast %swap3A_842 : i32 to index
      %swap3A_844 = arith.index_cast %mul3A_323 : i32 to index
      %swap3A_845 = tpu.vector_load %arg12[%swap3A_843, %swap3A_844] {strides = array<i32>} : memref<32x1024xf32, #tpu.memory_space<vmem>>, vector<1x16xf32>,
      %swap3A_846 = vector.shape_cast %swap3A_845 : vector<1x16xf32> to vector<16xf32>
      %swap3A_847 = vector.shape_cast %add3A_841 : vector<16xf32> to vector<1x16xf32>
      tpu.vector_store %arg12[%swap3A_843, %swap3A_844], %swap3A_847 {strides = array<i32>} : memref<32x1024xf32, #tpu.memory_space<vmem>>, vector<1x16xf32>,
      %get3A_848 = arith.constant 25 : i32
      %get3A_849 = arith.index_cast %get3A_848 : i32 to index
      %get3A_850 = arith.index_cast %mul3A_323 : i32 to index
      %get3A_851 = tpu.vector_load %arg10[%get3A_849, %get3A_850] {strides = array<i32>} : memref<32x1024xf32, #tpu.memory_space<vmem>>, vector<1x16xf32>,
      %get3A_852 = vector.shape_cast %get3A_851 : vector<1x16xf32> to vector<16xf32>
      %mul3A_853 = vector.broadcast %squeeze3A_127 : f32 to vector<16xf32>
      %mul3A_854 = arith.mulf %get3A_852, %mul3A_853 : vector<16xf32>
      %get3A_855 = arith.constant 25 : i32
      %get3A_856 = arith.index_cast %get3A_855 : i32 to index
      %get3A_857 = arith.index_cast %mul3A_323 : i32 to index
      %get3A_858 = tpu.vector_load %arg11[%get3A_856, %get3A_857] {strides = array<i32>} : memref<32x1024xf32, #tpu.memory_space<vmem>>, vector<1x16xf32>,
      %get3A_859 = vector.shape_cast %get3A_858 : vector<1x16xf32> to vector<16xf32>
      %mul3A_860 = vector.broadcast %squeeze3A_129 : f32 to vector<16xf32>
      %mul3A_861 = arith.mulf %get3A_859, %mul3A_860 : vector<16xf32>
      %add3A_862 = arith.addf %mul3A_854, %mul3A_861 : vector<16xf32>
      %swap3A_863 = arith.constant 25 : i32
      %swap3A_864 = arith.index_cast %swap3A_863 : i32 to index
      %swap3A_865 = arith.index_cast %mul3A_323 : i32 to index
      %swap3A_866 = tpu.vector_load %arg12[%swap3A_864, %swap3A_865] {strides = array<i32>} : memref<32x1024xf32, #tpu.memory_space<vmem>>, vector<1x16xf32>,
      %swap3A_867 = vector.shape_cast %swap3A_866 : vector<1x16xf32> to vector<16xf32>
      %swap3A_868 = vector.shape_cast %add3A_862 : vector<16xf32> to vector<1x16xf32>
      tpu.vector_store %arg12[%swap3A_864, %swap3A_865], %swap3A_868 {strides = array<i32>} : memref<32x1024xf32, #tpu.memory_space<vmem>>, vector<1x16xf32>,
      %get3A_869 = arith.constant 26 : i32
      %get3A_870 = arith.index_cast %get3A_869 : i32 to index
      %get3A_871 = arith.index_cast %mul3A_323 : i32 to index
      %get3A_872 = tpu.vector_load %arg10[%get3A_870, %get3A_871] {strides = array<i32>} : memref<32x1024xf32, #tpu.memory_space<vmem>>, vector<1x16xf32>,
      %get3A_873 = vector.shape_cast %get3A_872 : vector<1x16xf32> to vector<16xf32>
      %mul3A_874 = vector.broadcast %squeeze3A_131 : f32 to vector<16xf32>
      %mul3A_875 = arith.mulf %get3A_873, %mul3A_874 : vector<16xf32>
      %get3A_876 = arith.constant 26 : i32
      %get3A_877 = arith.index_cast %get3A_876 : i32 to index
      %get3A_878 = arith.index_cast %mul3A_323 : i32 to index
      %get3A_879 = tpu.vector_load %arg11[%get3A_877, %get3A_878] {strides = array<i32>} : memref<32x1024xf32, #tpu.memory_space<vmem>>, vector<1x16xf32>,
      %get3A_880 = vector.shape_cast %get3A_879 : vector<1x16xf32> to vector<16xf32>
      %mul3A_881 = vector.broadcast %squeeze3A_133 : f32 to vector<16xf32>
      %mul3A_882 = arith.mulf %get3A_880, %mul3A_881 : vector<16xf32>
      %add3A_883 = arith.addf %mul3A_875, %mul3A_882 : vector<16xf32>
      %swap3A_884 = arith.constant 26 : i32
      %swap3A_885 = arith.index_cast %swap3A_884 : i32 to index
      %swap3A_886 = arith.index_cast %mul3A_323 : i32 to index
      %swap3A_887 = tpu.vector_load %arg12[%swap3A_885, %swap3A_886] {strides = array<i32>} : memref<32x1024xf32, #tpu.memory_space<vmem>>, vector<1x16xf32>,
      %swap3A_888 = vector.shape_cast %swap3A_887 : vector<1x16xf32> to vector<16xf32>
      %swap3A_889 = vector.shape_cast %add3A_883 : vector<16xf32> to vector<1x16xf32>
      tpu.vector_store %arg12[%swap3A_885, %swap3A_886], %swap3A_889 {strides = array<i32>} : memref<32x1024xf32, #tpu.memory_space<vmem>>, vector<1x16xf32>,
      %get3A_890 = arith.constant 27 : i32
      %get3A_891 = arith.index_cast %get3A_890 : i32 to index
      %get3A_892 = arith.index_cast %mul3A_323 : i32 to index
      %get3A_893 = tpu.vector_load %arg10[%get3A_891, %get3A_892] {strides = array<i32>} : memref<32x1024xf32, #tpu.memory_space<vmem>>, vector<1x16xf32>,
      %get3A_894 = vector.shape_cast %get3A_893 : vector<1x16xf32> to vector<16xf32>
      %mul3A_895 = vector.broadcast %squeeze3A_135 : f32 to vector<16xf32>
      %mul3A_896 = arith.mulf %get3A_894, %mul3A_895 : vector<16xf32>
      %get3A_897 = arith.constant 27 : i32
      %get3A_898 = arith.index_cast %get3A_897 : i32 to index
      %get3A_899 = arith.index_cast %mul3A_323 : i32 to index
      %get3A_900 = tpu.vector_load %arg11[%get3A_898, %get3A_899] {strides = array<i32>} : memref<32x1024xf32, #tpu.memory_space<vmem>>, vector<1x16xf32>,
      %get3A_901 = vector.shape_cast %get3A_900 : vector<1x16xf32> to vector<16xf32>
      %mul3A_902 = vector.broadcast %squeeze3A_137 : f32 to vector<16xf32>
      %mul3A_903 = arith.mulf %get3A_901, %mul3A_902 : vector<16xf32>
      %add3A_904 = arith.addf %mul3A_896, %mul3A_903 : vector<16xf32>
      %swap3A_905 = arith.constant 27 : i32
      %swap3A_906 = arith.index_cast %swap3A_905 : i32 to index
      %swap3A_907 = arith.index_cast %mul3A_323 : i32 to index
      %swap3A_908 = tpu.vector_load %arg12[%swap3A_906, %swap3A_907] {strides = array<i32>} : memref<32x1024xf32, #tpu.memory_space<vmem>>, vector<1x16xf32>,
      %swap3A_909 = vector.shape_cast %swap3A_908 : vector<1x16xf32> to vector<16xf32>
      %swap3A_910 = vector.shape_cast %add3A_904 : vector<16xf32> to vector<1x16xf32>
      tpu.vector_store %arg12[%swap3A_906, %swap3A_907], %swap3A_910 {strides = array<i32>} : memref<32x1024xf32, #tpu.memory_space<vmem>>, vector<1x16xf32>,
      %get3A_911 = arith.constant 28 : i32
      %get3A_912 = arith.index_cast %get3A_911 : i32 to index
      %get3A_913 = arith.index_cast %mul3A_323 : i32 to index
      %get3A_914 = tpu.vector_load %arg10[%get3A_912, %get3A_913] {strides = array<i32>} : memref<32x1024xf32, #tpu.memory_space<vmem>>, vector<1x16xf32>,
      %get3A_915 = vector.shape_cast %get3A_914 : vector<1x16xf32> to vector<16xf32>
      %mul3A_916 = vector.broadcast %squeeze3A_139 : f32 to vector<16xf32>
      %mul3A_917 = arith.mulf %get3A_915, %mul3A_916 : vector<16xf32>
      %get3A_918 = arith.constant 28 : i32
      %get3A_919 = arith.index_cast %get3A_918 : i32 to index
      %get3A_920 = arith.index_cast %mul3A_323 : i32 to index
      %get3A_921 = tpu.vector_load %arg11[%get3A_919, %get3A_920] {strides = array<i32>} : memref<32x1024xf32, #tpu.memory_space<vmem>>, vector<1x16xf32>,
      %get3A_922 = vector.shape_cast %get3A_921 : vector<1x16xf32> to vector<16xf32>
      %mul3A_923 = vector.broadcast %squeeze3A_141 : f32 to vector<16xf32>
      %mul3A_924 = arith.mulf %get3A_922, %mul3A_923 : vector<16xf32>
      %add3A_925 = arith.addf %mul3A_917, %mul3A_924 : vector<16xf32>
      %swap3A_926 = arith.constant 28 : i32
      %swap3A_927 = arith.index_cast %swap3A_926 : i32 to index
      %swap3A_928 = arith.index_cast %mul3A_323 : i32 to index
      %swap3A_929 = tpu.vector_load %arg12[%swap3A_927, %swap3A_928] {strides = array<i32>} : memref<32x1024xf32, #tpu.memory_space<vmem>>, vector<1x16xf32>,
      %swap3A_930 = vector.shape_cast %swap3A_929 : vector<1x16xf32> to vector<16xf32>
      %swap3A_931 = vector.shape_cast %add3A_925 : vector<16xf32> to vector<1x16xf32>
      tpu.vector_store %arg12[%swap3A_927, %swap3A_928], %swap3A_931 {strides = array<i32>} : memref<32x1024xf32, #tpu.memory_space<vmem>>, vector<1x16xf32>,
      %get3A_932 = arith.constant 29 : i32
      %get3A_933 = arith.index_cast %get3A_932 : i32 to index
      %get3A_934 = arith.index_cast %mul3A_323 : i32 to index
      %get3A_935 = tpu.vector_load %arg10[%get3A_933, %get3A_934] {strides = array<i32>} : memref<32x1024xf32, #tpu.memory_space<vmem>>, vector<1x16xf32>,
      %get3A_936 = vector.shape_cast %get3A_935 : vector<1x16xf32> to vector<16xf32>
      %mul3A_937 = vector.broadcast %squeeze3A_143 : f32 to vector<16xf32>
      %mul3A_938 = arith.mulf %get3A_936, %mul3A_937 : vector<16xf32>
      %get3A_939 = arith.constant 29 : i32
      %get3A_940 = arith.index_cast %get3A_939 : i32 to index
      %get3A_941 = arith.index_cast %mul3A_323 : i32 to index
      %get3A_942 = tpu.vector_load %arg11[%get3A_940, %get3A_941] {strides = array<i32>} : memref<32x1024xf32, #tpu.memory_space<vmem>>, vector<1x16xf32>,
      %get3A_943 = vector.shape_cast %get3A_942 : vector<1x16xf32> to vector<16xf32>
      %mul3A_944 = vector.broadcast %squeeze3A_145 : f32 to vector<16xf32>
      %mul3A_945 = arith.mulf %get3A_943, %mul3A_944 : vector<16xf32>
      %add3A_946 = arith.addf %mul3A_938, %mul3A_945 : vector<16xf32>
      %swap3A_947 = arith.constant 29 : i32
      %swap3A_948 = arith.index_cast %swap3A_947 : i32 to index
      %swap3A_949 = arith.index_cast %mul3A_323 : i32 to index
      %swap3A_950 = tpu.vector_load %arg12[%swap3A_948, %swap3A_949] {strides = array<i32>} : memref<32x1024xf32, #tpu.memory_space<vmem>>, vector<1x16xf32>,
      %swap3A_951 = vector.shape_cast %swap3A_950 : vector<1x16xf32> to vector<16xf32>
      %swap3A_952 = vector.shape_cast %add3A_946 : vector<16xf32> to vector<1x16xf32>
      tpu.vector_store %arg12[%swap3A_948, %swap3A_949], %swap3A_952 {strides = array<i32>} : memref<32x1024xf32, #tpu.memory_space<vmem>>, vector<1x16xf32>,
      %get3A_953 = arith.constant 30 : i32
      %get3A_954 = arith.index_cast %get3A_953 : i32 to index
      %get3A_955 = arith.index_cast %mul3A_323 : i32 to index
      %get3A_956 = tpu.vector_load %arg10[%get3A_954, %get3A_955] {strides = array<i32>} : memref<32x1024xf32, #tpu.memory_space<vmem>>, vector<1x16xf32>,
      %get3A_957 = vector.shape_cast %get3A_956 : vector<1x16xf32> to vector<16xf32>
      %mul3A_958 = vector.broadcast %squeeze3A_147 : f32 to vector<16xf32>
      %mul3A_959 = arith.mulf %get3A_957, %mul3A_958 : vector<16xf32>
      %get3A_960 = arith.constant 30 : i32
      %get3A_961 = arith.index_cast %get3A_960 : i32 to index
      %get3A_962 = arith.index_cast %mul3A_323 : i32 to index
      %get3A_963 = tpu.vector_load %arg11[%get3A_961, %get3A_962] {strides = array<i32>} : memref<32x1024xf32, #tpu.memory_space<vmem>>, vector<1x16xf32>,
      %get3A_964 = vector.shape_cast %get3A_963 : vector<1x16xf32> to vector<16xf32>
      %mul3A_965 = vector.broadcast %squeeze3A_149 : f32 to vector<16xf32>
      %mul3A_966 = arith.mulf %get3A_964, %mul3A_965 : vector<16xf32>
      %add3A_967 = arith.addf %mul3A_959, %mul3A_966 : vector<16xf32>
      %swap3A_968 = arith.constant 30 : i32
      %swap3A_969 = arith.index_cast %swap3A_968 : i32 to index
      %swap3A_970 = arith.index_cast %mul3A_323 : i32 to index
      %swap3A_971 = tpu.vector_load %arg12[%swap3A_969, %swap3A_970] {strides = array<i32>} : memref<32x1024xf32, #tpu.memory_space<vmem>>, vector<1x16xf32>,
      %swap3A_972 = vector.shape_cast %swap3A_971 : vector<1x16xf32> to vector<16xf32>
      %swap3A_973 = vector.shape_cast %add3A_967 : vector<16xf32> to vector<1x16xf32>
      tpu.vector_store %arg12[%swap3A_969, %swap3A_970], %swap3A_973 {strides = array<i32>} : memref<32x1024xf32, #tpu.memory_space<vmem>>, vector<1x16xf32>,
      %get3A_974 = arith.constant 31 : i32
      %get3A_975 = arith.index_cast %get3A_974 : i32 to index
      %get3A_976 = arith.index_cast %mul3A_323 : i32 to index
      %get3A_977 = tpu.vector_load %arg10[%get3A_975, %get3A_976] {strides = array<i32>} : memref<32x1024xf32, #tpu.memory_space<vmem>>, vector<1x16xf32>,
      %get3A_978 = vector.shape_cast %get3A_977 : vector<1x16xf32> to vector<16xf32>
      %mul3A_979 = vector.broadcast %squeeze3A_151 : f32 to vector<16xf32>
      %mul3A_980 = arith.mulf %get3A_978, %mul3A_979 : vector<16xf32>
      %get3A_981 = arith.constant 31 : i32
      %get3A_982 = arith.index_cast %get3A_981 : i32 to index
      %get3A_983 = arith.index_cast %mul3A_323 : i32 to index
      %get3A_984 = tpu.vector_load %arg11[%get3A_982, %get3A_983] {strides = array<i32>} : memref<32x1024xf32, #tpu.memory_space<vmem>>, vector<1x16xf32>,
      %get3A_985 = vector.shape_cast %get3A_984 : vector<1x16xf32> to vector<16xf32>
      %mul3A_986 = vector.broadcast %squeeze3A_153 : f32 to vector<16xf32>
      %mul3A_987 = arith.mulf %get3A_985, %mul3A_986 : vector<16xf32>
      %add3A_988 = arith.addf %mul3A_980, %mul3A_987 : vector<16xf32>
      %swap3A_989 = arith.constant 31 : i32
      %swap3A_990 = arith.index_cast %swap3A_989 : i32 to index
      %swap3A_991 = arith.index_cast %mul3A_323 : i32 to index
      %swap3A_992 = tpu.vector_load %arg12[%swap3A_990, %swap3A_991] {strides = array<i32>} : memref<32x1024xf32, #tpu.memory_space<vmem>>, vector<1x16xf32>,
      %swap3A_993 = vector.shape_cast %swap3A_992 : vector<1x16xf32> to vector<16xf32>
      %swap3A_994 = vector.shape_cast %add3A_988 : vector<16xf32> to vector<1x16xf32>
      tpu.vector_store %arg12[%swap3A_990, %swap3A_991], %swap3A_994 {strides = array<i32>} : memref<32x1024xf32, #tpu.memory_space<vmem>>, vector<1x16xf32>,
    }
    %scan3A_158 = arith.constant 64 : i32
    "tpu.region"() ({
      %run_scoped3A = tpu.sem_alloc : memref<!tpu.dma_semaphore, #tpu.memory_space<semaphore_mem>>
      %dma_start3A_321 = arith.constant 0 : i32
      %dma_start3A_322 = tpu.memref_slice %arg6[%add3A_4, %dma_start3A_321] : memref<2048x1024xf32, #tpu.memory_space<hbm>> -> memref<32x1024xf32, #tpu.memory_space<hbm>>
      %dma_start3A_323 = arith.constant 0 : i32
      %dma_start3A_324 = tpu.memref_slice %arg6[%add3A_4, %dma_start3A_323] : memref<2048x1024xf32, #tpu.memory_space<hbm>> -> memref<32x1024xf32, #tpu.memory_space<hbm>>
      tpu.enqueue_dma source(%arg12 : memref<32x1024xf32, #tpu.memory_space<vmem>>) target(%dma_start3A_324 : memref<32x1024xf32, #tpu.memory_space<hbm>>) target_semaphore(%run_scoped3A : memref<!tpu.dma_semaphore, #tpu.memory_space<semaphore_mem>>)
      %dma_wait3A_325 = arith.constant 0 : i32
      %dma_wait3A_326 = tpu.memref_slice %arg6[%add3A_4, %dma_wait3A_325] : memref<2048x1024xf32, #tpu.memory_space<hbm>> -> memref<32x1024xf32, #tpu.memory_space<hbm>>
      %dma_wait3A_327 = arith.constant 0 : i32
      %dma_wait3A_328 = tpu.memref_slice %arg6[%add3A_4, %dma_wait3A_327] : memref<2048x1024xf32, #tpu.memory_space<hbm>> -> memref<32x1024xf32, #tpu.memory_space<hbm>>
      tpu.wait_dma2 semaphore(%run_scoped3A : memref<!tpu.dma_semaphore, #tpu.memory_space<semaphore_mem>>) src(%arg12 : memref<32x1024xf32, #tpu.memory_space<vmem>>) dst(%dma_wait3A_328 : memref<32x1024xf32, #tpu.memory_space<hbm>>)
      tpu.yield
    }) : () -> ()
    %add3A_159 = arith.constant 32 : i32
    %add3A_160 = arith.addi %mul3A_2, %add3A_159 : i32
    "tpu.region"() ({
      %run_scoped3A = tpu.sem_alloc : memref<!tpu.dma_semaphore, #tpu.memory_space<semaphore_mem>>
      %dma_start3A_321 = tpu.memref_slice %arg3[%add3A_160] : memref<2048xi32, #tpu.memory_space<hbm>> -> memref<32xi32, #tpu.memory_space<hbm>>
      %dma_start3A_322 = tpu.memref_slice %arg3[%add3A_160] : memref<2048xi32, #tpu.memory_space<hbm>> -> memref<32xi32, #tpu.memory_space<hbm>>
      tpu.enqueue_dma source(%dma_start3A_322 : memref<32xi32, #tpu.memory_space<hbm>>) target(%arg7 : memref<32xi32, #tpu.memory_space<vmem>>) target_semaphore(%run_scoped3A : memref<!tpu.dma_semaphore, #tpu.memory_space<semaphore_mem>>)
      %dma_wait3A_323 = tpu.memref_slice %arg3[%add3A_160] : memref<2048xi32, #tpu.memory_space<hbm>> -> memref<32xi32, #tpu.memory_space<hbm>>
      %dma_wait3A_324 = tpu.memref_slice %arg3[%add3A_160] : memref<2048xi32, #tpu.memory_space<hbm>> -> memref<32xi32, #tpu.memory_space<hbm>>
      tpu.wait_dma2 semaphore(%run_scoped3A : memref<!tpu.dma_semaphore, #tpu.memory_space<semaphore_mem>>) src(%dma_wait3A_324 : memref<32xi32, #tpu.memory_space<hbm>>) dst(%arg7 : memref<32xi32, #tpu.memory_space<vmem>>)
      tpu.yield
    }) : () -> ()
    "tpu.region"() ({
      %run_scoped3A = tpu.sem_alloc : memref<!tpu.dma_semaphore, #tpu.memory_space<semaphore_mem>>
      %dma_start3A_321 = tpu.memref_slice %arg4[%add3A_160] : memref<2048xi32, #tpu.memory_space<hbm>> -> memref<32xi32, #tpu.memory_space<hbm>>
      %dma_start3A_322 = tpu.memref_slice %arg4[%add3A_160] : memref<2048xi32, #tpu.memory_space<hbm>> -> memref<32xi32, #tpu.memory_space<hbm>>
      tpu.enqueue_dma source(%dma_start3A_322 : memref<32xi32, #tpu.memory_space<hbm>>) target(%arg8 : memref<32xi32, #tpu.memory_space<vmem>>) target_semaphore(%run_scoped3A : memref<!tpu.dma_semaphore, #tpu.memory_space<semaphore_mem>>)
      %dma_wait3A_323 = tpu.memref_slice %arg4[%add3A_160] : memref<2048xi32, #tpu.memory_space<hbm>> -> memref<32xi32, #tpu.memory_space<hbm>>
      %dma_wait3A_324 = tpu.memref_slice %arg4[%add3A_160] : memref<2048xi32, #tpu.memory_space<hbm>> -> memref<32xi32, #tpu.memory_space<hbm>>
      tpu.wait_dma2 semaphore(%run_scoped3A : memref<!tpu.dma_semaphore, #tpu.memory_space<semaphore_mem>>) src(%dma_wait3A_324 : memref<32xi32, #tpu.memory_space<hbm>>) dst(%arg8 : memref<32xi32, #tpu.memory_space<vmem>>)
      tpu.yield
    }) : () -> ()
    %mul3A_161 = arith.constant 2 : i32
    %mul3A_162 = arith.muli %mul3A_161, %add3A_160 : i32
    "tpu.region"() ({
      %run_scoped3A = tpu.sem_alloc : memref<!tpu.dma_semaphore, #tpu.memory_space<semaphore_mem>>
      %dma_start3A_321 = tpu.memref_slice %arg5[%mul3A_162] : memref<4096xf32, #tpu.memory_space<hbm>> -> memref<64xf32, #tpu.memory_space<hbm>>
      %dma_start3A_322 = tpu.memref_slice %arg5[%mul3A_162] : memref<4096xf32, #tpu.memory_space<hbm>> -> memref<64xf32, #tpu.memory_space<hbm>>
      tpu.enqueue_dma source(%dma_start3A_322 : memref<64xf32, #tpu.memory_space<hbm>>) target(%arg9 : memref<64xf32, #tpu.memory_space<vmem>>) target_semaphore(%run_scoped3A : memref<!tpu.dma_semaphore, #tpu.memory_space<semaphore_mem>>)
      %dma_wait3A_323 = tpu.memref_slice %arg5[%mul3A_162] : memref<4096xf32, #tpu.memory_space<hbm>> -> memref<64xf32, #tpu.memory_space<hbm>>
      %dma_wait3A_324 = tpu.memref_slice %arg5[%mul3A_162] : memref<4096xf32, #tpu.memory_space<hbm>> -> memref<64xf32, #tpu.memory_space<hbm>>
      tpu.wait_dma2 semaphore(%run_scoped3A : memref<!tpu.dma_semaphore, #tpu.memory_space<semaphore_mem>>) src(%dma_wait3A_324 : memref<64xf32, #tpu.memory_space<hbm>>) dst(%arg9 : memref<64xf32, #tpu.memory_space<vmem>>)
      tpu.yield
    }) : () -> ()
    %dma_start3A_163 = arith.constant 0 : i32
    %dma_start3A_164 = arith.constant 0 : i32
    %dma_start3A_165 = tpu.memref_slice %arg2[%dma_start3A_163, %dma_start3A_164] : memref<4096x1024xf32, #tpu.memory_space<hbm>> -> memref<4096x1024xf32, #tpu.memory_space<hbm>>
    tpu.enqueue_indirect_dma source(%dma_start3A_165 : memref<4096x1024xf32, #tpu.memory_space<hbm>>) target(%arg10 : memref<32x1024xf32, #tpu.memory_space<vmem>>) offsets(%arg7 : memref<32xi32, #tpu.memory_space<vmem>>) semaphore(%arg13 : memref<!tpu.dma_semaphore, #tpu.memory_space<semaphore_mem>>)
    %dma_start3A_166 = arith.constant 0 : i32
    %dma_start3A_167 = arith.constant 0 : i32
    %dma_start3A_168 = tpu.memref_slice %arg2[%dma_start3A_166, %dma_start3A_167] : memref<4096x1024xf32, #tpu.memory_space<hbm>> -> memref<4096x1024xf32, #tpu.memory_space<hbm>>
    tpu.enqueue_indirect_dma source(%dma_start3A_168 : memref<4096x1024xf32, #tpu.memory_space<hbm>>) target(%arg11 : memref<32x1024xf32, #tpu.memory_space<vmem>>) offsets(%arg8 : memref<32xi32, #tpu.memory_space<vmem>>) semaphore(%arg14 : memref<!tpu.dma_semaphore, #tpu.memory_space<semaphore_mem>>)
    %dma_wait3A_169 = arith.constant 0 : i32
    %dma_wait3A_170 = arith.constant 0 : i32
    %dma_wait3A_171 = tpu.memref_slice %arg2[%dma_wait3A_169, %dma_wait3A_170] : memref<4096x1024xf32, #tpu.memory_space<hbm>> -> memref<4096x1024xf32, #tpu.memory_space<hbm>>
    tpu.wait_indirect_dma semaphore(%arg13 : memref<!tpu.dma_semaphore, #tpu.memory_space<semaphore_mem>>) src(%dma_wait3A_171 : memref<4096x1024xf32, #tpu.memory_space<hbm>>) dst(%arg10 : memref<32x1024xf32, #tpu.memory_space<vmem>>)
    %dma_wait3A_172 = arith.constant 0 : i32
    %dma_wait3A_173 = arith.constant 0 : i32
    %dma_wait3A_174 = tpu.memref_slice %arg2[%dma_wait3A_172, %dma_wait3A_173] : memref<4096x1024xf32, #tpu.memory_space<hbm>> -> memref<4096x1024xf32, #tpu.memory_space<hbm>>
    tpu.wait_indirect_dma semaphore(%arg14 : memref<!tpu.dma_semaphore, #tpu.memory_space<semaphore_mem>>) src(%dma_wait3A_174 : memref<4096x1024xf32, #tpu.memory_space<hbm>>) dst(%arg11 : memref<32x1024xf32, #tpu.memory_space<vmem>>)
    %get3A_175 = arith.constant 0 : index
    %get3A_176 = tpu.vector_load %arg9[%get3A_175] {strides = array<i32>} : memref<64xf32, #tpu.memory_space<vmem>>, vector<16xf32>,
    %get3A_177 = vector.shape_cast %get3A_176 : vector<16xf32> to vector<16xf32>
    %slice3A_178 = vector.extract_strided_slice %get3A_177 {offsets = [0], sizes = [1], strides = [1]} : vector<16xf32> to vector<1xf32>
    %squeeze3A_179 = vector.extract %slice3A_178[0] : f32 from vector<1xf32>
    %slice3A_180 = vector.extract_strided_slice %get3A_177 {offsets = [1], sizes = [1], strides = [1]} : vector<16xf32> to vector<1xf32>
    %squeeze3A_181 = vector.extract %slice3A_180[0] : f32 from vector<1xf32>
    %slice3A_182 = vector.extract_strided_slice %get3A_177 {offsets = [2], sizes = [1], strides = [1]} : vector<16xf32> to vector<1xf32>
    %squeeze3A_183 = vector.extract %slice3A_182[0] : f32 from vector<1xf32>
    %slice3A_184 = vector.extract_strided_slice %get3A_177 {offsets = [3], sizes = [1], strides = [1]} : vector<16xf32> to vector<1xf32>
    %squeeze3A_185 = vector.extract %slice3A_184[0] : f32 from vector<1xf32>
    %slice3A_186 = vector.extract_strided_slice %get3A_177 {offsets = [4], sizes = [1], strides = [1]} : vector<16xf32> to vector<1xf32>
    %squeeze3A_187 = vector.extract %slice3A_186[0] : f32 from vector<1xf32>
    %slice3A_188 = vector.extract_strided_slice %get3A_177 {offsets = [5], sizes = [1], strides = [1]} : vector<16xf32> to vector<1xf32>
    %squeeze3A_189 = vector.extract %slice3A_188[0] : f32 from vector<1xf32>
    %slice3A_190 = vector.extract_strided_slice %get3A_177 {offsets = [6], sizes = [1], strides = [1]} : vector<16xf32> to vector<1xf32>
    %squeeze3A_191 = vector.extract %slice3A_190[0] : f32 from vector<1xf32>
    %slice3A_192 = vector.extract_strided_slice %get3A_177 {offsets = [7], sizes = [1], strides = [1]} : vector<16xf32> to vector<1xf32>
    %squeeze3A_193 = vector.extract %slice3A_192[0] : f32 from vector<1xf32>
    %slice3A_194 = vector.extract_strided_slice %get3A_177 {offsets = [8], sizes = [1], strides = [1]} : vector<16xf32> to vector<1xf32>
    %squeeze3A_195 = vector.extract %slice3A_194[0] : f32 from vector<1xf32>
    %slice3A_196 = vector.extract_strided_slice %get3A_177 {offsets = [9], sizes = [1], strides = [1]} : vector<16xf32> to vector<1xf32>
    %squeeze3A_197 = vector.extract %slice3A_196[0] : f32 from vector<1xf32>
    %slice3A_198 = vector.extract_strided_slice %get3A_177 {offsets = [10], sizes = [1], strides = [1]} : vector<16xf32> to vector<1xf32>
    %squeeze3A_199 = vector.extract %slice3A_198[0] : f32 from vector<1xf32>
    %slice3A_200 = vector.extract_strided_slice %get3A_177 {offsets = [11], sizes = [1], strides = [1]} : vector<16xf32> to vector<1xf32>
    %squeeze3A_201 = vector.extract %slice3A_200[0] : f32 from vector<1xf32>
    %slice3A_202 = vector.extract_strided_slice %get3A_177 {offsets = [12], sizes = [1], strides = [1]} : vector<16xf32> to vector<1xf32>
    %squeeze3A_203 = vector.extract %slice3A_202[0] : f32 from vector<1xf32>
    %slice3A_204 = vector.extract_strided_slice %get3A_177 {offsets = [13], sizes = [1], strides = [1]} : vector<16xf32> to vector<1xf32>
    %squeeze3A_205 = vector.extract %slice3A_204[0] : f32 from vector<1xf32>
    %slice3A_206 = vector.extract_strided_slice %get3A_177 {offsets = [14], sizes = [1], strides = [1]} : vector<16xf32> to vector<1xf32>
    %squeeze3A_207 = vector.extract %slice3A_206[0] : f32 from vector<1xf32>
    %slice3A_208 = vector.extract_strided_slice %get3A_177 {offsets = [15], sizes = [1], strides = [1]} : vector<16xf32> to vector<1xf32>
    %squeeze3A_209 = vector.extract %slice3A_208[0] : f32 from vector<1xf32>
    %get3A_210 = arith.constant 16 : index
    %get3A_211 = tpu.vector_load %arg9[%get3A_210] {strides = array<i32>} : memref<64xf32, #tpu.memory_space<vmem>>, vector<16xf32>,
    %get3A_212 = vector.shape_cast %get3A_211 : vector<16xf32> to vector<16xf32>
    %slice3A_213 = vector.extract_strided_slice %get3A_212 {offsets = [0], sizes = [1], strides = [1]} : vector<16xf32> to vector<1xf32>
    %squeeze3A_214 = vector.extract %slice3A_213[0] : f32 from vector<1xf32>
    %slice3A_215 = vector.extract_strided_slice %get3A_212 {offsets = [1], sizes = [1], strides = [1]} : vector<16xf32> to vector<1xf32>
    %squeeze3A_216 = vector.extract %slice3A_215[0] : f32 from vector<1xf32>
    %slice3A_217 = vector.extract_strided_slice %get3A_212 {offsets = [2], sizes = [1], strides = [1]} : vector<16xf32> to vector<1xf32>
    %squeeze3A_218 = vector.extract %slice3A_217[0] : f32 from vector<1xf32>
    %slice3A_219 = vector.extract_strided_slice %get3A_212 {offsets = [3], sizes = [1], strides = [1]} : vector<16xf32> to vector<1xf32>
    %squeeze3A_220 = vector.extract %slice3A_219[0] : f32 from vector<1xf32>
    %slice3A_221 = vector.extract_strided_slice %get3A_212 {offsets = [4], sizes = [1], strides = [1]} : vector<16xf32> to vector<1xf32>
    %squeeze3A_222 = vector.extract %slice3A_221[0] : f32 from vector<1xf32>
    %slice3A_223 = vector.extract_strided_slice %get3A_212 {offsets = [5], sizes = [1], strides = [1]} : vector<16xf32> to vector<1xf32>
    %squeeze3A_224 = vector.extract %slice3A_223[0] : f32 from vector<1xf32>
    %slice3A_225 = vector.extract_strided_slice %get3A_212 {offsets = [6], sizes = [1], strides = [1]} : vector<16xf32> to vector<1xf32>
    %squeeze3A_226 = vector.extract %slice3A_225[0] : f32 from vector<1xf32>
    %slice3A_227 = vector.extract_strided_slice %get3A_212 {offsets = [7], sizes = [1], strides = [1]} : vector<16xf32> to vector<1xf32>
    %squeeze3A_228 = vector.extract %slice3A_227[0] : f32 from vector<1xf32>
    %slice3A_229 = vector.extract_strided_slice %get3A_212 {offsets = [8], sizes = [1], strides = [1]} : vector<16xf32> to vector<1xf32>
    %squeeze3A_230 = vector.extract %slice3A_229[0] : f32 from vector<1xf32>
    %slice3A_231 = vector.extract_strided_slice %get3A_212 {offsets = [9], sizes = [1], strides = [1]} : vector<16xf32> to vector<1xf32>
    %squeeze3A_232 = vector.extract %slice3A_231[0] : f32 from vector<1xf32>
    %slice3A_233 = vector.extract_strided_slice %get3A_212 {offsets = [10], sizes = [1], strides = [1]} : vector<16xf32> to vector<1xf32>
    %squeeze3A_234 = vector.extract %slice3A_233[0] : f32 from vector<1xf32>
    %slice3A_235 = vector.extract_strided_slice %get3A_212 {offsets = [11], sizes = [1], strides = [1]} : vector<16xf32> to vector<1xf32>
    %squeeze3A_236 = vector.extract %slice3A_235[0] : f32 from vector<1xf32>
    %slice3A_237 = vector.extract_strided_slice %get3A_212 {offsets = [12], sizes = [1], strides = [1]} : vector<16xf32> to vector<1xf32>
    %squeeze3A_238 = vector.extract %slice3A_237[0] : f32 from vector<1xf32>
    %slice3A_239 = vector.extract_strided_slice %get3A_212 {offsets = [13], sizes = [1], strides = [1]} : vector<16xf32> to vector<1xf32>
    %squeeze3A_240 = vector.extract %slice3A_239[0] : f32 from vector<1xf32>
    %slice3A_241 = vector.extract_strided_slice %get3A_212 {offsets = [14], sizes = [1], strides = [1]} : vector<16xf32> to vector<1xf32>
    %squeeze3A_242 = vector.extract %slice3A_241[0] : f32 from vector<1xf32>
    %slice3A_243 = vector.extract_strided_slice %get3A_212 {offsets = [15], sizes = [1], strides = [1]} : vector<16xf32> to vector<1xf32>
    %squeeze3A_244 = vector.extract %slice3A_243[0] : f32 from vector<1xf32>
    %get3A_245 = arith.constant 32 : index
    %get3A_246 = tpu.vector_load %arg9[%get3A_245] {strides = array<i32>} : memref<64xf32, #tpu.memory_space<vmem>>, vector<16xf32>,
    %get3A_247 = vector.shape_cast %get3A_246 : vector<16xf32> to vector<16xf32>
    %slice3A_248 = vector.extract_strided_slice %get3A_247 {offsets = [0], sizes = [1], strides = [1]} : vector<16xf32> to vector<1xf32>
    %squeeze3A_249 = vector.extract %slice3A_248[0] : f32 from vector<1xf32>
    %slice3A_250 = vector.extract_strided_slice %get3A_247 {offsets = [1], sizes = [1], strides = [1]} : vector<16xf32> to vector<1xf32>
    %squeeze3A_251 = vector.extract %slice3A_250[0] : f32 from vector<1xf32>
    %slice3A_252 = vector.extract_strided_slice %get3A_247 {offsets = [2], sizes = [1], strides = [1]} : vector<16xf32> to vector<1xf32>
    %squeeze3A_253 = vector.extract %slice3A_252[0] : f32 from vector<1xf32>
    %slice3A_254 = vector.extract_strided_slice %get3A_247 {offsets = [3], sizes = [1], strides = [1]} : vector<16xf32> to vector<1xf32>
    %squeeze3A_255 = vector.extract %slice3A_254[0] : f32 from vector<1xf32>
    %slice3A_256 = vector.extract_strided_slice %get3A_247 {offsets = [4], sizes = [1], strides = [1]} : vector<16xf32> to vector<1xf32>
    %squeeze3A_257 = vector.extract %slice3A_256[0] : f32 from vector<1xf32>
    %slice3A_258 = vector.extract_strided_slice %get3A_247 {offsets = [5], sizes = [1], strides = [1]} : vector<16xf32> to vector<1xf32>
    %squeeze3A_259 = vector.extract %slice3A_258[0] : f32 from vector<1xf32>
    %slice3A_260 = vector.extract_strided_slice %get3A_247 {offsets = [6], sizes = [1], strides = [1]} : vector<16xf32> to vector<1xf32>
    %squeeze3A_261 = vector.extract %slice3A_260[0] : f32 from vector<1xf32>
    %slice3A_262 = vector.extract_strided_slice %get3A_247 {offsets = [7], sizes = [1], strides = [1]} : vector<16xf32> to vector<1xf32>
    %squeeze3A_263 = vector.extract %slice3A_262[0] : f32 from vector<1xf32>
    %slice3A_264 = vector.extract_strided_slice %get3A_247 {offsets = [8], sizes = [1], strides = [1]} : vector<16xf32> to vector<1xf32>
    %squeeze3A_265 = vector.extract %slice3A_264[0] : f32 from vector<1xf32>
    %slice3A_266 = vector.extract_strided_slice %get3A_247 {offsets = [9], sizes = [1], strides = [1]} : vector<16xf32> to vector<1xf32>
    %squeeze3A_267 = vector.extract %slice3A_266[0] : f32 from vector<1xf32>
    %slice3A_268 = vector.extract_strided_slice %get3A_247 {offsets = [10], sizes = [1], strides = [1]} : vector<16xf32> to vector<1xf32>
    %squeeze3A_269 = vector.extract %slice3A_268[0] : f32 from vector<1xf32>
    %slice3A_270 = vector.extract_strided_slice %get3A_247 {offsets = [11], sizes = [1], strides = [1]} : vector<16xf32> to vector<1xf32>
    %squeeze3A_271 = vector.extract %slice3A_270[0] : f32 from vector<1xf32>
    %slice3A_272 = vector.extract_strided_slice %get3A_247 {offsets = [12], sizes = [1], strides = [1]} : vector<16xf32> to vector<1xf32>
    %squeeze3A_273 = vector.extract %slice3A_272[0] : f32 from vector<1xf32>
    %slice3A_274 = vector.extract_strided_slice %get3A_247 {offsets = [13], sizes = [1], strides = [1]} : vector<16xf32> to vector<1xf32>
    %squeeze3A_275 = vector.extract %slice3A_274[0] : f32 from vector<1xf32>
    %slice3A_276 = vector.extract_strided_slice %get3A_247 {offsets = [14], sizes = [1], strides = [1]} : vector<16xf32> to vector<1xf32>
    %squeeze3A_277 = vector.extract %slice3A_276[0] : f32 from vector<1xf32>
    %slice3A_278 = vector.extract_strided_slice %get3A_247 {offsets = [15], sizes = [1], strides = [1]} : vector<16xf32> to vector<1xf32>
    %squeeze3A_279 = vector.extract %slice3A_278[0] : f32 from vector<1xf32>
    %get3A_280 = arith.constant 48 : index
    %get3A_281 = tpu.vector_load %arg9[%get3A_280] {strides = array<i32>} : memref<64xf32, #tpu.memory_space<vmem>>, vector<16xf32>,
    %get3A_282 = vector.shape_cast %get3A_281 : vector<16xf32> to vector<16xf32>
    %slice3A_283 = vector.extract_strided_slice %get3A_282 {offsets = [0], sizes = [1], strides = [1]} : vector<16xf32> to vector<1xf32>
    %squeeze3A_284 = vector.extract %slice3A_283[0] : f32 from vector<1xf32>
    %slice3A_285 = vector.extract_strided_slice %get3A_282 {offsets = [1], sizes = [1], strides = [1]} : vector<16xf32> to vector<1xf32>
    %squeeze3A_286 = vector.extract %slice3A_285[0] : f32 from vector<1xf32>
    %slice3A_287 = vector.extract_strided_slice %get3A_282 {offsets = [2], sizes = [1], strides = [1]} : vector<16xf32> to vector<1xf32>
    %squeeze3A_288 = vector.extract %slice3A_287[0] : f32 from vector<1xf32>
    %slice3A_289 = vector.extract_strided_slice %get3A_282 {offsets = [3], sizes = [1], strides = [1]} : vector<16xf32> to vector<1xf32>
    %squeeze3A_290 = vector.extract %slice3A_289[0] : f32 from vector<1xf32>
    %slice3A_291 = vector.extract_strided_slice %get3A_282 {offsets = [4], sizes = [1], strides = [1]} : vector<16xf32> to vector<1xf32>
    %squeeze3A_292 = vector.extract %slice3A_291[0] : f32 from vector<1xf32>
    %slice3A_293 = vector.extract_strided_slice %get3A_282 {offsets = [5], sizes = [1], strides = [1]} : vector<16xf32> to vector<1xf32>
    %squeeze3A_294 = vector.extract %slice3A_293[0] : f32 from vector<1xf32>
    %slice3A_295 = vector.extract_strided_slice %get3A_282 {offsets = [6], sizes = [1], strides = [1]} : vector<16xf32> to vector<1xf32>
    %squeeze3A_296 = vector.extract %slice3A_295[0] : f32 from vector<1xf32>
    %slice3A_297 = vector.extract_strided_slice %get3A_282 {offsets = [7], sizes = [1], strides = [1]} : vector<16xf32> to vector<1xf32>
    %squeeze3A_298 = vector.extract %slice3A_297[0] : f32 from vector<1xf32>
    %slice3A_299 = vector.extract_strided_slice %get3A_282 {offsets = [8], sizes = [1], strides = [1]} : vector<16xf32> to vector<1xf32>
    %squeeze3A_300 = vector.extract %slice3A_299[0] : f32 from vector<1xf32>
    %slice3A_301 = vector.extract_strided_slice %get3A_282 {offsets = [9], sizes = [1], strides = [1]} : vector<16xf32> to vector<1xf32>
    %squeeze3A_302 = vector.extract %slice3A_301[0] : f32 from vector<1xf32>
    %slice3A_303 = vector.extract_strided_slice %get3A_282 {offsets = [10], sizes = [1], strides = [1]} : vector<16xf32> to vector<1xf32>
    %squeeze3A_304 = vector.extract %slice3A_303[0] : f32 from vector<1xf32>
    %slice3A_305 = vector.extract_strided_slice %get3A_282 {offsets = [11], sizes = [1], strides = [1]} : vector<16xf32> to vector<1xf32>
    %squeeze3A_306 = vector.extract %slice3A_305[0] : f32 from vector<1xf32>
    %slice3A_307 = vector.extract_strided_slice %get3A_282 {offsets = [12], sizes = [1], strides = [1]} : vector<16xf32> to vector<1xf32>
    %squeeze3A_308 = vector.extract %slice3A_307[0] : f32 from vector<1xf32>
    %slice3A_309 = vector.extract_strided_slice %get3A_282 {offsets = [13], sizes = [1], strides = [1]} : vector<16xf32> to vector<1xf32>
    %squeeze3A_310 = vector.extract %slice3A_309[0] : f32 from vector<1xf32>
    %slice3A_311 = vector.extract_strided_slice %get3A_282 {offsets = [14], sizes = [1], strides = [1]} : vector<16xf32> to vector<1xf32>
    %squeeze3A_312 = vector.extract %slice3A_311[0] : f32 from vector<1xf32>
    %slice3A_313 = vector.extract_strided_slice %get3A_282 {offsets = [15], sizes = [1], strides = [1]} : vector<16xf32> to vector<1xf32>
    %squeeze3A_314 = vector.extract %slice3A_313[0] : f32 from vector<1xf32>
    %scan3A_315 = arith.constant 0 : i32
    %scan3A_316 = arith.constant 0 : i32
    %scan3A_317 = arith.constant 64 : i32
    %scan3A_318 = arith.addi %scan3A_316, %scan3A_317 : i32
    %scan3A_319 = arith.constant 1 : i32
    scf.for %scan3A_321 = %scan3A_316 to %scan3A_318 step %scan3A_319  : i32 {
      %mul3A_322 = arith.constant 16 : i32
      %mul3A_323 = arith.muli %scan3A_321, %mul3A_322 : i32
      %get3A_324 = arith.constant 0 : i32
      %get3A_325 = arith.index_cast %get3A_324 : i32 to index
      %get3A_326 = arith.index_cast %mul3A_323 : i32 to index
      %get3A_327 = tpu.vector_load %arg10[%get3A_325, %get3A_326] {strides = array<i32>} : memref<32x1024xf32, #tpu.memory_space<vmem>>, vector<1x16xf32>,
      %get3A_328 = vector.shape_cast %get3A_327 : vector<1x16xf32> to vector<16xf32>
      %mul3A_329 = vector.broadcast %squeeze3A_179 : f32 to vector<16xf32>
      %mul3A_330 = arith.mulf %get3A_328, %mul3A_329 : vector<16xf32>
      %get3A_331 = arith.constant 0 : i32
      %get3A_332 = arith.index_cast %get3A_331 : i32 to index
      %get3A_333 = arith.index_cast %mul3A_323 : i32 to index
      %get3A_334 = tpu.vector_load %arg11[%get3A_332, %get3A_333] {strides = array<i32>} : memref<32x1024xf32, #tpu.memory_space<vmem>>, vector<1x16xf32>,
      %get3A_335 = vector.shape_cast %get3A_334 : vector<1x16xf32> to vector<16xf32>
      %mul3A_336 = vector.broadcast %squeeze3A_181 : f32 to vector<16xf32>
      %mul3A_337 = arith.mulf %get3A_335, %mul3A_336 : vector<16xf32>
      %add3A_338 = arith.addf %mul3A_330, %mul3A_337 : vector<16xf32>
      %swap3A = arith.constant 0 : i32
      %swap3A_339 = arith.index_cast %swap3A : i32 to index
      %swap3A_340 = arith.index_cast %mul3A_323 : i32 to index
      %swap3A_341 = tpu.vector_load %arg12[%swap3A_339, %swap3A_340] {strides = array<i32>} : memref<32x1024xf32, #tpu.memory_space<vmem>>, vector<1x16xf32>,
      %swap3A_342 = vector.shape_cast %swap3A_341 : vector<1x16xf32> to vector<16xf32>
      %swap3A_343 = vector.shape_cast %add3A_338 : vector<16xf32> to vector<1x16xf32>
      tpu.vector_store %arg12[%swap3A_339, %swap3A_340], %swap3A_343 {strides = array<i32>} : memref<32x1024xf32, #tpu.memory_space<vmem>>, vector<1x16xf32>,
      %get3A_344 = arith.constant 1 : i32
      %get3A_345 = arith.index_cast %get3A_344 : i32 to index
      %get3A_346 = arith.index_cast %mul3A_323 : i32 to index
      %get3A_347 = tpu.vector_load %arg10[%get3A_345, %get3A_346] {strides = array<i32>} : memref<32x1024xf32, #tpu.memory_space<vmem>>, vector<1x16xf32>,
      %get3A_348 = vector.shape_cast %get3A_347 : vector<1x16xf32> to vector<16xf32>
      %mul3A_349 = vector.broadcast %squeeze3A_183 : f32 to vector<16xf32>
      %mul3A_350 = arith.mulf %get3A_348, %mul3A_349 : vector<16xf32>
      %get3A_351 = arith.constant 1 : i32
      %get3A_352 = arith.index_cast %get3A_351 : i32 to index
      %get3A_353 = arith.index_cast %mul3A_323 : i32 to index
      %get3A_354 = tpu.vector_load %arg11[%get3A_352, %get3A_353] {strides = array<i32>} : memref<32x1024xf32, #tpu.memory_space<vmem>>, vector<1x16xf32>,
      %get3A_355 = vector.shape_cast %get3A_354 : vector<1x16xf32> to vector<16xf32>
      %mul3A_356 = vector.broadcast %squeeze3A_185 : f32 to vector<16xf32>
      %mul3A_357 = arith.mulf %get3A_355, %mul3A_356 : vector<16xf32>
      %add3A_358 = arith.addf %mul3A_350, %mul3A_357 : vector<16xf32>
      %swap3A_359 = arith.constant 1 : i32
      %swap3A_360 = arith.index_cast %swap3A_359 : i32 to index
      %swap3A_361 = arith.index_cast %mul3A_323 : i32 to index
      %swap3A_362 = tpu.vector_load %arg12[%swap3A_360, %swap3A_361] {strides = array<i32>} : memref<32x1024xf32, #tpu.memory_space<vmem>>, vector<1x16xf32>,
      %swap3A_363 = vector.shape_cast %swap3A_362 : vector<1x16xf32> to vector<16xf32>
      %swap3A_364 = vector.shape_cast %add3A_358 : vector<16xf32> to vector<1x16xf32>
      tpu.vector_store %arg12[%swap3A_360, %swap3A_361], %swap3A_364 {strides = array<i32>} : memref<32x1024xf32, #tpu.memory_space<vmem>>, vector<1x16xf32>,
      %get3A_365 = arith.constant 2 : i32
      %get3A_366 = arith.index_cast %get3A_365 : i32 to index
      %get3A_367 = arith.index_cast %mul3A_323 : i32 to index
      %get3A_368 = tpu.vector_load %arg10[%get3A_366, %get3A_367] {strides = array<i32>} : memref<32x1024xf32, #tpu.memory_space<vmem>>, vector<1x16xf32>,
      %get3A_369 = vector.shape_cast %get3A_368 : vector<1x16xf32> to vector<16xf32>
      %mul3A_370 = vector.broadcast %squeeze3A_187 : f32 to vector<16xf32>
      %mul3A_371 = arith.mulf %get3A_369, %mul3A_370 : vector<16xf32>
      %get3A_372 = arith.constant 2 : i32
      %get3A_373 = arith.index_cast %get3A_372 : i32 to index
      %get3A_374 = arith.index_cast %mul3A_323 : i32 to index
      %get3A_375 = tpu.vector_load %arg11[%get3A_373, %get3A_374] {strides = array<i32>} : memref<32x1024xf32, #tpu.memory_space<vmem>>, vector<1x16xf32>,
      %get3A_376 = vector.shape_cast %get3A_375 : vector<1x16xf32> to vector<16xf32>
      %mul3A_377 = vector.broadcast %squeeze3A_189 : f32 to vector<16xf32>
      %mul3A_378 = arith.mulf %get3A_376, %mul3A_377 : vector<16xf32>
      %add3A_379 = arith.addf %mul3A_371, %mul3A_378 : vector<16xf32>
      %swap3A_380 = arith.constant 2 : i32
      %swap3A_381 = arith.index_cast %swap3A_380 : i32 to index
      %swap3A_382 = arith.index_cast %mul3A_323 : i32 to index
      %swap3A_383 = tpu.vector_load %arg12[%swap3A_381, %swap3A_382] {strides = array<i32>} : memref<32x1024xf32, #tpu.memory_space<vmem>>, vector<1x16xf32>,
      %swap3A_384 = vector.shape_cast %swap3A_383 : vector<1x16xf32> to vector<16xf32>
      %swap3A_385 = vector.shape_cast %add3A_379 : vector<16xf32> to vector<1x16xf32>
      tpu.vector_store %arg12[%swap3A_381, %swap3A_382], %swap3A_385 {strides = array<i32>} : memref<32x1024xf32, #tpu.memory_space<vmem>>, vector<1x16xf32>,
      %get3A_386 = arith.constant 3 : i32
      %get3A_387 = arith.index_cast %get3A_386 : i32 to index
      %get3A_388 = arith.index_cast %mul3A_323 : i32 to index
      %get3A_389 = tpu.vector_load %arg10[%get3A_387, %get3A_388] {strides = array<i32>} : memref<32x1024xf32, #tpu.memory_space<vmem>>, vector<1x16xf32>,
      %get3A_390 = vector.shape_cast %get3A_389 : vector<1x16xf32> to vector<16xf32>
      %mul3A_391 = vector.broadcast %squeeze3A_191 : f32 to vector<16xf32>
      %mul3A_392 = arith.mulf %get3A_390, %mul3A_391 : vector<16xf32>
      %get3A_393 = arith.constant 3 : i32
      %get3A_394 = arith.index_cast %get3A_393 : i32 to index
      %get3A_395 = arith.index_cast %mul3A_323 : i32 to index
      %get3A_396 = tpu.vector_load %arg11[%get3A_394, %get3A_395] {strides = array<i32>} : memref<32x1024xf32, #tpu.memory_space<vmem>>, vector<1x16xf32>,
      %get3A_397 = vector.shape_cast %get3A_396 : vector<1x16xf32> to vector<16xf32>
      %mul3A_398 = vector.broadcast %squeeze3A_193 : f32 to vector<16xf32>
      %mul3A_399 = arith.mulf %get3A_397, %mul3A_398 : vector<16xf32>
      %add3A_400 = arith.addf %mul3A_392, %mul3A_399 : vector<16xf32>
      %swap3A_401 = arith.constant 3 : i32
      %swap3A_402 = arith.index_cast %swap3A_401 : i32 to index
      %swap3A_403 = arith.index_cast %mul3A_323 : i32 to index
      %swap3A_404 = tpu.vector_load %arg12[%swap3A_402, %swap3A_403] {strides = array<i32>} : memref<32x1024xf32, #tpu.memory_space<vmem>>, vector<1x16xf32>,
      %swap3A_405 = vector.shape_cast %swap3A_404 : vector<1x16xf32> to vector<16xf32>
      %swap3A_406 = vector.shape_cast %add3A_400 : vector<16xf32> to vector<1x16xf32>
      tpu.vector_store %arg12[%swap3A_402, %swap3A_403], %swap3A_406 {strides = array<i32>} : memref<32x1024xf32, #tpu.memory_space<vmem>>, vector<1x16xf32>,
      %get3A_407 = arith.constant 4 : i32
      %get3A_408 = arith.index_cast %get3A_407 : i32 to index
      %get3A_409 = arith.index_cast %mul3A_323 : i32 to index
      %get3A_410 = tpu.vector_load %arg10[%get3A_408, %get3A_409] {strides = array<i32>} : memref<32x1024xf32, #tpu.memory_space<vmem>>, vector<1x16xf32>,
      %get3A_411 = vector.shape_cast %get3A_410 : vector<1x16xf32> to vector<16xf32>
      %mul3A_412 = vector.broadcast %squeeze3A_195 : f32 to vector<16xf32>
      %mul3A_413 = arith.mulf %get3A_411, %mul3A_412 : vector<16xf32>
      %get3A_414 = arith.constant 4 : i32
      %get3A_415 = arith.index_cast %get3A_414 : i32 to index
      %get3A_416 = arith.index_cast %mul3A_323 : i32 to index
      %get3A_417 = tpu.vector_load %arg11[%get3A_415, %get3A_416] {strides = array<i32>} : memref<32x1024xf32, #tpu.memory_space<vmem>>, vector<1x16xf32>,
      %get3A_418 = vector.shape_cast %get3A_417 : vector<1x16xf32> to vector<16xf32>
      %mul3A_419 = vector.broadcast %squeeze3A_197 : f32 to vector<16xf32>
      %mul3A_420 = arith.mulf %get3A_418, %mul3A_419 : vector<16xf32>
      %add3A_421 = arith.addf %mul3A_413, %mul3A_420 : vector<16xf32>
      %swap3A_422 = arith.constant 4 : i32
      %swap3A_423 = arith.index_cast %swap3A_422 : i32 to index
      %swap3A_424 = arith.index_cast %mul3A_323 : i32 to index
      %swap3A_425 = tpu.vector_load %arg12[%swap3A_423, %swap3A_424] {strides = array<i32>} : memref<32x1024xf32, #tpu.memory_space<vmem>>, vector<1x16xf32>,
      %swap3A_426 = vector.shape_cast %swap3A_425 : vector<1x16xf32> to vector<16xf32>
      %swap3A_427 = vector.shape_cast %add3A_421 : vector<16xf32> to vector<1x16xf32>
      tpu.vector_store %arg12[%swap3A_423, %swap3A_424], %swap3A_427 {strides = array<i32>} : memref<32x1024xf32, #tpu.memory_space<vmem>>, vector<1x16xf32>,
      %get3A_428 = arith.constant 5 : i32
      %get3A_429 = arith.index_cast %get3A_428 : i32 to index
      %get3A_430 = arith.index_cast %mul3A_323 : i32 to index
      %get3A_431 = tpu.vector_load %arg10[%get3A_429, %get3A_430] {strides = array<i32>} : memref<32x1024xf32, #tpu.memory_space<vmem>>, vector<1x16xf32>,
      %get3A_432 = vector.shape_cast %get3A_431 : vector<1x16xf32> to vector<16xf32>
      %mul3A_433 = vector.broadcast %squeeze3A_199 : f32 to vector<16xf32>
      %mul3A_434 = arith.mulf %get3A_432, %mul3A_433 : vector<16xf32>
      %get3A_435 = arith.constant 5 : i32
      %get3A_436 = arith.index_cast %get3A_435 : i32 to index
      %get3A_437 = arith.index_cast %mul3A_323 : i32 to index
      %get3A_438 = tpu.vector_load %arg11[%get3A_436, %get3A_437] {strides = array<i32>} : memref<32x1024xf32, #tpu.memory_space<vmem>>, vector<1x16xf32>,
      %get3A_439 = vector.shape_cast %get3A_438 : vector<1x16xf32> to vector<16xf32>
      %mul3A_440 = vector.broadcast %squeeze3A_201 : f32 to vector<16xf32>
      %mul3A_441 = arith.mulf %get3A_439, %mul3A_440 : vector<16xf32>
      %add3A_442 = arith.addf %mul3A_434, %mul3A_441 : vector<16xf32>
      %swap3A_443 = arith.constant 5 : i32
      %swap3A_444 = arith.index_cast %swap3A_443 : i32 to index
      %swap3A_445 = arith.index_cast %mul3A_323 : i32 to index
      %swap3A_446 = tpu.vector_load %arg12[%swap3A_444, %swap3A_445] {strides = array<i32>} : memref<32x1024xf32, #tpu.memory_space<vmem>>, vector<1x16xf32>,
      %swap3A_447 = vector.shape_cast %swap3A_446 : vector<1x16xf32> to vector<16xf32>
      %swap3A_448 = vector.shape_cast %add3A_442 : vector<16xf32> to vector<1x16xf32>
      tpu.vector_store %arg12[%swap3A_444, %swap3A_445], %swap3A_448 {strides = array<i32>} : memref<32x1024xf32, #tpu.memory_space<vmem>>, vector<1x16xf32>,
      %get3A_449 = arith.constant 6 : i32
      %get3A_450 = arith.index_cast %get3A_449 : i32 to index
      %get3A_451 = arith.index_cast %mul3A_323 : i32 to index
      %get3A_452 = tpu.vector_load %arg10[%get3A_450, %get3A_451] {strides = array<i32>} : memref<32x1024xf32, #tpu.memory_space<vmem>>, vector<1x16xf32>,
      %get3A_453 = vector.shape_cast %get3A_452 : vector<1x16xf32> to vector<16xf32>
      %mul3A_454 = vector.broadcast %squeeze3A_203 : f32 to vector<16xf32>
      %mul3A_455 = arith.mulf %get3A_453, %mul3A_454 : vector<16xf32>
      %get3A_456 = arith.constant 6 : i32
      %get3A_457 = arith.index_cast %get3A_456 : i32 to index
      %get3A_458 = arith.index_cast %mul3A_323 : i32 to index
      %get3A_459 = tpu.vector_load %arg11[%get3A_457, %get3A_458] {strides = array<i32>} : memref<32x1024xf32, #tpu.memory_space<vmem>>, vector<1x16xf32>,
      %get3A_460 = vector.shape_cast %get3A_459 : vector<1x16xf32> to vector<16xf32>
      %mul3A_461 = vector.broadcast %squeeze3A_205 : f32 to vector<16xf32>
      %mul3A_462 = arith.mulf %get3A_460, %mul3A_461 : vector<16xf32>
      %add3A_463 = arith.addf %mul3A_455, %mul3A_462 : vector<16xf32>
      %swap3A_464 = arith.constant 6 : i32
      %swap3A_465 = arith.index_cast %swap3A_464 : i32 to index
      %swap3A_466 = arith.index_cast %mul3A_323 : i32 to index
      %swap3A_467 = tpu.vector_load %arg12[%swap3A_465, %swap3A_466] {strides = array<i32>} : memref<32x1024xf32, #tpu.memory_space<vmem>>, vector<1x16xf32>,
      %swap3A_468 = vector.shape_cast %swap3A_467 : vector<1x16xf32> to vector<16xf32>
      %swap3A_469 = vector.shape_cast %add3A_463 : vector<16xf32> to vector<1x16xf32>
      tpu.vector_store %arg12[%swap3A_465, %swap3A_466], %swap3A_469 {strides = array<i32>} : memref<32x1024xf32, #tpu.memory_space<vmem>>, vector<1x16xf32>,
      %get3A_470 = arith.constant 7 : i32
      %get3A_471 = arith.index_cast %get3A_470 : i32 to index
      %get3A_472 = arith.index_cast %mul3A_323 : i32 to index
      %get3A_473 = tpu.vector_load %arg10[%get3A_471, %get3A_472] {strides = array<i32>} : memref<32x1024xf32, #tpu.memory_space<vmem>>, vector<1x16xf32>,
      %get3A_474 = vector.shape_cast %get3A_473 : vector<1x16xf32> to vector<16xf32>
      %mul3A_475 = vector.broadcast %squeeze3A_207 : f32 to vector<16xf32>
      %mul3A_476 = arith.mulf %get3A_474, %mul3A_475 : vector<16xf32>
      %get3A_477 = arith.constant 7 : i32
      %get3A_478 = arith.index_cast %get3A_477 : i32 to index
      %get3A_479 = arith.index_cast %mul3A_323 : i32 to index
      %get3A_480 = tpu.vector_load %arg11[%get3A_478, %get3A_479] {strides = array<i32>} : memref<32x1024xf32, #tpu.memory_space<vmem>>, vector<1x16xf32>,
      %get3A_481 = vector.shape_cast %get3A_480 : vector<1x16xf32> to vector<16xf32>
      %mul3A_482 = vector.broadcast %squeeze3A_209 : f32 to vector<16xf32>
      %mul3A_483 = arith.mulf %get3A_481, %mul3A_482 : vector<16xf32>
      %add3A_484 = arith.addf %mul3A_476, %mul3A_483 : vector<16xf32>
      %swap3A_485 = arith.constant 7 : i32
      %swap3A_486 = arith.index_cast %swap3A_485 : i32 to index
      %swap3A_487 = arith.index_cast %mul3A_323 : i32 to index
      %swap3A_488 = tpu.vector_load %arg12[%swap3A_486, %swap3A_487] {strides = array<i32>} : memref<32x1024xf32, #tpu.memory_space<vmem>>, vector<1x16xf32>,
      %swap3A_489 = vector.shape_cast %swap3A_488 : vector<1x16xf32> to vector<16xf32>
      %swap3A_490 = vector.shape_cast %add3A_484 : vector<16xf32> to vector<1x16xf32>
      tpu.vector_store %arg12[%swap3A_486, %swap3A_487], %swap3A_490 {strides = array<i32>} : memref<32x1024xf32, #tpu.memory_space<vmem>>, vector<1x16xf32>,
      %get3A_491 = arith.constant 8 : i32
      %get3A_492 = arith.index_cast %get3A_491 : i32 to index
      %get3A_493 = arith.index_cast %mul3A_323 : i32 to index
      %get3A_494 = tpu.vector_load %arg10[%get3A_492, %get3A_493] {strides = array<i32>} : memref<32x1024xf32, #tpu.memory_space<vmem>>, vector<1x16xf32>,
      %get3A_495 = vector.shape_cast %get3A_494 : vector<1x16xf32> to vector<16xf32>
      %mul3A_496 = vector.broadcast %squeeze3A_214 : f32 to vector<16xf32>
      %mul3A_497 = arith.mulf %get3A_495, %mul3A_496 : vector<16xf32>
      %get3A_498 = arith.constant 8 : i32
      %get3A_499 = arith.index_cast %get3A_498 : i32 to index
      %get3A_500 = arith.index_cast %mul3A_323 : i32 to index
      %get3A_501 = tpu.vector_load %arg11[%get3A_499, %get3A_500] {strides = array<i32>} : memref<32x1024xf32, #tpu.memory_space<vmem>>, vector<1x16xf32>,
      %get3A_502 = vector.shape_cast %get3A_501 : vector<1x16xf32> to vector<16xf32>
      %mul3A_503 = vector.broadcast %squeeze3A_216 : f32 to vector<16xf32>
      %mul3A_504 = arith.mulf %get3A_502, %mul3A_503 : vector<16xf32>
      %add3A_505 = arith.addf %mul3A_497, %mul3A_504 : vector<16xf32>
      %swap3A_506 = arith.constant 8 : i32
      %swap3A_507 = arith.index_cast %swap3A_506 : i32 to index
      %swap3A_508 = arith.index_cast %mul3A_323 : i32 to index
      %swap3A_509 = tpu.vector_load %arg12[%swap3A_507, %swap3A_508] {strides = array<i32>} : memref<32x1024xf32, #tpu.memory_space<vmem>>, vector<1x16xf32>,
      %swap3A_510 = vector.shape_cast %swap3A_509 : vector<1x16xf32> to vector<16xf32>
      %swap3A_511 = vector.shape_cast %add3A_505 : vector<16xf32> to vector<1x16xf32>
      tpu.vector_store %arg12[%swap3A_507, %swap3A_508], %swap3A_511 {strides = array<i32>} : memref<32x1024xf32, #tpu.memory_space<vmem>>, vector<1x16xf32>,
      %get3A_512 = arith.constant 9 : i32
      %get3A_513 = arith.index_cast %get3A_512 : i32 to index
      %get3A_514 = arith.index_cast %mul3A_323 : i32 to index
      %get3A_515 = tpu.vector_load %arg10[%get3A_513, %get3A_514] {strides = array<i32>} : memref<32x1024xf32, #tpu.memory_space<vmem>>, vector<1x16xf32>,
      %get3A_516 = vector.shape_cast %get3A_515 : vector<1x16xf32> to vector<16xf32>
      %mul3A_517 = vector.broadcast %squeeze3A_218 : f32 to vector<16xf32>
      %mul3A_518 = arith.mulf %get3A_516, %mul3A_517 : vector<16xf32>
      %get3A_519 = arith.constant 9 : i32
      %get3A_520 = arith.index_cast %get3A_519 : i32 to index
      %get3A_521 = arith.index_cast %mul3A_323 : i32 to index
      %get3A_522 = tpu.vector_load %arg11[%get3A_520, %get3A_521] {strides = array<i32>} : memref<32x1024xf32, #tpu.memory_space<vmem>>, vector<1x16xf32>,
      %get3A_523 = vector.shape_cast %get3A_522 : vector<1x16xf32> to vector<16xf32>
      %mul3A_524 = vector.broadcast %squeeze3A_220 : f32 to vector<16xf32>
      %mul3A_525 = arith.mulf %get3A_523, %mul3A_524 : vector<16xf32>
      %add3A_526 = arith.addf %mul3A_518, %mul3A_525 : vector<16xf32>
      %swap3A_527 = arith.constant 9 : i32
      %swap3A_528 = arith.index_cast %swap3A_527 : i32 to index
      %swap3A_529 = arith.index_cast %mul3A_323 : i32 to index
      %swap3A_530 = tpu.vector_load %arg12[%swap3A_528, %swap3A_529] {strides = array<i32>} : memref<32x1024xf32, #tpu.memory_space<vmem>>, vector<1x16xf32>,
      %swap3A_531 = vector.shape_cast %swap3A_530 : vector<1x16xf32> to vector<16xf32>
      %swap3A_532 = vector.shape_cast %add3A_526 : vector<16xf32> to vector<1x16xf32>
      tpu.vector_store %arg12[%swap3A_528, %swap3A_529], %swap3A_532 {strides = array<i32>} : memref<32x1024xf32, #tpu.memory_space<vmem>>, vector<1x16xf32>,
      %get3A_533 = arith.constant 10 : i32
      %get3A_534 = arith.index_cast %get3A_533 : i32 to index
      %get3A_535 = arith.index_cast %mul3A_323 : i32 to index
      %get3A_536 = tpu.vector_load %arg10[%get3A_534, %get3A_535] {strides = array<i32>} : memref<32x1024xf32, #tpu.memory_space<vmem>>, vector<1x16xf32>,
      %get3A_537 = vector.shape_cast %get3A_536 : vector<1x16xf32> to vector<16xf32>
      %mul3A_538 = vector.broadcast %squeeze3A_222 : f32 to vector<16xf32>
      %mul3A_539 = arith.mulf %get3A_537, %mul3A_538 : vector<16xf32>
      %get3A_540 = arith.constant 10 : i32
      %get3A_541 = arith.index_cast %get3A_540 : i32 to index
      %get3A_542 = arith.index_cast %mul3A_323 : i32 to index
      %get3A_543 = tpu.vector_load %arg11[%get3A_541, %get3A_542] {strides = array<i32>} : memref<32x1024xf32, #tpu.memory_space<vmem>>, vector<1x16xf32>,
      %get3A_544 = vector.shape_cast %get3A_543 : vector<1x16xf32> to vector<16xf32>
      %mul3A_545 = vector.broadcast %squeeze3A_224 : f32 to vector<16xf32>
      %mul3A_546 = arith.mulf %get3A_544, %mul3A_545 : vector<16xf32>
      %add3A_547 = arith.addf %mul3A_539, %mul3A_546 : vector<16xf32>
      %swap3A_548 = arith.constant 10 : i32
      %swap3A_549 = arith.index_cast %swap3A_548 : i32 to index
      %swap3A_550 = arith.index_cast %mul3A_323 : i32 to index
      %swap3A_551 = tpu.vector_load %arg12[%swap3A_549, %swap3A_550] {strides = array<i32>} : memref<32x1024xf32, #tpu.memory_space<vmem>>, vector<1x16xf32>,
      %swap3A_552 = vector.shape_cast %swap3A_551 : vector<1x16xf32> to vector<16xf32>
      %swap3A_553 = vector.shape_cast %add3A_547 : vector<16xf32> to vector<1x16xf32>
      tpu.vector_store %arg12[%swap3A_549, %swap3A_550], %swap3A_553 {strides = array<i32>} : memref<32x1024xf32, #tpu.memory_space<vmem>>, vector<1x16xf32>,
      %get3A_554 = arith.constant 11 : i32
      %get3A_555 = arith.index_cast %get3A_554 : i32 to index
      %get3A_556 = arith.index_cast %mul3A_323 : i32 to index
      %get3A_557 = tpu.vector_load %arg10[%get3A_555, %get3A_556] {strides = array<i32>} : memref<32x1024xf32, #tpu.memory_space<vmem>>, vector<1x16xf32>,
      %get3A_558 = vector.shape_cast %get3A_557 : vector<1x16xf32> to vector<16xf32>
      %mul3A_559 = vector.broadcast %squeeze3A_226 : f32 to vector<16xf32>
      %mul3A_560 = arith.mulf %get3A_558, %mul3A_559 : vector<16xf32>
      %get3A_561 = arith.constant 11 : i32
      %get3A_562 = arith.index_cast %get3A_561 : i32 to index
      %get3A_563 = arith.index_cast %mul3A_323 : i32 to index
      %get3A_564 = tpu.vector_load %arg11[%get3A_562, %get3A_563] {strides = array<i32>} : memref<32x1024xf32, #tpu.memory_space<vmem>>, vector<1x16xf32>,
      %get3A_565 = vector.shape_cast %get3A_564 : vector<1x16xf32> to vector<16xf32>
      %mul3A_566 = vector.broadcast %squeeze3A_228 : f32 to vector<16xf32>
      %mul3A_567 = arith.mulf %get3A_565, %mul3A_566 : vector<16xf32>
      %add3A_568 = arith.addf %mul3A_560, %mul3A_567 : vector<16xf32>
      %swap3A_569 = arith.constant 11 : i32
      %swap3A_570 = arith.index_cast %swap3A_569 : i32 to index
      %swap3A_571 = arith.index_cast %mul3A_323 : i32 to index
      %swap3A_572 = tpu.vector_load %arg12[%swap3A_570, %swap3A_571] {strides = array<i32>} : memref<32x1024xf32, #tpu.memory_space<vmem>>, vector<1x16xf32>,
      %swap3A_573 = vector.shape_cast %swap3A_572 : vector<1x16xf32> to vector<16xf32>
      %swap3A_574 = vector.shape_cast %add3A_568 : vector<16xf32> to vector<1x16xf32>
      tpu.vector_store %arg12[%swap3A_570, %swap3A_571], %swap3A_574 {strides = array<i32>} : memref<32x1024xf32, #tpu.memory_space<vmem>>, vector<1x16xf32>,
      %get3A_575 = arith.constant 12 : i32
      %get3A_576 = arith.index_cast %get3A_575 : i32 to index
      %get3A_577 = arith.index_cast %mul3A_323 : i32 to index
      %get3A_578 = tpu.vector_load %arg10[%get3A_576, %get3A_577] {strides = array<i32>} : memref<32x1024xf32, #tpu.memory_space<vmem>>, vector<1x16xf32>,
      %get3A_579 = vector.shape_cast %get3A_578 : vector<1x16xf32> to vector<16xf32>
      %mul3A_580 = vector.broadcast %squeeze3A_230 : f32 to vector<16xf32>
      %mul3A_581 = arith.mulf %get3A_579, %mul3A_580 : vector<16xf32>
      %get3A_582 = arith.constant 12 : i32
      %get3A_583 = arith.index_cast %get3A_582 : i32 to index
      %get3A_584 = arith.index_cast %mul3A_323 : i32 to index
      %get3A_585 = tpu.vector_load %arg11[%get3A_583, %get3A_584] {strides = array<i32>} : memref<32x1024xf32, #tpu.memory_space<vmem>>, vector<1x16xf32>,
      %get3A_586 = vector.shape_cast %get3A_585 : vector<1x16xf32> to vector<16xf32>
      %mul3A_587 = vector.broadcast %squeeze3A_232 : f32 to vector<16xf32>
      %mul3A_588 = arith.mulf %get3A_586, %mul3A_587 : vector<16xf32>
      %add3A_589 = arith.addf %mul3A_581, %mul3A_588 : vector<16xf32>
      %swap3A_590 = arith.constant 12 : i32
      %swap3A_591 = arith.index_cast %swap3A_590 : i32 to index
      %swap3A_592 = arith.index_cast %mul3A_323 : i32 to index
      %swap3A_593 = tpu.vector_load %arg12[%swap3A_591, %swap3A_592] {strides = array<i32>} : memref<32x1024xf32, #tpu.memory_space<vmem>>, vector<1x16xf32>,
      %swap3A_594 = vector.shape_cast %swap3A_593 : vector<1x16xf32> to vector<16xf32>
      %swap3A_595 = vector.shape_cast %add3A_589 : vector<16xf32> to vector<1x16xf32>
      tpu.vector_store %arg12[%swap3A_591, %swap3A_592], %swap3A_595 {strides = array<i32>} : memref<32x1024xf32, #tpu.memory_space<vmem>>, vector<1x16xf32>,
      %get3A_596 = arith.constant 13 : i32
      %get3A_597 = arith.index_cast %get3A_596 : i32 to index
      %get3A_598 = arith.index_cast %mul3A_323 : i32 to index
      %get3A_599 = tpu.vector_load %arg10[%get3A_597, %get3A_598] {strides = array<i32>} : memref<32x1024xf32, #tpu.memory_space<vmem>>, vector<1x16xf32>,
      %get3A_600 = vector.shape_cast %get3A_599 : vector<1x16xf32> to vector<16xf32>
      %mul3A_601 = vector.broadcast %squeeze3A_234 : f32 to vector<16xf32>
      %mul3A_602 = arith.mulf %get3A_600, %mul3A_601 : vector<16xf32>
      %get3A_603 = arith.constant 13 : i32
      %get3A_604 = arith.index_cast %get3A_603 : i32 to index
      %get3A_605 = arith.index_cast %mul3A_323 : i32 to index
      %get3A_606 = tpu.vector_load %arg11[%get3A_604, %get3A_605] {strides = array<i32>} : memref<32x1024xf32, #tpu.memory_space<vmem>>, vector<1x16xf32>,
      %get3A_607 = vector.shape_cast %get3A_606 : vector<1x16xf32> to vector<16xf32>
      %mul3A_608 = vector.broadcast %squeeze3A_236 : f32 to vector<16xf32>
      %mul3A_609 = arith.mulf %get3A_607, %mul3A_608 : vector<16xf32>
      %add3A_610 = arith.addf %mul3A_602, %mul3A_609 : vector<16xf32>
      %swap3A_611 = arith.constant 13 : i32
      %swap3A_612 = arith.index_cast %swap3A_611 : i32 to index
      %swap3A_613 = arith.index_cast %mul3A_323 : i32 to index
      %swap3A_614 = tpu.vector_load %arg12[%swap3A_612, %swap3A_613] {strides = array<i32>} : memref<32x1024xf32, #tpu.memory_space<vmem>>, vector<1x16xf32>,
      %swap3A_615 = vector.shape_cast %swap3A_614 : vector<1x16xf32> to vector<16xf32>
      %swap3A_616 = vector.shape_cast %add3A_610 : vector<16xf32> to vector<1x16xf32>
      tpu.vector_store %arg12[%swap3A_612, %swap3A_613], %swap3A_616 {strides = array<i32>} : memref<32x1024xf32, #tpu.memory_space<vmem>>, vector<1x16xf32>,
      %get3A_617 = arith.constant 14 : i32
      %get3A_618 = arith.index_cast %get3A_617 : i32 to index
      %get3A_619 = arith.index_cast %mul3A_323 : i32 to index
      %get3A_620 = tpu.vector_load %arg10[%get3A_618, %get3A_619] {strides = array<i32>} : memref<32x1024xf32, #tpu.memory_space<vmem>>, vector<1x16xf32>,
      %get3A_621 = vector.shape_cast %get3A_620 : vector<1x16xf32> to vector<16xf32>
      %mul3A_622 = vector.broadcast %squeeze3A_238 : f32 to vector<16xf32>
      %mul3A_623 = arith.mulf %get3A_621, %mul3A_622 : vector<16xf32>
      %get3A_624 = arith.constant 14 : i32
      %get3A_625 = arith.index_cast %get3A_624 : i32 to index
      %get3A_626 = arith.index_cast %mul3A_323 : i32 to index
      %get3A_627 = tpu.vector_load %arg11[%get3A_625, %get3A_626] {strides = array<i32>} : memref<32x1024xf32, #tpu.memory_space<vmem>>, vector<1x16xf32>,
      %get3A_628 = vector.shape_cast %get3A_627 : vector<1x16xf32> to vector<16xf32>
      %mul3A_629 = vector.broadcast %squeeze3A_240 : f32 to vector<16xf32>
      %mul3A_630 = arith.mulf %get3A_628, %mul3A_629 : vector<16xf32>
      %add3A_631 = arith.addf %mul3A_623, %mul3A_630 : vector<16xf32>
      %swap3A_632 = arith.constant 14 : i32
      %swap3A_633 = arith.index_cast %swap3A_632 : i32 to index
      %swap3A_634 = arith.index_cast %mul3A_323 : i32 to index
      %swap3A_635 = tpu.vector_load %arg12[%swap3A_633, %swap3A_634] {strides = array<i32>} : memref<32x1024xf32, #tpu.memory_space<vmem>>, vector<1x16xf32>,
      %swap3A_636 = vector.shape_cast %swap3A_635 : vector<1x16xf32> to vector<16xf32>
      %swap3A_637 = vector.shape_cast %add3A_631 : vector<16xf32> to vector<1x16xf32>
      tpu.vector_store %arg12[%swap3A_633, %swap3A_634], %swap3A_637 {strides = array<i32>} : memref<32x1024xf32, #tpu.memory_space<vmem>>, vector<1x16xf32>,
      %get3A_638 = arith.constant 15 : i32
      %get3A_639 = arith.index_cast %get3A_638 : i32 to index
      %get3A_640 = arith.index_cast %mul3A_323 : i32 to index
      %get3A_641 = tpu.vector_load %arg10[%get3A_639, %get3A_640] {strides = array<i32>} : memref<32x1024xf32, #tpu.memory_space<vmem>>, vector<1x16xf32>,
      %get3A_642 = vector.shape_cast %get3A_641 : vector<1x16xf32> to vector<16xf32>
      %mul3A_643 = vector.broadcast %squeeze3A_242 : f32 to vector<16xf32>
      %mul3A_644 = arith.mulf %get3A_642, %mul3A_643 : vector<16xf32>
      %get3A_645 = arith.constant 15 : i32
      %get3A_646 = arith.index_cast %get3A_645 : i32 to index
      %get3A_647 = arith.index_cast %mul3A_323 : i32 to index
      %get3A_648 = tpu.vector_load %arg11[%get3A_646, %get3A_647] {strides = array<i32>} : memref<32x1024xf32, #tpu.memory_space<vmem>>, vector<1x16xf32>,
      %get3A_649 = vector.shape_cast %get3A_648 : vector<1x16xf32> to vector<16xf32>
      %mul3A_650 = vector.broadcast %squeeze3A_244 : f32 to vector<16xf32>
      %mul3A_651 = arith.mulf %get3A_649, %mul3A_650 : vector<16xf32>
      %add3A_652 = arith.addf %mul3A_644, %mul3A_651 : vector<16xf32>
      %swap3A_653 = arith.constant 15 : i32
      %swap3A_654 = arith.index_cast %swap3A_653 : i32 to index
      %swap3A_655 = arith.index_cast %mul3A_323 : i32 to index
      %swap3A_656 = tpu.vector_load %arg12[%swap3A_654, %swap3A_655] {strides = array<i32>} : memref<32x1024xf32, #tpu.memory_space<vmem>>, vector<1x16xf32>,
      %swap3A_657 = vector.shape_cast %swap3A_656 : vector<1x16xf32> to vector<16xf32>
      %swap3A_658 = vector.shape_cast %add3A_652 : vector<16xf32> to vector<1x16xf32>
      tpu.vector_store %arg12[%swap3A_654, %swap3A_655], %swap3A_658 {strides = array<i32>} : memref<32x1024xf32, #tpu.memory_space<vmem>>, vector<1x16xf32>,
      %get3A_659 = arith.constant 16 : i32
      %get3A_660 = arith.index_cast %get3A_659 : i32 to index
      %get3A_661 = arith.index_cast %mul3A_323 : i32 to index
      %get3A_662 = tpu.vector_load %arg10[%get3A_660, %get3A_661] {strides = array<i32>} : memref<32x1024xf32, #tpu.memory_space<vmem>>, vector<1x16xf32>,
      %get3A_663 = vector.shape_cast %get3A_662 : vector<1x16xf32> to vector<16xf32>
      %mul3A_664 = vector.broadcast %squeeze3A_249 : f32 to vector<16xf32>
      %mul3A_665 = arith.mulf %get3A_663, %mul3A_664 : vector<16xf32>
      %get3A_666 = arith.constant 16 : i32
      %get3A_667 = arith.index_cast %get3A_666 : i32 to index
      %get3A_668 = arith.index_cast %mul3A_323 : i32 to index
      %get3A_669 = tpu.vector_load %arg11[%get3A_667, %get3A_668] {strides = array<i32>} : memref<32x1024xf32, #tpu.memory_space<vmem>>, vector<1x16xf32>,
      %get3A_670 = vector.shape_cast %get3A_669 : vector<1x16xf32> to vector<16xf32>
      %mul3A_671 = vector.broadcast %squeeze3A_251 : f32 to vector<16xf32>
      %mul3A_672 = arith.mulf %get3A_670, %mul3A_671 : vector<16xf32>
      %add3A_673 = arith.addf %mul3A_665, %mul3A_672 : vector<16xf32>
      %swap3A_674 = arith.constant 16 : i32
      %swap3A_675 = arith.index_cast %swap3A_674 : i32 to index
      %swap3A_676 = arith.index_cast %mul3A_323 : i32 to index
      %swap3A_677 = tpu.vector_load %arg12[%swap3A_675, %swap3A_676] {strides = array<i32>} : memref<32x1024xf32, #tpu.memory_space<vmem>>, vector<1x16xf32>,
      %swap3A_678 = vector.shape_cast %swap3A_677 : vector<1x16xf32> to vector<16xf32>
      %swap3A_679 = vector.shape_cast %add3A_673 : vector<16xf32> to vector<1x16xf32>
      tpu.vector_store %arg12[%swap3A_675, %swap3A_676], %swap3A_679 {strides = array<i32>} : memref<32x1024xf32, #tpu.memory_space<vmem>>, vector<1x16xf32>,
      %get3A_680 = arith.constant 17 : i32
      %get3A_681 = arith.index_cast %get3A_680 : i32 to index
      %get3A_682 = arith.index_cast %mul3A_323 : i32 to index
      %get3A_683 = tpu.vector_load %arg10[%get3A_681, %get3A_682] {strides = array<i32>} : memref<32x1024xf32, #tpu.memory_space<vmem>>, vector<1x16xf32>,
      %get3A_684 = vector.shape_cast %get3A_683 : vector<1x16xf32> to vector<16xf32>
      %mul3A_685 = vector.broadcast %squeeze3A_253 : f32 to vector<16xf32>
      %mul3A_686 = arith.mulf %get3A_684, %mul3A_685 : vector<16xf32>
      %get3A_687 = arith.constant 17 : i32
      %get3A_688 = arith.index_cast %get3A_687 : i32 to index
      %get3A_689 = arith.index_cast %mul3A_323 : i32 to index
      %get3A_690 = tpu.vector_load %arg11[%get3A_688, %get3A_689] {strides = array<i32>} : memref<32x1024xf32, #tpu.memory_space<vmem>>, vector<1x16xf32>,
      %get3A_691 = vector.shape_cast %get3A_690 : vector<1x16xf32> to vector<16xf32>
      %mul3A_692 = vector.broadcast %squeeze3A_255 : f32 to vector<16xf32>
      %mul3A_693 = arith.mulf %get3A_691, %mul3A_692 : vector<16xf32>
      %add3A_694 = arith.addf %mul3A_686, %mul3A_693 : vector<16xf32>
      %swap3A_695 = arith.constant 17 : i32
      %swap3A_696 = arith.index_cast %swap3A_695 : i32 to index
      %swap3A_697 = arith.index_cast %mul3A_323 : i32 to index
      %swap3A_698 = tpu.vector_load %arg12[%swap3A_696, %swap3A_697] {strides = array<i32>} : memref<32x1024xf32, #tpu.memory_space<vmem>>, vector<1x16xf32>,
      %swap3A_699 = vector.shape_cast %swap3A_698 : vector<1x16xf32> to vector<16xf32>
      %swap3A_700 = vector.shape_cast %add3A_694 : vector<16xf32> to vector<1x16xf32>
      tpu.vector_store %arg12[%swap3A_696, %swap3A_697], %swap3A_700 {strides = array<i32>} : memref<32x1024xf32, #tpu.memory_space<vmem>>, vector<1x16xf32>,
      %get3A_701 = arith.constant 18 : i32
      %get3A_702 = arith.index_cast %get3A_701 : i32 to index
      %get3A_703 = arith.index_cast %mul3A_323 : i32 to index
      %get3A_704 = tpu.vector_load %arg10[%get3A_702, %get3A_703] {strides = array<i32>} : memref<32x1024xf32, #tpu.memory_space<vmem>>, vector<1x16xf32>,
      %get3A_705 = vector.shape_cast %get3A_704 : vector<1x16xf32> to vector<16xf32>
      %mul3A_706 = vector.broadcast %squeeze3A_257 : f32 to vector<16xf32>
      %mul3A_707 = arith.mulf %get3A_705, %mul3A_706 : vector<16xf32>
      %get3A_708 = arith.constant 18 : i32
      %get3A_709 = arith.index_cast %get3A_708 : i32 to index
      %get3A_710 = arith.index_cast %mul3A_323 : i32 to index
      %get3A_711 = tpu.vector_load %arg11[%get3A_709, %get3A_710] {strides = array<i32>} : memref<32x1024xf32, #tpu.memory_space<vmem>>, vector<1x16xf32>,
      %get3A_712 = vector.shape_cast %get3A_711 : vector<1x16xf32> to vector<16xf32>
      %mul3A_713 = vector.broadcast %squeeze3A_259 : f32 to vector<16xf32>
      %mul3A_714 = arith.mulf %get3A_712, %mul3A_713 : vector<16xf32>
      %add3A_715 = arith.addf %mul3A_707, %mul3A_714 : vector<16xf32>
      %swap3A_716 = arith.constant 18 : i32
      %swap3A_717 = arith.index_cast %swap3A_716 : i32 to index
      %swap3A_718 = arith.index_cast %mul3A_323 : i32 to index
      %swap3A_719 = tpu.vector_load %arg12[%swap3A_717, %swap3A_718] {strides = array<i32>} : memref<32x1024xf32, #tpu.memory_space<vmem>>, vector<1x16xf32>,
      %swap3A_720 = vector.shape_cast %swap3A_719 : vector<1x16xf32> to vector<16xf32>
      %swap3A_721 = vector.shape_cast %add3A_715 : vector<16xf32> to vector<1x16xf32>
      tpu.vector_store %arg12[%swap3A_717, %swap3A_718], %swap3A_721 {strides = array<i32>} : memref<32x1024xf32, #tpu.memory_space<vmem>>, vector<1x16xf32>,
      %get3A_722 = arith.constant 19 : i32
      %get3A_723 = arith.index_cast %get3A_722 : i32 to index
      %get3A_724 = arith.index_cast %mul3A_323 : i32 to index
      %get3A_725 = tpu.vector_load %arg10[%get3A_723, %get3A_724] {strides = array<i32>} : memref<32x1024xf32, #tpu.memory_space<vmem>>, vector<1x16xf32>,
      %get3A_726 = vector.shape_cast %get3A_725 : vector<1x16xf32> to vector<16xf32>
      %mul3A_727 = vector.broadcast %squeeze3A_261 : f32 to vector<16xf32>
      %mul3A_728 = arith.mulf %get3A_726, %mul3A_727 : vector<16xf32>
      %get3A_729 = arith.constant 19 : i32
      %get3A_730 = arith.index_cast %get3A_729 : i32 to index
      %get3A_731 = arith.index_cast %mul3A_323 : i32 to index
      %get3A_732 = tpu.vector_load %arg11[%get3A_730, %get3A_731] {strides = array<i32>} : memref<32x1024xf32, #tpu.memory_space<vmem>>, vector<1x16xf32>,
      %get3A_733 = vector.shape_cast %get3A_732 : vector<1x16xf32> to vector<16xf32>
      %mul3A_734 = vector.broadcast %squeeze3A_263 : f32 to vector<16xf32>
      %mul3A_735 = arith.mulf %get3A_733, %mul3A_734 : vector<16xf32>
      %add3A_736 = arith.addf %mul3A_728, %mul3A_735 : vector<16xf32>
      %swap3A_737 = arith.constant 19 : i32
      %swap3A_738 = arith.index_cast %swap3A_737 : i32 to index
      %swap3A_739 = arith.index_cast %mul3A_323 : i32 to index
      %swap3A_740 = tpu.vector_load %arg12[%swap3A_738, %swap3A_739] {strides = array<i32>} : memref<32x1024xf32, #tpu.memory_space<vmem>>, vector<1x16xf32>,
      %swap3A_741 = vector.shape_cast %swap3A_740 : vector<1x16xf32> to vector<16xf32>
      %swap3A_742 = vector.shape_cast %add3A_736 : vector<16xf32> to vector<1x16xf32>
      tpu.vector_store %arg12[%swap3A_738, %swap3A_739], %swap3A_742 {strides = array<i32>} : memref<32x1024xf32, #tpu.memory_space<vmem>>, vector<1x16xf32>,
      %get3A_743 = arith.constant 20 : i32
      %get3A_744 = arith.index_cast %get3A_743 : i32 to index
      %get3A_745 = arith.index_cast %mul3A_323 : i32 to index
      %get3A_746 = tpu.vector_load %arg10[%get3A_744, %get3A_745] {strides = array<i32>} : memref<32x1024xf32, #tpu.memory_space<vmem>>, vector<1x16xf32>,
      %get3A_747 = vector.shape_cast %get3A_746 : vector<1x16xf32> to vector<16xf32>
      %mul3A_748 = vector.broadcast %squeeze3A_265 : f32 to vector<16xf32>
      %mul3A_749 = arith.mulf %get3A_747, %mul3A_748 : vector<16xf32>
      %get3A_750 = arith.constant 20 : i32
      %get3A_751 = arith.index_cast %get3A_750 : i32 to index
      %get3A_752 = arith.index_cast %mul3A_323 : i32 to index
      %get3A_753 = tpu.vector_load %arg11[%get3A_751, %get3A_752] {strides = array<i32>} : memref<32x1024xf32, #tpu.memory_space<vmem>>, vector<1x16xf32>,
      %get3A_754 = vector.shape_cast %get3A_753 : vector<1x16xf32> to vector<16xf32>
      %mul3A_755 = vector.broadcast %squeeze3A_267 : f32 to vector<16xf32>
      %mul3A_756 = arith.mulf %get3A_754, %mul3A_755 : vector<16xf32>
      %add3A_757 = arith.addf %mul3A_749, %mul3A_756 : vector<16xf32>
      %swap3A_758 = arith.constant 20 : i32
      %swap3A_759 = arith.index_cast %swap3A_758 : i32 to index
      %swap3A_760 = arith.index_cast %mul3A_323 : i32 to index
      %swap3A_761 = tpu.vector_load %arg12[%swap3A_759, %swap3A_760] {strides = array<i32>} : memref<32x1024xf32, #tpu.memory_space<vmem>>, vector<1x16xf32>,
      %swap3A_762 = vector.shape_cast %swap3A_761 : vector<1x16xf32> to vector<16xf32>
      %swap3A_763 = vector.shape_cast %add3A_757 : vector<16xf32> to vector<1x16xf32>
      tpu.vector_store %arg12[%swap3A_759, %swap3A_760], %swap3A_763 {strides = array<i32>} : memref<32x1024xf32, #tpu.memory_space<vmem>>, vector<1x16xf32>,
      %get3A_764 = arith.constant 21 : i32
      %get3A_765 = arith.index_cast %get3A_764 : i32 to index
      %get3A_766 = arith.index_cast %mul3A_323 : i32 to index
      %get3A_767 = tpu.vector_load %arg10[%get3A_765, %get3A_766] {strides = array<i32>} : memref<32x1024xf32, #tpu.memory_space<vmem>>, vector<1x16xf32>,
      %get3A_768 = vector.shape_cast %get3A_767 : vector<1x16xf32> to vector<16xf32>
      %mul3A_769 = vector.broadcast %squeeze3A_269 : f32 to vector<16xf32>
      %mul3A_770 = arith.mulf %get3A_768, %mul3A_769 : vector<16xf32>
      %get3A_771 = arith.constant 21 : i32
      %get3A_772 = arith.index_cast %get3A_771 : i32 to index
      %get3A_773 = arith.index_cast %mul3A_323 : i32 to index
      %get3A_774 = tpu.vector_load %arg11[%get3A_772, %get3A_773] {strides = array<i32>} : memref<32x1024xf32, #tpu.memory_space<vmem>>, vector<1x16xf32>,
      %get3A_775 = vector.shape_cast %get3A_774 : vector<1x16xf32> to vector<16xf32>
      %mul3A_776 = vector.broadcast %squeeze3A_271 : f32 to vector<16xf32>
      %mul3A_777 = arith.mulf %get3A_775, %mul3A_776 : vector<16xf32>
      %add3A_778 = arith.addf %mul3A_770, %mul3A_777 : vector<16xf32>
      %swap3A_779 = arith.constant 21 : i32
      %swap3A_780 = arith.index_cast %swap3A_779 : i32 to index
      %swap3A_781 = arith.index_cast %mul3A_323 : i32 to index
      %swap3A_782 = tpu.vector_load %arg12[%swap3A_780, %swap3A_781] {strides = array<i32>} : memref<32x1024xf32, #tpu.memory_space<vmem>>, vector<1x16xf32>,
      %swap3A_783 = vector.shape_cast %swap3A_782 : vector<1x16xf32> to vector<16xf32>
      %swap3A_784 = vector.shape_cast %add3A_778 : vector<16xf32> to vector<1x16xf32>
      tpu.vector_store %arg12[%swap3A_780, %swap3A_781], %swap3A_784 {strides = array<i32>} : memref<32x1024xf32, #tpu.memory_space<vmem>>, vector<1x16xf32>,
      %get3A_785 = arith.constant 22 : i32
      %get3A_786 = arith.index_cast %get3A_785 : i32 to index
      %get3A_787 = arith.index_cast %mul3A_323 : i32 to index
      %get3A_788 = tpu.vector_load %arg10[%get3A_786, %get3A_787] {strides = array<i32>} : memref<32x1024xf32, #tpu.memory_space<vmem>>, vector<1x16xf32>,
      %get3A_789 = vector.shape_cast %get3A_788 : vector<1x16xf32> to vector<16xf32>
      %mul3A_790 = vector.broadcast %squeeze3A_273 : f32 to vector<16xf32>
      %mul3A_791 = arith.mulf %get3A_789, %mul3A_790 : vector<16xf32>
      %get3A_792 = arith.constant 22 : i32
      %get3A_793 = arith.index_cast %get3A_792 : i32 to index
      %get3A_794 = arith.index_cast %mul3A_323 : i32 to index
      %get3A_795 = tpu.vector_load %arg11[%get3A_793, %get3A_794] {strides = array<i32>} : memref<32x1024xf32, #tpu.memory_space<vmem>>, vector<1x16xf32>,
      %get3A_796 = vector.shape_cast %get3A_795 : vector<1x16xf32> to vector<16xf32>
      %mul3A_797 = vector.broadcast %squeeze3A_275 : f32 to vector<16xf32>
      %mul3A_798 = arith.mulf %get3A_796, %mul3A_797 : vector<16xf32>
      %add3A_799 = arith.addf %mul3A_791, %mul3A_798 : vector<16xf32>
      %swap3A_800 = arith.constant 22 : i32
      %swap3A_801 = arith.index_cast %swap3A_800 : i32 to index
      %swap3A_802 = arith.index_cast %mul3A_323 : i32 to index
      %swap3A_803 = tpu.vector_load %arg12[%swap3A_801, %swap3A_802] {strides = array<i32>} : memref<32x1024xf32, #tpu.memory_space<vmem>>, vector<1x16xf32>,
      %swap3A_804 = vector.shape_cast %swap3A_803 : vector<1x16xf32> to vector<16xf32>
      %swap3A_805 = vector.shape_cast %add3A_799 : vector<16xf32> to vector<1x16xf32>
      tpu.vector_store %arg12[%swap3A_801, %swap3A_802], %swap3A_805 {strides = array<i32>} : memref<32x1024xf32, #tpu.memory_space<vmem>>, vector<1x16xf32>,
      %get3A_806 = arith.constant 23 : i32
      %get3A_807 = arith.index_cast %get3A_806 : i32 to index
      %get3A_808 = arith.index_cast %mul3A_323 : i32 to index
      %get3A_809 = tpu.vector_load %arg10[%get3A_807, %get3A_808] {strides = array<i32>} : memref<32x1024xf32, #tpu.memory_space<vmem>>, vector<1x16xf32>,
      %get3A_810 = vector.shape_cast %get3A_809 : vector<1x16xf32> to vector<16xf32>
      %mul3A_811 = vector.broadcast %squeeze3A_277 : f32 to vector<16xf32>
      %mul3A_812 = arith.mulf %get3A_810, %mul3A_811 : vector<16xf32>
      %get3A_813 = arith.constant 23 : i32
      %get3A_814 = arith.index_cast %get3A_813 : i32 to index
      %get3A_815 = arith.index_cast %mul3A_323 : i32 to index
      %get3A_816 = tpu.vector_load %arg11[%get3A_814, %get3A_815] {strides = array<i32>} : memref<32x1024xf32, #tpu.memory_space<vmem>>, vector<1x16xf32>,
      %get3A_817 = vector.shape_cast %get3A_816 : vector<1x16xf32> to vector<16xf32>
      %mul3A_818 = vector.broadcast %squeeze3A_279 : f32 to vector<16xf32>
      %mul3A_819 = arith.mulf %get3A_817, %mul3A_818 : vector<16xf32>
      %add3A_820 = arith.addf %mul3A_812, %mul3A_819 : vector<16xf32>
      %swap3A_821 = arith.constant 23 : i32
      %swap3A_822 = arith.index_cast %swap3A_821 : i32 to index
      %swap3A_823 = arith.index_cast %mul3A_323 : i32 to index
      %swap3A_824 = tpu.vector_load %arg12[%swap3A_822, %swap3A_823] {strides = array<i32>} : memref<32x1024xf32, #tpu.memory_space<vmem>>, vector<1x16xf32>,
      %swap3A_825 = vector.shape_cast %swap3A_824 : vector<1x16xf32> to vector<16xf32>
      %swap3A_826 = vector.shape_cast %add3A_820 : vector<16xf32> to vector<1x16xf32>
      tpu.vector_store %arg12[%swap3A_822, %swap3A_823], %swap3A_826 {strides = array<i32>} : memref<32x1024xf32, #tpu.memory_space<vmem>>, vector<1x16xf32>,
      %get3A_827 = arith.constant 24 : i32
      %get3A_828 = arith.index_cast %get3A_827 : i32 to index
      %get3A_829 = arith.index_cast %mul3A_323 : i32 to index
      %get3A_830 = tpu.vector_load %arg10[%get3A_828, %get3A_829] {strides = array<i32>} : memref<32x1024xf32, #tpu.memory_space<vmem>>, vector<1x16xf32>,
      %get3A_831 = vector.shape_cast %get3A_830 : vector<1x16xf32> to vector<16xf32>
      %mul3A_832 = vector.broadcast %squeeze3A_284 : f32 to vector<16xf32>
      %mul3A_833 = arith.mulf %get3A_831, %mul3A_832 : vector<16xf32>
      %get3A_834 = arith.constant 24 : i32
      %get3A_835 = arith.index_cast %get3A_834 : i32 to index
      %get3A_836 = arith.index_cast %mul3A_323 : i32 to index
      %get3A_837 = tpu.vector_load %arg11[%get3A_835, %get3A_836] {strides = array<i32>} : memref<32x1024xf32, #tpu.memory_space<vmem>>, vector<1x16xf32>,
      %get3A_838 = vector.shape_cast %get3A_837 : vector<1x16xf32> to vector<16xf32>
      %mul3A_839 = vector.broadcast %squeeze3A_286 : f32 to vector<16xf32>
      %mul3A_840 = arith.mulf %get3A_838, %mul3A_839 : vector<16xf32>
      %add3A_841 = arith.addf %mul3A_833, %mul3A_840 : vector<16xf32>
      %swap3A_842 = arith.constant 24 : i32
      %swap3A_843 = arith.index_cast %swap3A_842 : i32 to index
      %swap3A_844 = arith.index_cast %mul3A_323 : i32 to index
      %swap3A_845 = tpu.vector_load %arg12[%swap3A_843, %swap3A_844] {strides = array<i32>} : memref<32x1024xf32, #tpu.memory_space<vmem>>, vector<1x16xf32>,
      %swap3A_846 = vector.shape_cast %swap3A_845 : vector<1x16xf32> to vector<16xf32>
      %swap3A_847 = vector.shape_cast %add3A_841 : vector<16xf32> to vector<1x16xf32>
      tpu.vector_store %arg12[%swap3A_843, %swap3A_844], %swap3A_847 {strides = array<i32>} : memref<32x1024xf32, #tpu.memory_space<vmem>>, vector<1x16xf32>,
      %get3A_848 = arith.constant 25 : i32
      %get3A_849 = arith.index_cast %get3A_848 : i32 to index
      %get3A_850 = arith.index_cast %mul3A_323 : i32 to index
      %get3A_851 = tpu.vector_load %arg10[%get3A_849, %get3A_850] {strides = array<i32>} : memref<32x1024xf32, #tpu.memory_space<vmem>>, vector<1x16xf32>,
      %get3A_852 = vector.shape_cast %get3A_851 : vector<1x16xf32> to vector<16xf32>
      %mul3A_853 = vector.broadcast %squeeze3A_288 : f32 to vector<16xf32>
      %mul3A_854 = arith.mulf %get3A_852, %mul3A_853 : vector<16xf32>
      %get3A_855 = arith.constant 25 : i32
      %get3A_856 = arith.index_cast %get3A_855 : i32 to index
      %get3A_857 = arith.index_cast %mul3A_323 : i32 to index
      %get3A_858 = tpu.vector_load %arg11[%get3A_856, %get3A_857] {strides = array<i32>} : memref<32x1024xf32, #tpu.memory_space<vmem>>, vector<1x16xf32>,
      %get3A_859 = vector.shape_cast %get3A_858 : vector<1x16xf32> to vector<16xf32>
      %mul3A_860 = vector.broadcast %squeeze3A_290 : f32 to vector<16xf32>
      %mul3A_861 = arith.mulf %get3A_859, %mul3A_860 : vector<16xf32>
      %add3A_862 = arith.addf %mul3A_854, %mul3A_861 : vector<16xf32>
      %swap3A_863 = arith.constant 25 : i32
      %swap3A_864 = arith.index_cast %swap3A_863 : i32 to index
      %swap3A_865 = arith.index_cast %mul3A_323 : i32 to index
      %swap3A_866 = tpu.vector_load %arg12[%swap3A_864, %swap3A_865] {strides = array<i32>} : memref<32x1024xf32, #tpu.memory_space<vmem>>, vector<1x16xf32>,
      %swap3A_867 = vector.shape_cast %swap3A_866 : vector<1x16xf32> to vector<16xf32>
      %swap3A_868 = vector.shape_cast %add3A_862 : vector<16xf32> to vector<1x16xf32>
      tpu.vector_store %arg12[%swap3A_864, %swap3A_865], %swap3A_868 {strides = array<i32>} : memref<32x1024xf32, #tpu.memory_space<vmem>>, vector<1x16xf32>,
      %get3A_869 = arith.constant 26 : i32
      %get3A_870 = arith.index_cast %get3A_869 : i32 to index
      %get3A_871 = arith.index_cast %mul3A_323 : i32 to index
      %get3A_872 = tpu.vector_load %arg10[%get3A_870, %get3A_871] {strides = array<i32>} : memref<32x1024xf32, #tpu.memory_space<vmem>>, vector<1x16xf32>,
      %get3A_873 = vector.shape_cast %get3A_872 : vector<1x16xf32> to vector<16xf32>
      %mul3A_874 = vector.broadcast %squeeze3A_292 : f32 to vector<16xf32>
      %mul3A_875 = arith.mulf %get3A_873, %mul3A_874 : vector<16xf32>
      %get3A_876 = arith.constant 26 : i32
      %get3A_877 = arith.index_cast %get3A_876 : i32 to index
      %get3A_878 = arith.index_cast %mul3A_323 : i32 to index
      %get3A_879 = tpu.vector_load %arg11[%get3A_877, %get3A_878] {strides = array<i32>} : memref<32x1024xf32, #tpu.memory_space<vmem>>, vector<1x16xf32>,
      %get3A_880 = vector.shape_cast %get3A_879 : vector<1x16xf32> to vector<16xf32>
      %mul3A_881 = vector.broadcast %squeeze3A_294 : f32 to vector<16xf32>
      %mul3A_882 = arith.mulf %get3A_880, %mul3A_881 : vector<16xf32>
      %add3A_883 = arith.addf %mul3A_875, %mul3A_882 : vector<16xf32>
      %swap3A_884 = arith.constant 26 : i32
      %swap3A_885 = arith.index_cast %swap3A_884 : i32 to index
      %swap3A_886 = arith.index_cast %mul3A_323 : i32 to index
      %swap3A_887 = tpu.vector_load %arg12[%swap3A_885, %swap3A_886] {strides = array<i32>} : memref<32x1024xf32, #tpu.memory_space<vmem>>, vector<1x16xf32>,
      %swap3A_888 = vector.shape_cast %swap3A_887 : vector<1x16xf32> to vector<16xf32>
      %swap3A_889 = vector.shape_cast %add3A_883 : vector<16xf32> to vector<1x16xf32>
      tpu.vector_store %arg12[%swap3A_885, %swap3A_886], %swap3A_889 {strides = array<i32>} : memref<32x1024xf32, #tpu.memory_space<vmem>>, vector<1x16xf32>,
      %get3A_890 = arith.constant 27 : i32
      %get3A_891 = arith.index_cast %get3A_890 : i32 to index
      %get3A_892 = arith.index_cast %mul3A_323 : i32 to index
      %get3A_893 = tpu.vector_load %arg10[%get3A_891, %get3A_892] {strides = array<i32>} : memref<32x1024xf32, #tpu.memory_space<vmem>>, vector<1x16xf32>,
      %get3A_894 = vector.shape_cast %get3A_893 : vector<1x16xf32> to vector<16xf32>
      %mul3A_895 = vector.broadcast %squeeze3A_296 : f32 to vector<16xf32>
      %mul3A_896 = arith.mulf %get3A_894, %mul3A_895 : vector<16xf32>
      %get3A_897 = arith.constant 27 : i32
      %get3A_898 = arith.index_cast %get3A_897 : i32 to index
      %get3A_899 = arith.index_cast %mul3A_323 : i32 to index
      %get3A_900 = tpu.vector_load %arg11[%get3A_898, %get3A_899] {strides = array<i32>} : memref<32x1024xf32, #tpu.memory_space<vmem>>, vector<1x16xf32>,
      %get3A_901 = vector.shape_cast %get3A_900 : vector<1x16xf32> to vector<16xf32>
      %mul3A_902 = vector.broadcast %squeeze3A_298 : f32 to vector<16xf32>
      %mul3A_903 = arith.mulf %get3A_901, %mul3A_902 : vector<16xf32>
      %add3A_904 = arith.addf %mul3A_896, %mul3A_903 : vector<16xf32>
      %swap3A_905 = arith.constant 27 : i32
      %swap3A_906 = arith.index_cast %swap3A_905 : i32 to index
      %swap3A_907 = arith.index_cast %mul3A_323 : i32 to index
      %swap3A_908 = tpu.vector_load %arg12[%swap3A_906, %swap3A_907] {strides = array<i32>} : memref<32x1024xf32, #tpu.memory_space<vmem>>, vector<1x16xf32>,
      %swap3A_909 = vector.shape_cast %swap3A_908 : vector<1x16xf32> to vector<16xf32>
      %swap3A_910 = vector.shape_cast %add3A_904 : vector<16xf32> to vector<1x16xf32>
      tpu.vector_store %arg12[%swap3A_906, %swap3A_907], %swap3A_910 {strides = array<i32>} : memref<32x1024xf32, #tpu.memory_space<vmem>>, vector<1x16xf32>,
      %get3A_911 = arith.constant 28 : i32
      %get3A_912 = arith.index_cast %get3A_911 : i32 to index
      %get3A_913 = arith.index_cast %mul3A_323 : i32 to index
      %get3A_914 = tpu.vector_load %arg10[%get3A_912, %get3A_913] {strides = array<i32>} : memref<32x1024xf32, #tpu.memory_space<vmem>>, vector<1x16xf32>,
      %get3A_915 = vector.shape_cast %get3A_914 : vector<1x16xf32> to vector<16xf32>
      %mul3A_916 = vector.broadcast %squeeze3A_300 : f32 to vector<16xf32>
      %mul3A_917 = arith.mulf %get3A_915, %mul3A_916 : vector<16xf32>
      %get3A_918 = arith.constant 28 : i32
      %get3A_919 = arith.index_cast %get3A_918 : i32 to index
      %get3A_920 = arith.index_cast %mul3A_323 : i32 to index
      %get3A_921 = tpu.vector_load %arg11[%get3A_919, %get3A_920] {strides = array<i32>} : memref<32x1024xf32, #tpu.memory_space<vmem>>, vector<1x16xf32>,
      %get3A_922 = vector.shape_cast %get3A_921 : vector<1x16xf32> to vector<16xf32>
      %mul3A_923 = vector.broadcast %squeeze3A_302 : f32 to vector<16xf32>
      %mul3A_924 = arith.mulf %get3A_922, %mul3A_923 : vector<16xf32>
      %add3A_925 = arith.addf %mul3A_917, %mul3A_924 : vector<16xf32>
      %swap3A_926 = arith.constant 28 : i32
      %swap3A_927 = arith.index_cast %swap3A_926 : i32 to index
      %swap3A_928 = arith.index_cast %mul3A_323 : i32 to index
      %swap3A_929 = tpu.vector_load %arg12[%swap3A_927, %swap3A_928] {strides = array<i32>} : memref<32x1024xf32, #tpu.memory_space<vmem>>, vector<1x16xf32>,
      %swap3A_930 = vector.shape_cast %swap3A_929 : vector<1x16xf32> to vector<16xf32>
      %swap3A_931 = vector.shape_cast %add3A_925 : vector<16xf32> to vector<1x16xf32>
      tpu.vector_store %arg12[%swap3A_927, %swap3A_928], %swap3A_931 {strides = array<i32>} : memref<32x1024xf32, #tpu.memory_space<vmem>>, vector<1x16xf32>,
      %get3A_932 = arith.constant 29 : i32
      %get3A_933 = arith.index_cast %get3A_932 : i32 to index
      %get3A_934 = arith.index_cast %mul3A_323 : i32 to index
      %get3A_935 = tpu.vector_load %arg10[%get3A_933, %get3A_934] {strides = array<i32>} : memref<32x1024xf32, #tpu.memory_space<vmem>>, vector<1x16xf32>,
      %get3A_936 = vector.shape_cast %get3A_935 : vector<1x16xf32> to vector<16xf32>
      %mul3A_937 = vector.broadcast %squeeze3A_304 : f32 to vector<16xf32>
      %mul3A_938 = arith.mulf %get3A_936, %mul3A_937 : vector<16xf32>
      %get3A_939 = arith.constant 29 : i32
      %get3A_940 = arith.index_cast %get3A_939 : i32 to index
      %get3A_941 = arith.index_cast %mul3A_323 : i32 to index
      %get3A_942 = tpu.vector_load %arg11[%get3A_940, %get3A_941] {strides = array<i32>} : memref<32x1024xf32, #tpu.memory_space<vmem>>, vector<1x16xf32>,
      %get3A_943 = vector.shape_cast %get3A_942 : vector<1x16xf32> to vector<16xf32>
      %mul3A_944 = vector.broadcast %squeeze3A_306 : f32 to vector<16xf32>
      %mul3A_945 = arith.mulf %get3A_943, %mul3A_944 : vector<16xf32>
      %add3A_946 = arith.addf %mul3A_938, %mul3A_945 : vector<16xf32>
      %swap3A_947 = arith.constant 29 : i32
      %swap3A_948 = arith.index_cast %swap3A_947 : i32 to index
      %swap3A_949 = arith.index_cast %mul3A_323 : i32 to index
      %swap3A_950 = tpu.vector_load %arg12[%swap3A_948, %swap3A_949] {strides = array<i32>} : memref<32x1024xf32, #tpu.memory_space<vmem>>, vector<1x16xf32>,
      %swap3A_951 = vector.shape_cast %swap3A_950 : vector<1x16xf32> to vector<16xf32>
      %swap3A_952 = vector.shape_cast %add3A_946 : vector<16xf32> to vector<1x16xf32>
      tpu.vector_store %arg12[%swap3A_948, %swap3A_949], %swap3A_952 {strides = array<i32>} : memref<32x1024xf32, #tpu.memory_space<vmem>>, vector<1x16xf32>,
      %get3A_953 = arith.constant 30 : i32
      %get3A_954 = arith.index_cast %get3A_953 : i32 to index
      %get3A_955 = arith.index_cast %mul3A_323 : i32 to index
      %get3A_956 = tpu.vector_load %arg10[%get3A_954, %get3A_955] {strides = array<i32>} : memref<32x1024xf32, #tpu.memory_space<vmem>>, vector<1x16xf32>,
      %get3A_957 = vector.shape_cast %get3A_956 : vector<1x16xf32> to vector<16xf32>
      %mul3A_958 = vector.broadcast %squeeze3A_308 : f32 to vector<16xf32>
      %mul3A_959 = arith.mulf %get3A_957, %mul3A_958 : vector<16xf32>
      %get3A_960 = arith.constant 30 : i32
      %get3A_961 = arith.index_cast %get3A_960 : i32 to index
      %get3A_962 = arith.index_cast %mul3A_323 : i32 to index
      %get3A_963 = tpu.vector_load %arg11[%get3A_961, %get3A_962] {strides = array<i32>} : memref<32x1024xf32, #tpu.memory_space<vmem>>, vector<1x16xf32>,
      %get3A_964 = vector.shape_cast %get3A_963 : vector<1x16xf32> to vector<16xf32>
      %mul3A_965 = vector.broadcast %squeeze3A_310 : f32 to vector<16xf32>
      %mul3A_966 = arith.mulf %get3A_964, %mul3A_965 : vector<16xf32>
      %add3A_967 = arith.addf %mul3A_959, %mul3A_966 : vector<16xf32>
      %swap3A_968 = arith.constant 30 : i32
      %swap3A_969 = arith.index_cast %swap3A_968 : i32 to index
      %swap3A_970 = arith.index_cast %mul3A_323 : i32 to index
      %swap3A_971 = tpu.vector_load %arg12[%swap3A_969, %swap3A_970] {strides = array<i32>} : memref<32x1024xf32, #tpu.memory_space<vmem>>, vector<1x16xf32>,
      %swap3A_972 = vector.shape_cast %swap3A_971 : vector<1x16xf32> to vector<16xf32>
      %swap3A_973 = vector.shape_cast %add3A_967 : vector<16xf32> to vector<1x16xf32>
      tpu.vector_store %arg12[%swap3A_969, %swap3A_970], %swap3A_973 {strides = array<i32>} : memref<32x1024xf32, #tpu.memory_space<vmem>>, vector<1x16xf32>,
      %get3A_974 = arith.constant 31 : i32
      %get3A_975 = arith.index_cast %get3A_974 : i32 to index
      %get3A_976 = arith.index_cast %mul3A_323 : i32 to index
      %get3A_977 = tpu.vector_load %arg10[%get3A_975, %get3A_976] {strides = array<i32>} : memref<32x1024xf32, #tpu.memory_space<vmem>>, vector<1x16xf32>,
      %get3A_978 = vector.shape_cast %get3A_977 : vector<1x16xf32> to vector<16xf32>
      %mul3A_979 = vector.broadcast %squeeze3A_312 : f32 to vector<16xf32>
      %mul3A_980 = arith.mulf %get3A_978, %mul3A_979 : vector<16xf32>
      %get3A_981 = arith.constant 31 : i32
      %get3A_982 = arith.index_cast %get3A_981 : i32 to index
      %get3A_983 = arith.index_cast %mul3A_323 : i32 to index
      %get3A_984 = tpu.vector_load %arg11[%get3A_982, %get3A_983] {strides = array<i32>} : memref<32x1024xf32, #tpu.memory_space<vmem>>, vector<1x16xf32>,
      %get3A_985 = vector.shape_cast %get3A_984 : vector<1x16xf32> to vector<16xf32>
      %mul3A_986 = vector.broadcast %squeeze3A_314 : f32 to vector<16xf32>
      %mul3A_987 = arith.mulf %get3A_985, %mul3A_986 : vector<16xf32>
      %add3A_988 = arith.addf %mul3A_980, %mul3A_987 : vector<16xf32>
      %swap3A_989 = arith.constant 31 : i32
      %swap3A_990 = arith.index_cast %swap3A_989 : i32 to index
      %swap3A_991 = arith.index_cast %mul3A_323 : i32 to index
      %swap3A_992 = tpu.vector_load %arg12[%swap3A_990, %swap3A_991] {strides = array<i32>} : memref<32x1024xf32, #tpu.memory_space<vmem>>, vector<1x16xf32>,
      %swap3A_993 = vector.shape_cast %swap3A_992 : vector<1x16xf32> to vector<16xf32>
      %swap3A_994 = vector.shape_cast %add3A_988 : vector<16xf32> to vector<1x16xf32>
      tpu.vector_store %arg12[%swap3A_990, %swap3A_991], %swap3A_994 {strides = array<i32>} : memref<32x1024xf32, #tpu.memory_space<vmem>>, vector<1x16xf32>,
    }
    %scan3A_320 = arith.constant 64 : i32
    "tpu.region"() ({
      %run_scoped3A = tpu.sem_alloc : memref<!tpu.dma_semaphore, #tpu.memory_space<semaphore_mem>>
      %dma_start3A_321 = arith.constant 0 : i32
      %dma_start3A_322 = tpu.memref_slice %arg6[%add3A_160, %dma_start3A_321] : memref<2048x1024xf32, #tpu.memory_space<hbm>> -> memref<32x1024xf32, #tpu.memory_space<hbm>>
      %dma_start3A_323 = arith.constant 0 : i32
      %dma_start3A_324 = tpu.memref_slice %arg6[%add3A_160, %dma_start3A_323] : memref<2048x1024xf32, #tpu.memory_space<hbm>> -> memref<32x1024xf32, #tpu.memory_space<hbm>>
      tpu.enqueue_dma source(%arg12 : memref<32x1024xf32, #tpu.memory_space<vmem>>) target(%dma_start3A_324 : memref<32x1024xf32, #tpu.memory_space<hbm>>) target_semaphore(%run_scoped3A : memref<!tpu.dma_semaphore, #tpu.memory_space<semaphore_mem>>)
      %dma_wait3A_325 = arith.constant 0 : i32
      %dma_wait3A_326 = tpu.memref_slice %arg6[%add3A_160, %dma_wait3A_325] : memref<2048x1024xf32, #tpu.memory_space<hbm>> -> memref<32x1024xf32, #tpu.memory_space<hbm>>
      %dma_wait3A_327 = arith.constant 0 : i32
      %dma_wait3A_328 = tpu.memref_slice %arg6[%add3A_160, %dma_wait3A_327] : memref<2048x1024xf32, #tpu.memory_space<hbm>> -> memref<32x1024xf32, #tpu.memory_space<hbm>>
      tpu.wait_dma2 semaphore(%run_scoped3A : memref<!tpu.dma_semaphore, #tpu.memory_space<semaphore_mem>>) src(%arg12 : memref<32x1024xf32, #tpu.memory_space<vmem>>) dst(%dma_wait3A_328 : memref<32x1024xf32, #tpu.memory_space<hbm>>)
      tpu.yield
    }) : () -> ()
    return
  }
}

module attributes {stable_mosaic.version = 14 : i64} {
  func.func @_fused_moe_body(%arg0: i32, %arg1: i32, %arg2: memref<8xi32, #tpu.memory_space<smem>>, %arg3: memref<8xi32, #tpu.memory_space<smem>>, %arg4: memref<8xi32, #tpu.memory_space<smem>>, %arg5: memref<8xi32, #tpu.memory_space<smem>>, %arg6: memref<4096x1024xbf16, #tpu.memory_space<vmem>>, %arg7: memref<1x1024x1024xf32, #tpu.memory_space<vmem>>, %arg8: memref<1x1024x1024xf32, #tpu.memory_space<vmem>>, %arg9: memref<1x1024x1024xf32, #tpu.memory_space<vmem>>, %arg10: memref<4096x1024xf32, #tpu.memory_space<vmem>>, %arg11: memref<1024x1024xbf16, #tpu.memory_space<vmem>>, %arg12: memref<1024x1024xbf16, #tpu.memory_space<vmem>>, %arg13: memref<1024x1024xbf16, #tpu.memory_space<vmem>>) attributes {dimension_semantics = [#tpu.dimension_semantics<arbitrary>, #tpu.dimension_semantics<arbitrary>], iteration_bounds = array<i64: 8, 2>, scalar_prefetch = 4 : i64, scratch_operands = 3 : i64, tpu.core_type = #tpu.core_type<tc>, window_params = [{pipeline_mode = #tpu.pipeline_mode<synchronous>, transform_indices = @transform_0, window_bounds = array<i64: 4096, 1024>}, {transform_indices = @transform_1, window_bounds = array<i64: 1, 1024, 1024>}, {transform_indices = @transform_2, window_bounds = array<i64: 1, 1024, 1024>}, {transform_indices = @transform_3, window_bounds = array<i64: 1, 1024, 1024>}, {pipeline_mode = #tpu.pipeline_mode<synchronous>, transform_indices = @transform_4, window_bounds = array<i64: 4096, 1024>}]} {
    %eq3A = arith.constant 0 : i32
    %eq3A_0 = arith.cmpi eq, %arg0, %eq3A : i32
    %eq3A_1 = arith.constant 0 : i32
    %eq3A_2 = arith.cmpi eq, %arg1, %eq3A_1 : i32
    %and3A = arith.andi %eq3A_0, %eq3A_2 : i1
    %convert_element_type3A = arith.extui %and3A : i1 to i32
    %cond3A = arith.constant 0 : i32
    %cond3A_3 = arith.cmpi ne, %convert_element_type3A, %cond3A : i32
    scf.if %cond3A_3 {
      %broadcast_in_dim3A = arith.constant 0.000000e+00 : f32
      %broadcast_in_dim3A_46 = vector.broadcast %broadcast_in_dim3A : f32 to vector<4096x1024xf32>
      %swap3A_47 = arith.constant 0 : index
      %swap3A_48 = arith.constant 0 : index
      %swap3A_49 = vector.load %arg10[%swap3A_47, %swap3A_48] : memref<4096x1024xf32, #tpu.memory_space<vmem>>, vector<4096x1024xf32>
      tpu.vector_store %arg10[%swap3A_47, %swap3A_48], %broadcast_in_dim3A_46 {strides = array<i32>} : memref<4096x1024xf32, #tpu.memory_space<vmem>>, vector<4096x1024xf32>,
    } else {
    }
    %get3A = arith.constant 0 : index
    %get3A_4 = arith.constant 0 : index
    %get3A_5 = arith.constant 0 : index
    %get3A_6 = vector.load %arg7[%get3A, %get3A_4, %get3A_5] : memref<1x1024x1024xf32, #tpu.memory_space<vmem>>, vector<1x1024x1024xf32>
    %get3A_7 = vector.shape_cast %get3A_6 : vector<1x1024x1024xf32> to vector<1024x1024xf32>
    %convert_element_type3A_8 = arith.truncf %get3A_7 : vector<1024x1024xf32> to vector<1024x1024xbf16>
    %swap3A = arith.constant 0 : index
    %swap3A_9 = arith.constant 0 : index
    %swap3A_10 = vector.load %arg11[%swap3A, %swap3A_9] : memref<1024x1024xbf16, #tpu.memory_space<vmem>>, vector<1024x1024xbf16>
    tpu.vector_store %arg11[%swap3A, %swap3A_9], %convert_element_type3A_8 {strides = array<i32>} : memref<1024x1024xbf16, #tpu.memory_space<vmem>>, vector<1024x1024xbf16>,
    %get3A_11 = arith.constant 0 : index
    %get3A_12 = arith.constant 0 : index
    %get3A_13 = arith.constant 0 : index
    %get3A_14 = vector.load %arg8[%get3A_11, %get3A_12, %get3A_13] : memref<1x1024x1024xf32, #tpu.memory_space<vmem>>, vector<1x1024x1024xf32>
    %get3A_15 = vector.shape_cast %get3A_14 : vector<1x1024x1024xf32> to vector<1024x1024xf32>
    %convert_element_type3A_16 = arith.truncf %get3A_15 : vector<1024x1024xf32> to vector<1024x1024xbf16>
    %swap3A_17 = arith.constant 0 : index
    %swap3A_18 = arith.constant 0 : index
    %swap3A_19 = vector.load %arg12[%swap3A_17, %swap3A_18] : memref<1024x1024xbf16, #tpu.memory_space<vmem>>, vector<1024x1024xbf16>
    tpu.vector_store %arg12[%swap3A_17, %swap3A_18], %convert_element_type3A_16 {strides = array<i32>} : memref<1024x1024xbf16, #tpu.memory_space<vmem>>, vector<1024x1024xbf16>,
    %get3A_20 = arith.constant 0 : index
    %get3A_21 = arith.constant 0 : index
    %get3A_22 = arith.constant 0 : index
    %get3A_23 = vector.load %arg9[%get3A_20, %get3A_21, %get3A_22] : memref<1x1024x1024xf32, #tpu.memory_space<vmem>>, vector<1x1024x1024xf32>
    %get3A_24 = vector.shape_cast %get3A_23 : vector<1x1024x1024xf32> to vector<1024x1024xf32>
    %convert_element_type3A_25 = arith.truncf %get3A_24 : vector<1024x1024xf32> to vector<1024x1024xbf16>
    %swap3A_26 = arith.constant 0 : index
    %swap3A_27 = arith.constant 0 : index
    %swap3A_28 = vector.load %arg13[%swap3A_26, %swap3A_27] : memref<1024x1024xbf16, #tpu.memory_space<vmem>>, vector<1024x1024xbf16>
    tpu.vector_store %arg13[%swap3A_26, %swap3A_27], %convert_element_type3A_25 {strides = array<i32>} : memref<1024x1024xbf16, #tpu.memory_space<vmem>>, vector<1024x1024xbf16>,
    %get3A_29 = arith.index_cast %arg0 : i32 to index
    %get3A_30 = memref.load %arg4[%get3A_29] : memref<8xi32, #tpu.memory_space<smem>>
    %get3A_31 = arith.index_cast %arg0 : i32 to index
    %get3A_32 = memref.load %arg5[%get3A_31] : memref<8xi32, #tpu.memory_space<smem>>
    %get3A_33 = arith.index_cast %arg0 : i32 to index
    %get3A_34 = memref.load %arg2[%get3A_33] : memref<8xi32, #tpu.memory_space<smem>>
    %get3A_35 = arith.index_cast %arg0 : i32 to index
    %get3A_36 = memref.load %arg3[%get3A_35] : memref<8xi32, #tpu.memory_space<smem>>
    %while3A = arith.constant 0 : i32
    %while3A_37 = arith.constant 0 : i32
    %while3A_38 = arith.subi %get3A_36, %while3A_37 : i32
    %while3A_39 = arith.addi %while3A_37, %while3A_38 : i32
    %while3A_40 = arith.constant 1 : i32
    %while3A_41 = arith.divsi %while3A_38, %while3A_40 : i32
    %while3A_42 = arith.muli %while3A_41, %while3A_40 : i32
    %while3A_43 = arith.addi %while3A_37, %while3A_42 : i32
    %while3A_44 = arith.constant 1 : i32
    scf.for %while3A_46 = %while3A_37 to %while3A_43 step %while3A_44  : i32 {
      %add3A = arith.addi %get3A_34, %while3A_46 : i32
      %mul3A = arith.constant 128 : i32
      %mul3A_47 = arith.muli %add3A, %mul3A : i32
      %get3A_48 = arith.index_cast %mul3A_47 : i32 to index
      %get3A_49 = arith.constant 0 : index
      %get3A_50 = vector.load %arg6[%get3A_48, %get3A_49] : memref<4096x1024xbf16, #tpu.memory_space<vmem>>, vector<128x1024xbf16>
      %get3A_51 = arith.constant 0 : index
      %get3A_52 = arith.constant 0 : index
      %get3A_53 = vector.load %arg11[%get3A_51, %get3A_52] : memref<1024x1024xbf16, #tpu.memory_space<vmem>>, vector<1024x1024xbf16>
      %dot_general3A = arith.constant dense<0.000000e+00> : vector<128x1024xf32>
      %dot_general3A_54 = tpu.matmul %get3A_50, %get3A_53, %dot_general3A {dimension_numbers = #tpu.dot_dimension_numbers<[1], [0], [0], [1], [0, 0, 1, 1], [], []>, transpose_lhs_hint = false} : vector<128x1024xbf16>, vector<1024x1024xbf16>, vector<128x1024xf32> -> vector<128x1024xf32>
      %get3A_55 = arith.constant 0 : index
      %get3A_56 = arith.constant 0 : index
      %get3A_57 = vector.load %arg12[%get3A_55, %get3A_56] : memref<1024x1024xbf16, #tpu.memory_space<vmem>>, vector<1024x1024xbf16>
      %dot_general3A_58 = arith.constant dense<0.000000e+00> : vector<128x1024xf32>
      %dot_general3A_59 = tpu.matmul %get3A_50, %get3A_57, %dot_general3A_58 {dimension_numbers = #tpu.dot_dimension_numbers<[1], [0], [0], [1], [0, 0, 1, 1], [], []>, transpose_lhs_hint = false} : vector<128x1024xbf16>, vector<1024x1024xbf16>, vector<128x1024xf32> -> vector<128x1024xf32>
      %logistic3A = arith.negf %dot_general3A_54 : vector<128x1024xf32>
      %logistic3A_60 = math.exp %logistic3A : vector<128x1024xf32>
      %logistic3A_61 = arith.constant 1.000000e+00 : f32
      %logistic3A_62 = vector.broadcast %logistic3A_61 : f32 to vector<128x1024xf32>
      %logistic3A_63 = arith.addf %logistic3A_62, %logistic3A_60 : vector<128x1024xf32>
      %logistic3A_64 = arith.divf %logistic3A_62, %logistic3A_63 : vector<128x1024xf32>
      %mul3A_65 = arith.mulf %dot_general3A_54, %logistic3A_64 : vector<128x1024xf32>
      %mul3A_66 = arith.mulf %mul3A_65, %dot_general3A_59 : vector<128x1024xf32>
      %convert_element_type3A_67 = arith.truncf %mul3A_66 : vector<128x1024xf32> to vector<128x1024xbf16>
      %get3A_68 = arith.constant 0 : index
      %get3A_69 = arith.constant 0 : index
      %get3A_70 = vector.load %arg13[%get3A_68, %get3A_69] : memref<1024x1024xbf16, #tpu.memory_space<vmem>>, vector<1024x1024xbf16>
      %dot_general3A_71 = arith.constant dense<0.000000e+00> : vector<128x1024xf32>
      %dot_general3A_72 = tpu.matmul %convert_element_type3A_67, %get3A_70, %dot_general3A_71 {dimension_numbers = #tpu.dot_dimension_numbers<[1], [0], [0], [1], [0, 0, 1, 1], [], []>, transpose_lhs_hint = false} : vector<128x1024xbf16>, vector<1024x1024xbf16>, vector<128x1024xf32> -> vector<128x1024xf32>
      %iota3A = tpu.iota {dimensions = array<i32: 0>} : vector<128x1xi32>
      %add3A_73 = vector.broadcast %mul3A_47 : i32 to vector<128x1xi32>
      %add3A_74 = arith.addi %add3A_73, %iota3A : vector<128x1xi32>
      %ge3A = vector.broadcast %get3A_30 : i32 to vector<128x1xi32>
      %ge3A_75 = arith.cmpi sge, %add3A_74, %ge3A : vector<128x1xi32>
      %lt3A = vector.broadcast %get3A_32 : i32 to vector<128x1xi32>
      %lt3A_76 = arith.cmpi slt, %add3A_74, %lt3A : vector<128x1xi32>
      %and3A_77 = arith.andi %ge3A_75, %lt3A_76 : vector<128x1xi1>
      %get3A_78 = arith.index_cast %mul3A_47 : i32 to index
      %get3A_79 = arith.constant 0 : index
      %get3A_80 = vector.load %arg10[%get3A_78, %get3A_79] : memref<4096x1024xf32, #tpu.memory_space<vmem>>, vector<128x1024xf32>
      %jit3A = arith.constant 0.000000e+00 : f32
      %broadcast_in_dim3A = vector.shape_cast %and3A_77 : vector<128x1xi1> to vector<128x1xi1>
      %broadcast_in_dim3A_81 = vector.broadcast %broadcast_in_dim3A : vector<128x1xi1> to vector<128x1024xi1>
      %broadcast_in_dim3A_82 = vector.broadcast %jit3A : f32 to vector<128x1024xf32>
      %select_n3A = arith.select %broadcast_in_dim3A_81, %dot_general3A_72, %broadcast_in_dim3A_82 : vector<128x1024xi1>, vector<128x1024xf32>
      %add3A_83 = arith.addf %get3A_80, %select_n3A : vector<128x1024xf32>
      %swap3A_84 = arith.index_cast %mul3A_47 : i32 to index
      %swap3A_85 = arith.constant 0 : index
      %swap3A_86 = vector.load %arg10[%swap3A_84, %swap3A_85] : memref<4096x1024xf32, #tpu.memory_space<vmem>>, vector<128x1024xf32>
      tpu.vector_store %arg10[%swap3A_84, %swap3A_85], %add3A_83 {strides = array<i32>} : memref<4096x1024xf32, #tpu.memory_space<vmem>>, vector<128x1024xf32>,
    }
    %while3A_45 = arith.constant 1 : i32
    scf.for %while3A_46 = %while3A_43 to %while3A_39 step %while3A_45  : i32 {
      %add3A = arith.addi %get3A_34, %while3A_46 : i32
      %mul3A = arith.constant 128 : i32
      %mul3A_47 = arith.muli %add3A, %mul3A : i32
      %get3A_48 = arith.index_cast %mul3A_47 : i32 to index
      %get3A_49 = arith.constant 0 : index
      %get3A_50 = vector.load %arg6[%get3A_48, %get3A_49] : memref<4096x1024xbf16, #tpu.memory_space<vmem>>, vector<128x1024xbf16>
      %get3A_51 = arith.constant 0 : index
      %get3A_52 = arith.constant 0 : index
      %get3A_53 = vector.load %arg11[%get3A_51, %get3A_52] : memref<1024x1024xbf16, #tpu.memory_space<vmem>>, vector<1024x1024xbf16>
      %dot_general3A = arith.constant dense<0.000000e+00> : vector<128x1024xf32>
      %dot_general3A_54 = tpu.matmul %get3A_50, %get3A_53, %dot_general3A {dimension_numbers = #tpu.dot_dimension_numbers<[1], [0], [0], [1], [0, 0, 1, 1], [], []>, transpose_lhs_hint = false} : vector<128x1024xbf16>, vector<1024x1024xbf16>, vector<128x1024xf32> -> vector<128x1024xf32>
      %get3A_55 = arith.constant 0 : index
      %get3A_56 = arith.constant 0 : index
      %get3A_57 = vector.load %arg12[%get3A_55, %get3A_56] : memref<1024x1024xbf16, #tpu.memory_space<vmem>>, vector<1024x1024xbf16>
      %dot_general3A_58 = arith.constant dense<0.000000e+00> : vector<128x1024xf32>
      %dot_general3A_59 = tpu.matmul %get3A_50, %get3A_57, %dot_general3A_58 {dimension_numbers = #tpu.dot_dimension_numbers<[1], [0], [0], [1], [0, 0, 1, 1], [], []>, transpose_lhs_hint = false} : vector<128x1024xbf16>, vector<1024x1024xbf16>, vector<128x1024xf32> -> vector<128x1024xf32>
      %logistic3A = arith.negf %dot_general3A_54 : vector<128x1024xf32>
      %logistic3A_60 = math.exp %logistic3A : vector<128x1024xf32>
      %logistic3A_61 = arith.constant 1.000000e+00 : f32
      %logistic3A_62 = vector.broadcast %logistic3A_61 : f32 to vector<128x1024xf32>
      %logistic3A_63 = arith.addf %logistic3A_62, %logistic3A_60 : vector<128x1024xf32>
      %logistic3A_64 = arith.divf %logistic3A_62, %logistic3A_63 : vector<128x1024xf32>
      %mul3A_65 = arith.mulf %dot_general3A_54, %logistic3A_64 : vector<128x1024xf32>
      %mul3A_66 = arith.mulf %mul3A_65, %dot_general3A_59 : vector<128x1024xf32>
      %convert_element_type3A_67 = arith.truncf %mul3A_66 : vector<128x1024xf32> to vector<128x1024xbf16>
      %get3A_68 = arith.constant 0 : index
      %get3A_69 = arith.constant 0 : index
      %get3A_70 = vector.load %arg13[%get3A_68, %get3A_69] : memref<1024x1024xbf16, #tpu.memory_space<vmem>>, vector<1024x1024xbf16>
      %dot_general3A_71 = arith.constant dense<0.000000e+00> : vector<128x1024xf32>
      %dot_general3A_72 = tpu.matmul %convert_element_type3A_67, %get3A_70, %dot_general3A_71 {dimension_numbers = #tpu.dot_dimension_numbers<[1], [0], [0], [1], [0, 0, 1, 1], [], []>, transpose_lhs_hint = false} : vector<128x1024xbf16>, vector<1024x1024xbf16>, vector<128x1024xf32> -> vector<128x1024xf32>
      %iota3A = tpu.iota {dimensions = array<i32: 0>} : vector<128x1xi32>
      %add3A_73 = vector.broadcast %mul3A_47 : i32 to vector<128x1xi32>
      %add3A_74 = arith.addi %add3A_73, %iota3A : vector<128x1xi32>
      %ge3A = vector.broadcast %get3A_30 : i32 to vector<128x1xi32>
      %ge3A_75 = arith.cmpi sge, %add3A_74, %ge3A : vector<128x1xi32>
      %lt3A = vector.broadcast %get3A_32 : i32 to vector<128x1xi32>
      %lt3A_76 = arith.cmpi slt, %add3A_74, %lt3A : vector<128x1xi32>
      %and3A_77 = arith.andi %ge3A_75, %lt3A_76 : vector<128x1xi1>
      %get3A_78 = arith.index_cast %mul3A_47 : i32 to index
      %get3A_79 = arith.constant 0 : index
      %get3A_80 = vector.load %arg10[%get3A_78, %get3A_79] : memref<4096x1024xf32, #tpu.memory_space<vmem>>, vector<128x1024xf32>
      %jit3A = arith.constant 0.000000e+00 : f32
      %broadcast_in_dim3A = vector.shape_cast %and3A_77 : vector<128x1xi1> to vector<128x1xi1>
      %broadcast_in_dim3A_81 = vector.broadcast %broadcast_in_dim3A : vector<128x1xi1> to vector<128x1024xi1>
      %broadcast_in_dim3A_82 = vector.broadcast %jit3A : f32 to vector<128x1024xf32>
      %select_n3A = arith.select %broadcast_in_dim3A_81, %dot_general3A_72, %broadcast_in_dim3A_82 : vector<128x1024xi1>, vector<128x1024xf32>
      %add3A_83 = arith.addf %get3A_80, %select_n3A : vector<128x1024xf32>
      %swap3A_84 = arith.index_cast %mul3A_47 : i32 to index
      %swap3A_85 = arith.constant 0 : index
      %swap3A_86 = vector.load %arg10[%swap3A_84, %swap3A_85] : memref<4096x1024xf32, #tpu.memory_space<vmem>>, vector<128x1024xf32>
      tpu.vector_store %arg10[%swap3A_84, %swap3A_85], %add3A_83 {strides = array<i32>} : memref<4096x1024xf32, #tpu.memory_space<vmem>>, vector<128x1024xf32>,
    }
    return
  }
  func.func @transform_0(%arg0: i32, %arg1: i32, %arg2: memref<8xi32, #tpu.memory_space<smem>>, %arg3: memref<8xi32, #tpu.memory_space<smem>>, %arg4: memref<8xi32, #tpu.memory_space<smem>>, %arg5: memref<8xi32, #tpu.memory_space<smem>>) -> (i32, i32) {
    %c0_i32 = arith.constant 0 : i32
    %c0_i32_0 = arith.constant 0 : i32
    %c0_i32_1 = arith.constant 0 : i32
    return %c0_i32, %c0_i32_0 : i32, i32
  }
  func.func @transform_1(%arg0: i32, %arg1: i32, %arg2: memref<8xi32, #tpu.memory_space<smem>>, %arg3: memref<8xi32, #tpu.memory_space<smem>>, %arg4: memref<8xi32, #tpu.memory_space<smem>>, %arg5: memref<8xi32, #tpu.memory_space<smem>>) -> (i32, i32, i32) {
    %c0_i32 = arith.constant 0 : i32
    %c0_i32_0 = arith.constant 0 : i32
    return %arg0, %c0_i32, %arg1 : i32, i32, i32
  }
  func.func @transform_2(%arg0: i32, %arg1: i32, %arg2: memref<8xi32, #tpu.memory_space<smem>>, %arg3: memref<8xi32, #tpu.memory_space<smem>>, %arg4: memref<8xi32, #tpu.memory_space<smem>>, %arg5: memref<8xi32, #tpu.memory_space<smem>>) -> (i32, i32, i32) {
    %c0_i32 = arith.constant 0 : i32
    %c0_i32_0 = arith.constant 0 : i32
    return %arg0, %c0_i32, %arg1 : i32, i32, i32
  }
  func.func @transform_3(%arg0: i32, %arg1: i32, %arg2: memref<8xi32, #tpu.memory_space<smem>>, %arg3: memref<8xi32, #tpu.memory_space<smem>>, %arg4: memref<8xi32, #tpu.memory_space<smem>>, %arg5: memref<8xi32, #tpu.memory_space<smem>>) -> (i32, i32, i32) {
    %c0_i32 = arith.constant 0 : i32
    %c0_i32_0 = arith.constant 0 : i32
    return %arg0, %arg1, %c0_i32 : i32, i32, i32
  }
  func.func @transform_4(%arg0: i32, %arg1: i32, %arg2: memref<8xi32, #tpu.memory_space<smem>>, %arg3: memref<8xi32, #tpu.memory_space<smem>>, %arg4: memref<8xi32, #tpu.memory_space<smem>>, %arg5: memref<8xi32, #tpu.memory_space<smem>>) -> (i32, i32) {
    %c0_i32 = arith.constant 0 : i32
    %c0_i32_0 = arith.constant 0 : i32
    %c0_i32_1 = arith.constant 0 : i32
    return %c0_i32, %c0_i32_0 : i32, i32
  }
}

</mosaic_0001>

<sc_bundles>
// kernel: kernel.4.cloned.1.call-start
scs
__scs_entry_jumppad:
0x0: {  	(pc) =	sbr.rel $0x88, $3  }
0x1: {  	(tag) =	ssettag $0x0;
	lr =	simm.s32 $0x1  }
0x2: {  	[smem:$0x3F9B] =	sst lr;
	_ =	strace $0xD0000000  }
0x3: {  	_ = 	snop  }
0x4: {  	_ = 	snop  }
0x5: {  	_ = 	snop  }
0x6: {  	_ = 	snop  }
0x7: {  	_ = 	snop  }
__scs_overlays_trampoline_lowered:
0x8: {  	[smem:$0x3FAA] =	sst s0  }
0x9: {  	[smem:$0x3FAB] =	sst s1  }
0xa: {  	[smem:$0x3FAC] =	sst s2  }
0xb: {  	[smem:$0x3FAD] =	sst s3  }
0xc: {  	[smem:$0x3FAE] =	sst s4  }
0xd: {  	[smem:$0x3FAF] =	sst s5  }
0xe: {  	[smem:$0x3FB0] =	sst s6  }
0xf: {  	[smem:$0x3FB1] =	sst s7  }
0x10: {  	[smem:$0x3FB2] =	sst s8  }
0x11: {  	[smem:$0x3FB3] =	sst s9;
	s0 =	simm.s32 @!p0 $0x0  }
0x12: {  	s1 =	sld [smem:$0x3F99];
	s0 =	simm.s32 @p0 $0x1  }
0x13: {  	[smem:$0x3FB4] =	sst s0;
	s0 =	simm.s32 @!p1 $0x0  }
0x14: {  	s2 =	sld [smem:$0x3F98];
	s0 =	simm.s32 @p1 $0x1  }
0x15: {  	[smem:$0x3FB5] =	sst s0;
	s0 =	simm.s32 @!p2 $0x0  }
0x16: {  	s3 =	sld [smem:$0x3FDB];
	s0 =	simm.s32 @p2 $0x1  }
0x17: {  	s4 =	simm.s32 $0x1BF5;
	[smem:$0x3FB7] =	sst s0  }
0x18: {  	s0 =	sld [smem:$0x3F9A];
	_ =	swait.ge [sflag:s4], $0x0  }
0x19: {  	s7 =	sld [smem:$0x3F9B]  }
0x1a: {  	s8 =	sadd.s32 $0xFFFFE003, lr  }
0x1b: {  	s9 =	sadd.s32 $0xFFFFFEF7, lr;
	s5 =	simm.s32 $0xFFFFFFFF;
	p2 =	slt.u32 s8, $0xFFFFF086  }
0x1c: {  	p1 =	slt.u32 s9, $0xF7A;
	s5 =	simm.s32 @!p2 $0x0  }
0x1d: {  	s5 =	simm.s32 @p1 $0x1;
	p0 =	seq.s32 s7, s2  }
0x1e: {  	s7 =	smul.u32 @!p0 $0xF7A, s2;
	p2 =	seq.s32 @!p0 s5, $0x0  }
0x1f: {  	s9 =	smul.u32 $0xF7A, s1;
	s8 =	simm.s32 @!p0 $0x1BF5;
	p2 =	por !p2, p0  }
0x20: {  	[sflag:s8] =	ssyncset.s32 @!p0 $0xFFFFF086;
	s6 =	sadd.s32 @!p0 s3, s7;
	s7 =	simm.s32 @!p0 $0x108  }
0x21: {  	s3 =	sadd.s32 s3, s9;
	s6 =	sadd.s32 @!p0 $0x88, s6;
	s7 =	simm.s32 @p2 $0x1082  }
0x22: {  	[simem:s7], [sflag:s8] =	dma.local @!p0 [hbm:s6], $0xF7A  }
0x23: {  	s9 =	sor.u32 $0xD0000000, s2;
	s6 =	simm.s32 $0x108;
	_ =	swait.ge @!p0 [sflag:s8], $0x0  }
0x24: {  	s3 =	sadd.s32 $0x88, s3;
	s6 =	simm.s32 @!p1 $0x1082;
	[sflag:s4] =	ssyncset.s32 $0xFFFFF086  }
0x25: {  	[simem:s6], [sflag:s4] =	dma.local [hbm:s3], $0xF7A  }
0x26: {  	[smem:$0x3F9B] =	sst s1;
	(tag) =	ssettag s2;
	_ =	strace s9  }
0x27: {  	s1 =	sld [smem:$0x3FAB]  }
0x28: {  	s2 =	sld [smem:$0x3FAC]  }
0x29: {  	s4 =	sld [smem:$0x3FAE]  }
0x2a: {  	p0 =	seq.s32 s5, $0x0;
	s5 =	sld [smem:$0x3FAF]  }
0x2b: {  	s6 =	sld [smem:$0x3FB0]  }
0x2c: {  	s7 =	sld [smem:$0x3FB1]  }
0x2d: {  	s3 =	simm.s32 $0x108;
	s8 =	sld [smem:$0x3FB2]  }
0x2e: {  	s3 =	simm.s32 @!p0 $0x1082;
	s9 =	sld [smem:$0x3FB3]  }
0x2f: {  	lr =	sadd.s32 s0, s3;
	s0 =	sld [smem:$0x3FAA]  }
0x30: {  	s3 =	sld [smem:$0x3FAD]  }
0x31: {  	[smem:$0x3FB6] =	sst s10  }
0x32: {  	s10 =	sld [smem:$0x3FB4];
	_ =	sdelay $0x3  }
0x33: {  	p0 =	seq.s32 s10, $0x1;
	s10 =	sld [smem:$0x3FB6];
	_ =	sdelay $0x3  }
0x34: {  	[smem:$0x3FB6] =	sst s10  }
0x35: {  	s10 =	sld [smem:$0x3FB5];
	_ =	sdelay $0x3  }
0x36: {  	p1 =	seq.s32 s10, $0x1;
	s10 =	sld [smem:$0x3FB6];
	_ =	sdelay $0x3  }
0x37: {  	[smem:$0x3FB6] =	sst s10  }
0x38: {  	s10 =	sld [smem:$0x3FB7]  }
0x39: {  	_ = 	snop;
	(pc) =	sbr.ind lr, $3  }
0x3a: {  	_ = 	snop  }
0x3b: {  	_ = 	snop  }
0x3c: {  	p2 =	seq.s32 s10, $0x1;
	s10 =	sld [smem:$0x3FB6]  }
0x3d: {  	_ =	shalt  }
0x3e: {  	_ =	shalt  }
0x3f: {  	_ =	shalt  }
0x40: {  	_ =	shalt  }
0x41: {  	_ =	shalt  }
0x42: {  	_ =	shalt  }
0x43: {  	_ =	shalt  }
0x44: {  	_ =	shalt  }
0x45: {  	_ =	shalt  }
0x46: {  	_ =	shalt  }
0x47: {  	_ =	shalt  }
0x48: {  	_ =	shalt  }
0x49: {  	_ =	shalt  }
0x4a: {  	_ =	shalt  }
0x4b: {  	_ =	shalt  }
0x4c: {  	_ =	shalt  }
0x4d: {  	_ =	shalt  }
0x4e: {  	_ =	shalt  }
0x4f: {  	_ =	shalt  }
0x50: {  	_ =	shalt  }
0x51: {  	_ =	shalt  }
0x52: {  	_ =	shalt  }
0x53: {  	_ =	shalt  }
0x54: {  	_ =	shalt  }
0x55: {  	_ =	shalt  }
0x56: {  	_ =	shalt  }
0x57: {  	_ =	shalt  }
0x58: {  	_ =	shalt  }
0x59: {  	_ =	shalt  }
0x5a: {  	_ =	shalt  }
0x5b: {  	_ =	shalt  }
0x5c: {  	_ =	shalt  }
0x5d: {  	_ =	shalt  }
0x5e: {  	_ =	shalt  }
0x5f: {  	_ =	shalt  }
0x60: {  	_ =	shalt  }
0x61: {  	_ =	shalt  }
0x62: {  	_ =	shalt  }
0x63: {  	_ =	shalt  }
0x64: {  	_ =	shalt  }
0x65: {  	_ =	shalt  }
0x66: {  	_ =	shalt  }
0x67: {  	_ =	shalt  }
0x68: {  	_ =	shalt  }
0x69: {  	_ =	shalt  }
0x6a: {  	_ =	shalt  }
0x6b: {  	_ =	shalt  }
0x6c: {  	_ =	shalt  }
0x6d: {  	_ =	shalt  }
0x6e: {  	_ =	shalt  }
0x6f: {  	_ =	shalt  }
0x70: {  	_ =	shalt  }
0x71: {  	_ =	shalt  }
0x72: {  	_ =	shalt  }
0x73: {  	_ =	shalt  }
0x74: {  	_ =	shalt  }
0x75: {  	_ =	shalt  }
0x76: {  	_ =	shalt  }
0x77: {  	_ =	shalt  }
0x78: {  	_ =	shalt  }
0x79: {  	_ =	shalt  }
0x7a: {  	_ =	shalt  }
0x7b: {  	_ =	shalt  }
0x7c: {  	_ =	shalt  }
0x7d: {  	_ =	shalt  }
0x7e: {  	_ =	shalt  }
0x7f: {  	_ =	shalt  }
0x80: {  	_ =	shalt  }
0x81: {  	_ =	shalt  }
0x82: {  	_ =	shalt  }
0x83: {  	_ =	shalt  }
0x84: {  	_ =	shalt  }
0x85: {  	_ =	shalt  }
0x86: {  	_ =	shalt  }
0x87: {  	_ =	shalt  }
.Lfunc_end0:
.L_simem_size_0:
called_computation_lowered:
.L_overlay_start_0:
0x88: {  	s2 =	sld [smem:$0x3FD9]  }
0x89: {  	s3 =	sld [smem:$0x3FFE];
	_ =	sdelay $0x1  }
0x8a: {  	s1 =	srdreg.scid  }
0x8b: {  	s0 =	sand.u32 $0x1, s1  }
0x8c: {  	s17 =	sshll.u32 s0, $0xA;
	s2 =	sadd.s32 s3, s2  }
0x8d: {  	s2 =	sadd.s32 s2, s17  }
0x8e: {  	[smem:$0x3FC2] =	sst s2  }
0x8f: {  	_ = 	snop  }
0x90: {  	s2 =	sld [smem:$0x3FD0];
	(tm) =	ssettm $0x1  }
0x91: {  	s18 =	sld [smem:$0x3FFB];
	_ =	sdelay $0x3  }
0x92: {  	_ =	strace s18  }
0x93: {  	s3 =	sld [smem:$0x3FFC];
	_ =	sdelay $0x3  }
0x94: {  	_ =	strace s3  }
0x95: {  	s3 =	sld [smem:$0x3FFD];
	_ =	sdelay $0x3  }
0x96: {  	_ =	strace s3  }
0x97: {  	_ =	strace $0x8FFFFFFF  }
0x98: {  	s19 =	sld [smem:$0x3FDB];
	_ =	sdelay $0x1  }
0x99: {  	s4 =	simm.s32 $_scs_section_size  }
0x9a: {  	s5 =	simm.s32 $_size__tile_overlayer_lowered;
	s6 =	simm.s32 $_tile_overlayer_lowered  }
0x9b: {  	s22 =	simm.s32 $0x1BFF;
	s21 =	sshll.u32 s6, $0x1;
	s3 =	sadd.s32 s4, s19  }
0x9c: {  	s7 =	simm.s32 $0x0;
	s20 =	sshll.u32 s5, $0x1;
	s5 =	sadd.s32 s21, s3  }
0x9d: {  	[timem:s7], [sflag:s22] =	dma.local [hbm:s5], s20  }
0x9e: {  	_ =	swait.ge [sflag:s22], s20  }
0x9f: {  	s4 =	ssub.s32 $0x0, s20;
	[sflag:s22] =	ssyncset.done $0x0  }
0xa0: {  	[sflag:s22] =	ssyncadd.s32 s4;
	_ =	sdelay $0x1  }
0xa1: {  	s23 =	simm.s32 $0x1B8B  }
0xa2: {  	_ =	swait.ge [sflag:s23], $0x1  }
0xa3: {  	[sflag:s23] =	ssyncset.done $0x0  }
0xa4: {  	s25 =	simm.s32 $0x1B8E;
	s24 =	sld [smem:$0x3FFE];
	[sflag:s23] =	ssyncadd.s32 $0xFFFFFFFF  }
0xa5: {  	s26 =	simm.s32 $execute0_lowered;
	[smem:$0x3FD2] =	sst s25  }
0xa6: {  	s5 =	sshll.u32 s26, $0x1;
	_ =	strace $0x80000046;
	[dreg:$0x1] =	wrdreg $0xFFFFFFFF  }
0xa7: {  	s28 =	simm.s32 $_size_execute0_lowered;
	s3 =	sadd.s32 s3, s5;
	[dreg:$0x0] =	wrdreg $0x0  }
0xa8: {  	s5 =	sshll.u32 s28, $0x1;
	[dreg:$0x2] =	wrdreg s3  }
0xa9: {  	[dreg:$0x3] =	wrdreg s5  }
0xaa: {  	[dreg:$0x4] =	wrdreg $0xC0  }
0xab: {  	_ =	task [dreg:s7], $0x5FFFF  }
0xac: {  	[dreg:$0x1] =	wrdreg $0xFFFFFFFF  }
0xad: {  	[dreg:$0x0] =	wrdreg $0x60  }
0xae: {  	[dreg:$0x2] =	wrdreg s24  }
0xaf: {  	[dreg:$0x3] =	wrdreg s2  }
0xb0: {  	[dreg:$0x4] =	wrdreg $0x9  }
0xb1: {  	_ =	task.clear_ibuf [dreg:s7], $0x5FFFF;
	_ =	strace $0x90000046  }
0xb2: {  	s29 =	simm.s32 $0x9;
	_ =	strace $0x80000048  }
0xb3: {  	_ =	swait.ge [sflag:s29], $0x1  }
0xb4: {  	[sflag:s29] =	ssyncadd.s32 $0xFFFFFFFF  }
0xb5: {  	_ =	strace $0x90000048  }
0xb6: {  	_ =	sfence  }
0xb7: {  	s30 =	sld [smem:$0x0];
	_ =	sdelay $0x2  }
0xb8: {  	s31 =	sshll.u32 s1, $0xD;
	s1 =	sshrl.u32 s1, $0x2  }
0xb9: {  	s3 =	sand.u32 $0x4000, s31;
	s1 =	sadd.s32 s1, s30  }
0xba: {  	s0 =	sor.u32 s3, s0;
	s1 =	sshll.u32 s1, $0x11  }
0xbb: {  	s0 =	sor.u32 s1, s0  }
0xbc: {  	s0 =	sadd.s32 $0x8F2B, s0  }
0xbd: {  	[sflag:s0] =	ssyncadd.remote.s32 $0x1  }
0xbe: {  	_ =	sfence.sel $0xFFFF  }
0xbf: {  	[dreg:$0x0] =	wrdreg $0xFFFFFFFF;
	(pc) =	sbr.abs _section_cstart, $3  }
0xc0: {  	[dreg:$0x1] =	wrdreg $0xFFFFFFFF  }
0xc1: {  	_ =	task.clear_ibuf [dreg:s7], $0x2FFFF;
	_ =	strace $0x9FFFFFFF  }
0xc2: {  	(tm) =	ssettm $0x7FFFFFFF  }
0xc3: {  	_ =	shalt  }
tec
execute0_lowered:
.L_overlay_start_1:
0x0: {  	(tag) =	ssettag $0x1  }
0x1: {  	s0 =	rddreg [dreg:$0x0]  }
0x2: {  	s2 =	rddreg [dreg:$0x1];
	s1 =	simm.s32 $0x0;
	s4 =	srdreg.scid  }
0x3: {  	s8 =	stileid.u32;
	s16 =	simm.s32 $0x3;
	s17 =	simm.s32 $0x8980  }
0x4: {  	s14 =	simm.s32 $0xF980;
	s28 =	simm.s32 $0x1;
	s15 =	simm.s32 $0x2  }
0x5: {  	s29 =	simm.s32 $0x10180;
	s30 =	simm.s32 $0x0;
	[smem:$0x7FF] =	sst s1  }
0x6: {  	s3 =	sadd.s32 $0xE00, s0;
	s5 =	sadd.s32 $0xC00, s0;
	s4 =	sand.u32 $0x1, s4  }
0x7: {  	s6 =	sadd.s32 $0xA00, s0;
	s8 =	sshll.u32 s8, $0x1;
	s10 =	sadd.s32 $0x800, s0  }
0x8: {  	_ =	strace $0x80000047;
	s7 =	ssub.s32 $0x2, s4;
	s4 =	sor.u32 s4, s8  }
0x9: {  	s9 =	sshrl.u32 s7, $0x1;
	s8 =	sshll.u32 s4, $0x6;
	s18 =	sshll.u32 s4, $0x3  }
0xa: {  	s20 =	sshll.u32 s4, $0x4;
	s4 =	sshll.u32 s4, $0xD;
	s11 =	ssub.s32 s7, s9  }
0xb: {  	s19 =	sadd.s32 s5, s18;
	s7 =	sadd.s32 s6, s18;
	s12 =	sor.u32 $0x20, s8  }
0xc: {  	s8 =	sadd.s32 $0x1000, s0;
	s9 =	sadd.s32 $0x1100, s0;
	[dreg:$0x3] =	wrdreg s19  }
0xd: {  	s21 =	sadd.s32 s2, s4;
	s18 =	simm.s32 $0x9180;
	[dreg:$0x4] =	wrdreg s7  }
0xe: {  	s7 =	sadd.s32 s10, s20;
	s13 =	sshrl.u32 s12, $0x3;
	[dreg:$0x6] =	wrdreg s21  }
0xf: {  	s24 =	sshrl.u32 s12, $0x2;
	s25 =	sshll.u32 s12, $0x7;
	s31 =	smax.u32 s11, $0x1  }
0x10: {  	s19 =	simm.s32 $0x9980;
	s20 =	simm.s32 $0xA180;
	s21 =	simm.s32 $0xB180  }
0x11: {  	s11 =	simm.s32 $0xB980;
	s12 =	simm.s32 $0xC980;
	[dreg:$0x5] =	wrdreg s7  }
0x12: {  	s7 =	sadd.s32 $0xF00, s0;
	s22 =	sadd.s32 s5, s13;
	[dreg:$0xb] =	wrdreg s31  }
0x13: {  	v0 =	vlaneseq.u32;
	s23 =	sadd.s32 s6, s13;
	s0 =	sadd.s32 s10, s24;
	[dreg:$0x7] =	wrdreg s22  }
0x14: {  	v1 =	vand.u32 $0x7, v0;
	v63 =	vshrl.u32 v0, $0x3;
	s26 =	sadd.s32 s2, s25;
	s6 =	simm.s32 $0x8180;
	[dreg:$0x8] =	wrdreg s23  }
0x15: {  	v0 =	vor.u32 $0x8, v0;
	[tilespmem:$0x1FFD0] =	vst v1;
	v1 =	vmul.u32 $0x8, v63;
	s10 =	simm.s32 $0xA980;
	s24 =	simm.s32 $0xD980;
	[dreg:$0x9] =	wrdreg s0  }
0x16: {  	[tilespmem:$0x1FFF0] =	vst v0;
	s25 =	simm.s32 $0xE180;
	s13 =	simm.s32 $0xE980;
	[dreg:$0xa] =	wrdreg s26  }
0x17: {  	vm0 =	vmmov $0xffff;
	[tilespmem:$0x1FFE0] =	vst v1;
	s22 =	simm.s32 $0xC180;
	s23 =	simm.s32 $0xD180;
	s26 =	simm.s32 $0xF180  }
.LBB2_1:
0x18: {  	s0 =	rddreg [dreg:$0x3]  }
0x19: {  	[tilespmem:s1], [sflag:$0x3] =	stream.linear.gather [hbm4b:s0+s1], $0x20, $0x38;
	[tilespmem:$0x18180] =	vst v63  }
0x1a: {  	_ =	swait.ge [sflag:s16], $0x20  }
0x1b: {  	[sflag:s16] =	ssyncset.done $0x0  }
0x1c: {  	s2 =	simm.s32 $0x80;
	s5 =	rddreg [dreg:$0x4];
	[sflag:s16] =	ssyncadd.s32 $0xFFFFFFE0  }
0x1d: {  	[tilespmem:s2], [sflag:$0x3] =	stream.linear.gather [hbm4b:s5+s1], $0x20, $0x38;
	[tilespmem:$0x18180] =	vst v63  }
0x1e: {  	_ =	swait.ge [sflag:s16], $0x20  }
0x1f: {  	[sflag:s16] =	ssyncset.done $0x0  }
0x20: {  	s4 =	simm.s32 $0x100;
	s2 =	rddreg [dreg:$0x5];
	[sflag:s16] =	ssyncadd.s32 $0xFFFFFFE0  }
0x21: {  	[tilespmem:s4], [sflag:$0x3] =	stream.linear.gather [hbm4b:s2+s1], $0x40, $0x38;
	[tilespmem:$0x18180] =	vst v63  }
0x22: {  	_ =	swait.ge [sflag:s16], $0x40  }
0x23: {  	[sflag:s16] =	ssyncset.done $0x0  }
0x24: {  	[sflag:s16] =	ssyncadd.s32 $0xFFFFFFC0  }
0x25: {  	v0 =	vld [tilespmem:$0x0];
	_ =	sdelay $0x2  }
0x26: {  	v2 =	vld [tilespmem:$0x1FFD0];
	_ =	sdelay $0x1  }
0x27: {  	v3 =	vld [tilespmem:$0x1FFE0];
	v1 =	vshll.u32 v0, $0x3  }
0x28: {  	v0 =	vand.u32 $0x7, v0;
	v1 =	vand.u32 $0xFFFFFFC0, v1  }
0x29: {  	v0 =	vor.u32 v0, v1  }
0x2a: {  	v1 =	vperm.xlane v0, v2;
	_ =	sdelay $0x1  }
0x2b: {  	v1 =	vadd.s32 v3, v1  }
0x2c: {  	v4 =	vld [tilespmem:$0x1FFF0];
	_ =	sdelay $0x2  }
0x2d: {  	s5 =	simm.s32 $0x180  }
0x2e: {  	[tilespmem:s5], [sflag:$0x1] =	stream.indirect_vreg.gather [hbm4b:s3+s1], $0x80, v1, vm0, $0xb8;
	[tilespmem:$0x18180] =	vst v63  }
0x2f: {  	s2 =	simm.s32 $0x980;
	v0 =	vperm.xlane v0, v4  }
0x30: {  	[tilespmem:s2], [sflag:$0x1] =	stream.indirect_vreg.gather [hbm4b:s7+s1], $0x80, v1, vm0, $0xb8;
	[tilespmem:$0x18180] =	vst v63  }
0x31: {  	s4 =	simm.s32 $0x1180;
	v0 =	vadd.s32 v3, v0  }
0x32: {  	[tilespmem:s4], [sflag:$0x1] =	stream.indirect_vreg.gather [hbm4b:s8+s1], $0x80, v1, vm0, $0xb8;
	[tilespmem:$0x18180] =	vst v63  }
0x33: {  	s5 =	simm.s32 $0x1980  }
0x34: {  	[tilespmem:s5], [sflag:$0x1] =	stream.indirect_vreg.gather [hbm4b:s9+s1], $0x80, v1, vm0, $0xb8;
	[tilespmem:$0x18180] =	vst v63  }
0x35: {  	s2 =	simm.s32 $0x2180  }
0x36: {  	[tilespmem:s2], [sflag:$0x1] =	stream.indirect_vreg.gather [hbm4b:s3+s1], $0x80, v0, vm0, $0xb8;
	[tilespmem:$0x18180] =	vst v63  }
0x37: {  	s4 =	simm.s32 $0x2980  }
0x38: {  	[tilespmem:s4], [sflag:$0x1] =	stream.indirect_vreg.gather [hbm4b:s7+s1], $0x80, v0, vm0, $0xb8;
	[tilespmem:$0x18180] =	vst v63  }
0x39: {  	s5 =	simm.s32 $0x3180  }
0x3a: {  	[tilespmem:s5], [sflag:$0x1] =	stream.indirect_vreg.gather [hbm4b:s8+s1], $0x80, v0, vm0, $0xb8;
	[tilespmem:$0x18180] =	vst v63  }
0x3b: {  	s2 =	simm.s32 $0x3980  }
0x3c: {  	[tilespmem:s2], [sflag:$0x1] =	stream.indirect_vreg.gather [hbm4b:s9+s1], $0x80, v0, vm0, $0xb8;
	[tilespmem:$0x18180] =	vst v63  }
0x3d: {  	v0 =	vld [tilespmem:$0x10];
	_ =	sdelay $0x4  }
0x3e: {  	v1 =	vshll.u32 v0, $0x3  }
0x3f: {  	v0 =	vand.u32 $0x7, v0;
	v1 =	vand.u32 $0xFFFFFFC0, v1  }
0x40: {  	v0 =	vor.u32 v0, v1  }
0x41: {  	v1 =	vperm.xlane v0, v2;
	_ =	sdelay $0x1  }
0x42: {  	v1 =	vadd.s32 v3, v1;
	_ =	sdelay $0x3  }
0x43: {  	s4 =	simm.s32 $0x4180  }
0x44: {  	[tilespmem:s4], [sflag:$0x1] =	stream.indirect_vreg.gather [hbm4b:s3+s1], $0x80, v1, vm0, $0xb8;
	[tilespmem:$0x18180] =	vst v63  }
0x45: {  	s5 =	simm.s32 $0x4980;
	v0 =	vperm.xlane v0, v4  }
0x46: {  	[tilespmem:s5], [sflag:$0x1] =	stream.indirect_vreg.gather [hbm4b:s7+s1], $0x80, v1, vm0, $0xb8;
	[tilespmem:$0x18180] =	vst v63  }
0x47: {  	s2 =	simm.s32 $0x5180;
	v0 =	vadd.s32 v3, v0  }
0x48: {  	[tilespmem:s2], [sflag:$0x1] =	stream.indirect_vreg.gather [hbm4b:s8+s1], $0x80, v1, vm0, $0xb8;
	[tilespmem:$0x18180] =	vst v63  }
0x49: {  	s4 =	simm.s32 $0x5980  }
0x4a: {  	[tilespmem:s4], [sflag:$0x1] =	stream.indirect_vreg.gather [hbm4b:s9+s1], $0x80, v1, vm0, $0xb8;
	[tilespmem:$0x18180] =	vst v63  }
0x4b: {  	s5 =	simm.s32 $0x6180  }
0x4c: {  	[tilespmem:s5], [sflag:$0x1] =	stream.indirect_vreg.gather [hbm4b:s3+s1], $0x80, v0, vm0, $0xb8;
	[tilespmem:$0x18180] =	vst v63  }
0x4d: {  	s2 =	simm.s32 $0x6980  }
0x4e: {  	[tilespmem:s2], [sflag:$0x1] =	stream.indirect_vreg.gather [hbm4b:s7+s1], $0x80, v0, vm0, $0xb8;
	[tilespmem:$0x18180] =	vst v63  }
0x4f: {  	s4 =	simm.s32 $0x7180  }
0x50: {  	[tilespmem:s4], [sflag:$0x1] =	stream.indirect_vreg.gather [hbm4b:s8+s1], $0x80, v0, vm0, $0xb8;
	[tilespmem:$0x18180] =	vst v63  }
0x51: {  	s5 =	simm.s32 $0x7980  }
0x52: {  	[tilespmem:s5], [sflag:$0x1] =	stream.indirect_vreg.gather [hbm4b:s9+s1], $0x80, v0, vm0, $0xb8;
	[tilespmem:$0x18180] =	vst v63  }
0x53: {  	v0 =	vld [tilespmem:$0x80];
	_ =	sdelay $0x4  }
0x54: {  	v1 =	vshll.u32 v0, $0x3  }
0x55: {  	v0 =	vand.u32 $0x7, v0;
	v1 =	vand.u32 $0xFFFFFFC0, v1  }
0x56: {  	v0 =	vor.u32 v0, v1  }
0x57: {  	v1 =	vperm.xlane v0, v2;
	_ =	sdelay $0x1  }
0x58: {  	v1 =	vadd.s32 v3, v1;
	_ =	sdelay $0x4  }
0x59: {  	[tilespmem:s6], [sflag:$0x2] =	stream.indirect_vreg.gather [hbm4b:s3+s1], $0x80, v1, vm0, $0xb8;
	[tilespmem:$0x18180] =	vst v63  }
0x5a: {  	v0 =	vperm.xlane v0, v4  }
0x5b: {  	[tilespmem:s17], [sflag:$0x2] =	stream.indirect_vreg.gather [hbm4b:s7+s1], $0x80, v1, vm0, $0xb8;
	[tilespmem:$0x18180] =	vst v63  }
0x5c: {  	v0 =	vadd.s32 v3, v0  }
0x5d: {  	[tilespmem:s18], [sflag:$0x2] =	stream.indirect_vreg.gather [hbm4b:s8+s1], $0x80, v1, vm0, $0xb8;
	[tilespmem:$0x18180] =	vst v63  }
0x5e: {  	_ = 	snop  }
0x5f: {  	[tilespmem:s19], [sflag:$0x2] =	stream.indirect_vreg.gather [hbm4b:s9+s1], $0x80, v1, vm0, $0xb8;
	[tilespmem:$0x18180] =	vst v63  }
0x60: {  	_ = 	snop  }
0x61: {  	[tilespmem:s20], [sflag:$0x2] =	stream.indirect_vreg.gather [hbm4b:s3+s1], $0x80, v0, vm0, $0xb8;
	[tilespmem:$0x18180] =	vst v63  }
0x62: {  	_ = 	snop  }
0x63: {  	[tilespmem:s10], [sflag:$0x2] =	stream.indirect_vreg.gather [hbm4b:s7+s1], $0x80, v0, vm0, $0xb8;
	[tilespmem:$0x18180] =	vst v63  }
0x64: {  	_ = 	snop  }
0x65: {  	[tilespmem:s21], [sflag:$0x2] =	stream.indirect_vreg.gather [hbm4b:s8+s1], $0x80, v0, vm0, $0xb8;
	[tilespmem:$0x18180] =	vst v63  }
0x66: {  	_ = 	snop  }
0x67: {  	[tilespmem:s11], [sflag:$0x2] =	stream.indirect_vreg.gather [hbm4b:s9+s1], $0x80, v0, vm0, $0xb8;
	[tilespmem:$0x18180] =	vst v63  }
0x68: {  	v0 =	vld [tilespmem:$0x90];
	_ =	sdelay $0x4  }
0x69: {  	v1 =	vshll.u32 v0, $0x3  }
0x6a: {  	v0 =	vand.u32 $0x7, v0;
	v1 =	vand.u32 $0xFFFFFFC0, v1  }
0x6b: {  	v0 =	vor.u32 v0, v1  }
0x6c: {  	v1 =	vperm.xlane v0, v2;
	_ =	sdelay $0x1  }
0x6d: {  	v1 =	vadd.s32 v3, v1;
	_ =	sdelay $0x4  }
0x6e: {  	[tilespmem:s22], [sflag:$0x2] =	stream.indirect_vreg.gather [hbm4b:s3+s1], $0x80, v1, vm0, $0xb8;
	[tilespmem:$0x18180] =	vst v63  }
0x6f: {  	v0 =	vperm.xlane v0, v4  }
0x70: {  	[tilespmem:s12], [sflag:$0x2] =	stream.indirect_vreg.gather [hbm4b:s7+s1], $0x80, v1, vm0, $0xb8;
	[tilespmem:$0x18180] =	vst v63  }
0x71: {  	v0 =	vadd.s32 v3, v0  }
0x72: {  	[tilespmem:s23], [sflag:$0x2] =	stream.indirect_vreg.gather [hbm4b:s8+s1], $0x80, v1, vm0, $0xb8;
	[tilespmem:$0x18180] =	vst v63  }
0x73: {  	_ = 	snop  }
0x74: {  	[tilespmem:s24], [sflag:$0x2] =	stream.indirect_vreg.gather [hbm4b:s9+s1], $0x80, v1, vm0, $0xb8;
	[tilespmem:$0x18180] =	vst v63  }
0x75: {  	_ = 	snop  }
0x76: {  	[tilespmem:s25], [sflag:$0x2] =	stream.indirect_vreg.gather [hbm4b:s3+s1], $0x80, v0, vm0, $0xb8;
	[tilespmem:$0x18180] =	vst v63  }
0x77: {  	_ = 	snop  }
0x78: {  	[tilespmem:s13], [sflag:$0x2] =	stream.indirect_vreg.gather [hbm4b:s7+s1], $0x80, v0, vm0, $0xb8;
	[tilespmem:$0x18180] =	vst v63  }
0x79: {  	_ = 	snop  }
0x7a: {  	[tilespmem:s26], [sflag:$0x2] =	stream.indirect_vreg.gather [hbm4b:s8+s1], $0x80, v0, vm0, $0xb8;
	[tilespmem:$0x18180] =	vst v63  }
0x7b: {  	_ = 	snop  }
0x7c: {  	[tilespmem:s14], [sflag:$0x2] =	stream.indirect_vreg.gather [hbm4b:s9+s1], $0x80, v0, vm0, $0xb8;
	[tilespmem:$0x18180] =	vst v63  }
0x7d: {  	_ =	swait.ge [sflag:s28], $0x8000  }
0x7e: {  	[sflag:s28] =	ssyncset.done $0x0  }
0x7f: {  	[sflag:s28] =	ssyncadd.s32 $0xFFFF8000  }
0x80: {  	_ =	swait.ge [sflag:s15], $0x8000  }
0x81: {  	[sflag:s15] =	ssyncset.done $0x0  }
0x82: {  	[sflag:s15] =	ssyncadd.s32 $0xFFFF8000  }
0x83: {  	v0 =	vld [tilespmem:$0x100];
	_ =	sdelay $0x4  }
0x84: {  	v1 =	vbroadcast v0, $0x0  }
0x85: {  	v2 =	vbroadcast v0, $0x6  }
0x86: {  	[tilespmem:$0x1FEF0] =	vst v1;
	v1 =	vbroadcast v0, $0x1  }
0x87: {  	[tilespmem:$0x1FF50] =	vst v2;
	v2 =	vbroadcast v0, $0x7  }
0x88: {  	[tilespmem:$0x1FF00] =	vst v1;
	v1 =	vbroadcast v0, $0x2  }
0x89: {  	[tilespmem:$0x1FF60] =	vst v2;
	v2 =	vbroadcast v0, $0x8  }
0x8a: {  	[tilespmem:$0x1FF10] =	vst v1;
	v1 =	vbroadcast v0, $0x3  }
0x8b: {  	[tilespmem:$0x1FF70] =	vst v2;
	v2 =	vbroadcast v0, $0x9  }
0x8c: {  	[tilespmem:$0x1FF20] =	vst v1;
	v1 =	vbroadcast v0, $0x4  }
0x8d: {  	[tilespmem:$0x1FF80] =	vst v2;
	v2 =	vbroadcast v0, $0xA  }
0x8e: {  	[tilespmem:$0x1FF30] =	vst v1;
	v1 =	vbroadcast v0, $0x5  }
0x8f: {  	[tilespmem:$0x1FF90] =	vst v2  }
0x90: {  	v2 =	vbroadcast v0, $0xB;
	[tilespmem:$0x1FF40] =	vst v1;
	v1 =	vld [tilespmem:$0x110];
	_ =	sdelay $0x1  }
0x91: {  	[tilespmem:$0x1FFA0] =	vst v2;
	v2 =	vbroadcast v0, $0xC  }
0x92: {  	v17 =	vbroadcast v0, $0xE  }
0x93: {  	v18 =	vbroadcast v0, $0xF;
	[tilespmem:$0x1FFB0] =	vst v2;
	v2 =	vbroadcast v0, $0xD  }
0x94: {  	v19 =	vbroadcast v1, $0x0;
	v20 =	vbroadcast v1, $0x1  }
0x95: {  	v21 =	vbroadcast v1, $0x2;
	v22 =	vbroadcast v1, $0x3  }
0x96: {  	v23 =	vbroadcast v1, $0x4;
	v24 =	vbroadcast v1, $0x5  }
0x97: {  	v0 =	vld [tilespmem:$0x120];
	v25 =	vbroadcast v1, $0x6;
	v26 =	vbroadcast v1, $0x7  }
0x98: {  	v27 =	vbroadcast v1, $0x8;
	v28 =	vbroadcast v1, $0x9  }
0x99: {  	v29 =	vbroadcast v1, $0xA;
	v30 =	vbroadcast v1, $0xB  }
0x9a: {  	v31 =	vbroadcast v1, $0xC;
	v32 =	vbroadcast v1, $0xD  }
0x9b: {  	v33 =	vbroadcast v1, $0xE;
	v34 =	vbroadcast v1, $0xF  }
0x9c: {  	v35 =	vbroadcast v0, $0x0;
	v36 =	vbroadcast v0, $0x1  }
0x9d: {  	v37 =	vbroadcast v0, $0x2;
	v38 =	vbroadcast v0, $0x3  }
0x9e: {  	v39 =	vbroadcast v0, $0x4;
	v40 =	vbroadcast v0, $0x5  }
0x9f: {  	v1 =	vld [tilespmem:$0x130];
	v41 =	vbroadcast v0, $0x6;
	v42 =	vbroadcast v0, $0x7  }
0xa0: {  	v43 =	vbroadcast v0, $0x8;
	v44 =	vbroadcast v0, $0x9  }
0xa1: {  	v45 =	vbroadcast v0, $0xA;
	v46 =	vbroadcast v0, $0xB  }
0xa2: {  	v47 =	vbroadcast v0, $0xC;
	v48 =	vbroadcast v0, $0xD  }
0xa3: {  	v49 =	vbroadcast v0, $0xE;
	v50 =	vbroadcast v0, $0xF  }
0xa4: {  	v51 =	vbroadcast v1, $0x0;
	v52 =	vbroadcast v1, $0x1  }
0xa5: {  	v53 =	vbroadcast v1, $0x2;
	v54 =	vbroadcast v1, $0x3  }
0xa6: {  	v55 =	vbroadcast v1, $0x4;
	v56 =	vbroadcast v1, $0x5  }
0xa7: {  	v57 =	vbroadcast v1, $0x6;
	v58 =	vbroadcast v1, $0x7  }
0xa8: {  	v59 =	vbroadcast v1, $0x8;
	v60 =	vbroadcast v1, $0x9  }
0xa9: {  	v61 =	vbroadcast v1, $0xA;
	v62 =	vbroadcast v1, $0xB  }
0xaa: {  	v63 =	vbroadcast v1, $0xC;
	v0 =	vbroadcast v1, $0xD  }
0xab: {  	s31 =	simm.s32 $0x0;
	s0 =	simm.s32 $0x0;
	[tilespmem:$0x1FFC0] =	vst v2;
	v2 =	vbroadcast v1, $0xE;
	v1 =	vbroadcast v1, $0xF  }
.LBB2_2:
0xac: {  	s2 =	sand.u32 $0x70, s0;
	s4 =	sand.u32 $0x1C00, s31  }
0xad: {  	v15 =	vld [tilespmem:$0x1FEF0];
	s2 =	sor.u32 s2, s4  }
0xae: {  	v3 =	vld [tilespmem:s2+$0x180];
	_ =	sdelay $0x3  }
0xaf: {  	v4 =	vld [tilespmem:s2+$0x8180]  }
0xb0: {  	v3 =	vmul.f32 v3, v15;
	v15 =	vld [tilespmem:$0x1FF00];
	_ =	sdelay $0x4  }
0xb1: {  	v4 =	vmul.f32 v4, v15  }
0xb2: {  	v7 =	vld [tilespmem:s2+$0x280]  }
0xb3: {  	v3 =	vadd.f32 v4, v3;
	v4 =	vld [tilespmem:$0x1FF30];
	_ =	sdelay $0x3  }
0xb4: {  	v8 =	vld [tilespmem:s2+$0x8280]  }
0xb5: {  	v4 =	vmul.f32 v7, v4;
	v7 =	vld [tilespmem:$0x1FF40];
	_ =	sdelay $0x2  }
0xb6: {  	v16 =	vld [tilespmem:$0x1FF10]  }
0xb7: {  	v10 =	vld [tilespmem:s2+$0x8300]  }
0xb8: {  	v7 =	vmul.f32 v8, v7;
	v8 =	vld [tilespmem:$0x1FF60]  }
0xb9: {  	v5 =	vld [tilespmem:s2+$0x200];
	_ =	sdelay $0x1  }
0xba: {  	v6 =	vld [tilespmem:s2+$0x8200]  }
0xbb: {  	v11 =	vld [tilespmem:s2+$0x380]  }
0xbc: {  	v8 =	vmul.f32 v10, v8;
	v10 =	vld [tilespmem:$0x1FF70]  }
0xbd: {  	v5 =	vmul.f32 v5, v16;
	v16 =	vld [tilespmem:$0x1FF20];
	_ =	sdelay $0x2  }
0xbe: {  	v12 =	vld [tilespmem:s2+$0x8380]  }
0xbf: {  	[tilespmem:s2+$0x10180] =	vst v3;
	v3 =	vadd.f32 v7, v4;
	v4 =	vmul.f32 v11, v10;
	v11 =	vld [tilespmem:$0x1FF80]  }
0xc0: {  	v6 =	vmul.f32 v6, v16  }
0xc1: {  	v9 =	vld [tilespmem:s2+$0x300]  }
0xc2: {  	v5 =	vadd.f32 v6, v5;
	v6 =	vld [tilespmem:$0x1FF50]  }
0xc3: {  	v13 =	vld [tilespmem:s2+$0x400]  }
0xc4: {  	v7 =	vmul.f32 v12, v11;
	v12 =	vld [tilespmem:$0x1FF90];
	_ =	sdelay $0x2  }
0xc5: {  	v6 =	vmul.f32 v9, v6  }
0xc6: {  	v14 =	vld [tilespmem:s2+$0x8400]  }
0xc7: {  	[tilespmem:s2+$0x10200] =	vst v5;
	v5 =	vadd.f32 v8, v6;
	v6 =	vmul.f32 v13, v12;
	v13 =	vld [tilespmem:$0x1FFA0];
	_ =	sdelay $0x1  }
0xc8: {  	v15 =	vld [tilespmem:s2+$0x480]  }
0xc9: {  	v16 =	vld [tilespmem:s2+$0x8480]  }
0xca: {  	v9 =	vld [tilespmem:$0x1FFC0]  }
0xcb: {  	v8 =	vmul.f32 v14, v13;
	v14 =	vld [tilespmem:$0x1FFB0];
	_ =	sdelay $0x4  }
0xcc: {  	[tilespmem:s2+$0x10280] =	vst v3;
	v3 =	vadd.f32 v7, v4;
	v7 =	vmul.f32 v16, v9;
	v4 =	vmul.f32 v15, v14  }
0xcd: {  	[tilespmem:s2+$0x10300] =	vst v5;
	v10 =	vadd.f32 v8, v6  }
0xce: {  	[tilespmem:s2+$0x10380] =	vst v3;
	v3 =	vadd.f32 v7, v4  }
0xcf: {  	s4 =	sor.u32 s0, s31;
	[tilespmem:s2+$0x10400] =	vst v10  }
0xd0: {  	s5 =	sor.u32 $0x380, s4;
	[tilespmem:s2+$0x10480] =	vst v3  }
0xd1: {  	v3 =	vld [tilespmem:s5+$0x180]  }
0xd2: {  	v11 =	vld [tilespmem:s5+$0x8180];
	_ =	sdelay $0x4  }
0xd3: {  	v3 =	vmul.f32 v3, v17;
	v4 =	vmul.f32 v11, v18;
	_ =	sdelay $0x1  }
0xd4: {  	v3 =	vadd.f32 v4, v3;
	_ =	sdelay $0x1  }
0xd5: {  	[tilespmem:s5+$0x10180] =	vst v3  }
0xd6: {  	v3 =	vld [tilespmem:s2+$0x2180]  }
0xd7: {  	v4 =	vld [tilespmem:s2+$0xA180]  }
0xd8: {  	v5 =	vld [tilespmem:s2+$0x2200]  }
0xd9: {  	v6 =	vld [tilespmem:s2+$0xA200]  }
0xda: {  	v7 =	vld [tilespmem:s2+$0x2280]  }
0xdb: {  	v8 =	vld [tilespmem:s2+$0xA280]  }
0xdc: {  	v9 =	vld [tilespmem:s2+$0x2300]  }
0xdd: {  	v10 =	vld [tilespmem:s2+$0xA300]  }
0xde: {  	v11 =	vld [tilespmem:s2+$0x2380]  }
0xdf: {  	v12 =	vld [tilespmem:s2+$0xA380]  }
0xe0: {  	v13 =	vld [tilespmem:s2+$0x2400]  }
0xe1: {  	v14 =	vld [tilespmem:s2+$0xA400]  }
0xe2: {  	v15 =	vld [tilespmem:s2+$0x2480];
	v3 =	vmul.f32 v3, v19;
	v4 =	vmul.f32 v4, v20  }
0xe3: {  	v16 =	vld [tilespmem:s2+$0xA480];
	v5 =	vmul.f32 v5, v21;
	v6 =	vmul.f32 v6, v22  }
0xe4: {  	v3 =	vadd.f32 v4, v3;
	v4 =	vmul.f32 v7, v23;
	v7 =	vmul.f32 v8, v24  }
0xe5: {  	v5 =	vadd.f32 v6, v5;
	v6 =	vmul.f32 v9, v25;
	v8 =	vmul.f32 v10, v26  }
0xe6: {  	[tilespmem:s2+$0x12180] =	vst v3;
	v3 =	vadd.f32 v7, v4;
	v4 =	vmul.f32 v11, v27;
	v7 =	vmul.f32 v12, v28  }
0xe7: {  	[tilespmem:s2+$0x12200] =	vst v5;
	v5 =	vadd.f32 v8, v6;
	v12 =	vmul.f32 v13, v29;
	v13 =	vmul.f32 v14, v30  }
0xe8: {  	v9 =	vmul.f32 v16, v32;
	v14 =	vmul.f32 v15, v31;
	[tilespmem:s2+$0x12280] =	vst v3;
	v3 =	vadd.f32 v7, v4  }
0xe9: {  	[tilespmem:s2+$0x12300] =	vst v5;
	v10 =	vadd.f32 v13, v12  }
0xea: {  	[tilespmem:s2+$0x12380] =	vst v3;
	v3 =	vadd.f32 v9, v14  }
0xeb: {  	[tilespmem:s2+$0x12400] =	vst v10  }
0xec: {  	s5 =	sor.u32 $0x2380, s4;
	[tilespmem:s2+$0x12480] =	vst v3  }
0xed: {  	v3 =	vld [tilespmem:s5+$0x180]  }
0xee: {  	v11 =	vld [tilespmem:s5+$0x8180];
	_ =	sdelay $0x4  }
0xef: {  	v3 =	vmul.f32 v3, v33;
	v4 =	vmul.f32 v11, v34;
	_ =	sdelay $0x1  }
0xf0: {  	v3 =	vadd.f32 v4, v3;
	_ =	sdelay $0x1  }
0xf1: {  	[tilespmem:s5+$0x10180] =	vst v3  }
0xf2: {  	v3 =	vld [tilespmem:s2+$0x4180]  }
0xf3: {  	v4 =	vld [tilespmem:s2+$0xC180]  }
0xf4: {  	v5 =	vld [tilespmem:s2+$0x4200]  }
0xf5: {  	v6 =	vld [tilespmem:s2+$0xC200]  }
0xf6: {  	v7 =	vld [tilespmem:s2+$0x4280]  }
0xf7: {  	v8 =	vld [tilespmem:s2+$0xC280]  }
0xf8: {  	v9 =	vld [tilespmem:s2+$0x4300]  }
0xf9: {  	v10 =	vld [tilespmem:s2+$0xC300]  }
0xfa: {  	v11 =	vld [tilespmem:s2+$0x4380]  }
0xfb: {  	v12 =	vld [tilespmem:s2+$0xC380]  }
0xfc: {  	v13 =	vld [tilespmem:s2+$0x4400]  }
0xfd: {  	v14 =	vld [tilespmem:s2+$0xC400]  }
0xfe: {  	v15 =	vld [tilespmem:s2+$0x4480];
	v3 =	vmul.f32 v3, v35;
	v4 =	vmul.f32 v4, v36  }
0xff: {  	v16 =	vld [tilespmem:s2+$0xC480];
	v5 =	vmul.f32 v5, v37;
	v6 =	vmul.f32 v6, v38  }
0x100: {  	v3 =	vadd.f32 v4, v3;
	v4 =	vmul.f32 v7, v39;
	v7 =	vmul.f32 v8, v40  }
0x101: {  	v5 =	vadd.f32 v6, v5;
	v6 =	vmul.f32 v9, v41;
	v8 =	vmul.f32 v10, v42  }
0x102: {  	[tilespmem:s2+$0x14180] =	vst v3;
	v3 =	vadd.f32 v7, v4;
	v4 =	vmul.f32 v11, v43;
	v7 =	vmul.f32 v12, v44  }
0x103: {  	[tilespmem:s2+$0x14200] =	vst v5;
	v5 =	vadd.f32 v8, v6;
	v12 =	vmul.f32 v13, v45;
	v13 =	vmul.f32 v14, v46  }
0x104: {  	v9 =	vmul.f32 v16, v48;
	v14 =	vmul.f32 v15, v47;
	[tilespmem:s2+$0x14280] =	vst v3;
	v3 =	vadd.f32 v7, v4  }
0x105: {  	[tilespmem:s2+$0x14300] =	vst v5;
	v10 =	vadd.f32 v13, v12  }
0x106: {  	[tilespmem:s2+$0x14380] =	vst v3;
	v3 =	vadd.f32 v9, v14  }
0x107: {  	[tilespmem:s2+$0x14400] =	vst v10  }
0x108: {  	s5 =	sor.u32 $0x4380, s4;
	[tilespmem:s2+$0x14480] =	vst v3  }
0x109: {  	v3 =	vld [tilespmem:s5+$0x180]  }
0x10a: {  	v11 =	vld [tilespmem:s5+$0x8180];
	_ =	sdelay $0x4  }
0x10b: {  	v3 =	vmul.f32 v3, v49;
	v4 =	vmul.f32 v11, v50;
	_ =	sdelay $0x1  }
0x10c: {  	v3 =	vadd.f32 v4, v3;
	_ =	sdelay $0x1  }
0x10d: {  	[tilespmem:s5+$0x10180] =	vst v3  }
0x10e: {  	v3 =	vld [tilespmem:s2+$0x6180]  }
0x10f: {  	v4 =	vld [tilespmem:s2+$0xE180]  }
0x110: {  	v5 =	vld [tilespmem:s2+$0x6200]  }
0x111: {  	v6 =	vld [tilespmem:s2+$0xE200]  }
0x112: {  	v7 =	vld [tilespmem:s2+$0x6280]  }
0x113: {  	v8 =	vld [tilespmem:s2+$0xE280]  }
0x114: {  	v9 =	vld [tilespmem:s2+$0x6300]  }
0x115: {  	v10 =	vld [tilespmem:s2+$0xE300]  }
0x116: {  	v11 =	vld [tilespmem:s2+$0x6380]  }
0x117: {  	v13 =	vld [tilespmem:s2+$0x6400]  }
0x118: {  	v14 =	vld [tilespmem:s2+$0xE400]  }
0x119: {  	v12 =	vld [tilespmem:s2+$0xE380]  }
0x11a: {  	v15 =	vld [tilespmem:s2+$0x6480];
	v3 =	vmul.f32 v3, v51;
	v4 =	vmul.f32 v4, v52  }
0x11b: {  	v16 =	vld [tilespmem:s2+$0xE480];
	v5 =	vmul.f32 v5, v53;
	v6 =	vmul.f32 v6, v54  }
0x11c: {  	v3 =	vadd.f32 v4, v3;
	v4 =	vmul.f32 v7, v55;
	v7 =	vmul.f32 v8, v56  }
0x11d: {  	v13 =	vmul.f32 v13, v61;
	v14 =	vmul.f32 v14, v62;
	v5 =	vadd.f32 v6, v5  }
0x11e: {  	v12 =	vmul.f32 v12, v60;
	[tilespmem:s2+$0x16180] =	vst v3;
	v3 =	vadd.f32 v7, v4;
	v4 =	vmul.f32 v11, v59  }
0x11f: {  	v6 =	vmul.f32 v9, v57;
	v8 =	vmul.f32 v10, v58;
	v13 =	vadd.f32 v14, v13;
	[tilespmem:s2+$0x16200] =	vst v5  }
0x120: {  	v11 =	vmul.f32 v15, v63;
	[tilespmem:s2+$0x16280] =	vst v3;
	v3 =	vadd.f32 v12, v4;
	v12 =	vmul.f32 v16, v0  }
0x121: {  	v5 =	vadd.f32 v8, v6;
	[tilespmem:s2+$0x16400] =	vst v13  }
0x122: {  	[tilespmem:s2+$0x16380] =	vst v3;
	v3 =	vadd.f32 v12, v11  }
0x123: {  	[tilespmem:s2+$0x16300] =	vst v5  }
0x124: {  	s5 =	sor.u32 $0x6380, s4;
	[tilespmem:s2+$0x16480] =	vst v3  }
0x125: {  	v3 =	vld [tilespmem:s5+$0x180]  }
0x126: {  	v14 =	vld [tilespmem:s5+$0x8180];
	_ =	sdelay $0x3  }
0x127: {  	p0 =	sne.s32 s0, $0x3F0  }
.Ltmp0:
0x128: {  	v3 =	vmul.f32 v3, v2;
	v4 =	vmul.f32 v14, v1;
	(pc) =	sbr.rel @p0 .LBB2_2-.Ltmp0, $3  }
0x129: {  	_ = 	snop  }
0x12a: {  	v3 =	vadd.f32 v4, v3;
	_ =	sdelay $0x1  }
0x12b: {  	s31 =	sadd.s32 $0x80, s31;
	s0 =	sadd.s32 $0x10, s0;
	[tilespmem:s5+$0x10180] =	vst v3  }
0x12c: {  	s31 =	simm.s32 $0x0;
	s0 =	rddreg [dreg:$0x6]  }
0x12d: {  	[hbm4b:s0+s31] =	stream.linear.scatter [tilespmem:s29], [sflag:$0x3], $0x8000, $0x38;
	[tilespmem:$0x18180] =	vst v63  }
0x12e: {  	_ =	swait.ge [sflag:s16], $0x8000  }
0x12f: {  	[sflag:s16] =	ssyncset.done $0x0  }
0x130: {  	s4 =	rddreg [dreg:$0x7];
	[sflag:s16] =	ssyncadd.s32 $0xFFFF8000  }
0x131: {  	[tilespmem:s31], [sflag:$0x3] =	stream.linear.gather [hbm4b:s4+s31], $0x20, $0x38;
	[tilespmem:$0x18180] =	vst v63  }
0x132: {  	_ =	swait.ge [sflag:s16], $0x20  }
0x133: {  	[sflag:s16] =	ssyncset.done $0x0  }
0x134: {  	s2 =	simm.s32 $0x80;
	s5 =	rddreg [dreg:$0x8];
	[sflag:s16] =	ssyncadd.s32 $0xFFFFFFE0  }
0x135: {  	[tilespmem:s2], [sflag:$0x3] =	stream.linear.gather [hbm4b:s5+s31], $0x20, $0x38;
	[tilespmem:$0x18180] =	vst v63  }
0x136: {  	_ =	swait.ge [sflag:s16], $0x20  }
0x137: {  	[sflag:s16] =	ssyncset.done $0x0  }
0x138: {  	s4 =	simm.s32 $0x100;
	s2 =	rddreg [dreg:$0x9];
	[sflag:s16] =	ssyncadd.s32 $0xFFFFFFE0  }
0x139: {  	[tilespmem:s4], [sflag:$0x3] =	stream.linear.gather [hbm4b:s2+s31], $0x40, $0x38;
	[tilespmem:$0x18180] =	vst v63  }
0x13a: {  	_ =	swait.ge [sflag:s16], $0x40  }
0x13b: {  	[sflag:s16] =	ssyncset.done $0x0  }
0x13c: {  	[sflag:s16] =	ssyncadd.s32 $0xFFFFFFC0  }
0x13d: {  	v0 =	vld [tilespmem:$0x0];
	_ =	sdelay $0x2  }
0x13e: {  	v2 =	vld [tilespmem:$0x1FFD0];
	_ =	sdelay $0x1  }
0x13f: {  	v3 =	vld [tilespmem:$0x1FFE0];
	v1 =	vshll.u32 v0, $0x3  }
0x140: {  	v0 =	vand.u32 $0x7, v0;
	v1 =	vand.u32 $0xFFFFFFC0, v1  }
0x141: {  	v0 =	vor.u32 v0, v1  }
0x142: {  	v1 =	vperm.xlane v0, v2;
	_ =	sdelay $0x1  }
0x143: {  	v1 =	vadd.s32 v3, v1  }
0x144: {  	v4 =	vld [tilespmem:$0x1FFF0];
	_ =	sdelay $0x2  }
0x145: {  	s5 =	simm.s32 $0x180  }
0x146: {  	[tilespmem:s5], [sflag:$0x1] =	stream.indirect_vreg.gather [hbm4b:s3+s31], $0x80, v1, vm0, $0xb8;
	[tilespmem:$0x18180] =	vst v63  }
0x147: {  	s2 =	simm.s32 $0x980;
	v0 =	vperm.xlane v0, v4  }
0x148: {  	[tilespmem:s2], [sflag:$0x1] =	stream.indirect_vreg.gather [hbm4b:s7+s31], $0x80, v1, vm0, $0xb8;
	[tilespmem:$0x18180] =	vst v63  }
0x149: {  	s4 =	simm.s32 $0x1180;
	v0 =	vadd.s32 v3, v0  }
0x14a: {  	[tilespmem:s4], [sflag:$0x1] =	stream.indirect_vreg.gather [hbm4b:s8+s31], $0x80, v1, vm0, $0xb8;
	[tilespmem:$0x18180] =	vst v63  }
0x14b: {  	s5 =	simm.s32 $0x1980  }
0x14c: {  	[tilespmem:s5], [sflag:$0x1] =	stream.indirect_vreg.gather [hbm4b:s9+s31], $0x80, v1, vm0, $0xb8;
	[tilespmem:$0x18180] =	vst v63  }
0x14d: {  	s2 =	simm.s32 $0x2180  }
0x14e: {  	[tilespmem:s2], [sflag:$0x1] =	stream.indirect_vreg.gather [hbm4b:s3+s31], $0x80, v0, vm0, $0xb8;
	[tilespmem:$0x18180] =	vst v63  }
0x14f: {  	s4 =	simm.s32 $0x2980  }
0x150: {  	[tilespmem:s4], [sflag:$0x1] =	stream.indirect_vreg.gather [hbm4b:s7+s31], $0x80, v0, vm0, $0xb8;
	[tilespmem:$0x18180] =	vst v63  }
0x151: {  	s5 =	simm.s32 $0x3180  }
0x152: {  	[tilespmem:s5], [sflag:$0x1] =	stream.indirect_vreg.gather [hbm4b:s8+s31], $0x80, v0, vm0, $0xb8;
	[tilespmem:$0x18180] =	vst v63  }
0x153: {  	s2 =	simm.s32 $0x3980  }
0x154: {  	[tilespmem:s2], [sflag:$0x1] =	stream.indirect_vreg.gather [hbm4b:s9+s31], $0x80, v0, vm0, $0xb8;
	[tilespmem:$0x18180] =	vst v63  }
0x155: {  	v0 =	vld [tilespmem:$0x10];
	_ =	sdelay $0x4  }
0x156: {  	v1 =	vshll.u32 v0, $0x3  }
0x157: {  	v0 =	vand.u32 $0x7, v0;
	v1 =	vand.u32 $0xFFFFFFC0, v1  }
0x158: {  	v0 =	vor.u32 v0, v1  }
0x159: {  	v1 =	vperm.xlane v0, v2;
	_ =	sdelay $0x1  }
0x15a: {  	v1 =	vadd.s32 v3, v1;
	_ =	sdelay $0x3  }
0x15b: {  	s4 =	simm.s32 $0x4180  }
0x15c: {  	[tilespmem:s4], [sflag:$0x1] =	stream.indirect_vreg.gather [hbm4b:s3+s31], $0x80, v1, vm0, $0xb8;
	[tilespmem:$0x18180] =	vst v63  }
0x15d: {  	s5 =	simm.s32 $0x4980;
	v0 =	vperm.xlane v0, v4  }
0x15e: {  	[tilespmem:s5], [sflag:$0x1] =	stream.indirect_vreg.gather [hbm4b:s7+s31], $0x80, v1, vm0, $0xb8;
	[tilespmem:$0x18180] =	vst v63  }
0x15f: {  	s2 =	simm.s32 $0x5180;
	v0 =	vadd.s32 v3, v0  }
0x160: {  	[tilespmem:s2], [sflag:$0x1] =	stream.indirect_vreg.gather [hbm4b:s8+s31], $0x80, v1, vm0, $0xb8;
	[tilespmem:$0x18180] =	vst v63  }
0x161: {  	s4 =	simm.s32 $0x5980  }
0x162: {  	[tilespmem:s4], [sflag:$0x1] =	stream.indirect_vreg.gather [hbm4b:s9+s31], $0x80, v1, vm0, $0xb8;
	[tilespmem:$0x18180] =	vst v63  }
0x163: {  	s5 =	simm.s32 $0x6180  }
0x164: {  	[tilespmem:s5], [sflag:$0x1] =	stream.indirect_vreg.gather [hbm4b:s3+s31], $0x80, v0, vm0, $0xb8;
	[tilespmem:$0x18180] =	vst v63  }
0x165: {  	s2 =	simm.s32 $0x6980  }
0x166: {  	[tilespmem:s2], [sflag:$0x1] =	stream.indirect_vreg.gather [hbm4b:s7+s31], $0x80, v0, vm0, $0xb8;
	[tilespmem:$0x18180] =	vst v63  }
0x167: {  	s4 =	simm.s32 $0x7180  }
0x168: {  	[tilespmem:s4], [sflag:$0x1] =	stream.indirect_vreg.gather [hbm4b:s8+s31], $0x80, v0, vm0, $0xb8;
	[tilespmem:$0x18180] =	vst v63  }
0x169: {  	s5 =	simm.s32 $0x7980  }
0x16a: {  	[tilespmem:s5], [sflag:$0x1] =	stream.indirect_vreg.gather [hbm4b:s9+s31], $0x80, v0, vm0, $0xb8;
	[tilespmem:$0x18180] =	vst v63  }
0x16b: {  	v0 =	vld [tilespmem:$0x80];
	_ =	sdelay $0x4  }
0x16c: {  	v1 =	vshll.u32 v0, $0x3  }
0x16d: {  	v0 =	vand.u32 $0x7, v0;
	v1 =	vand.u32 $0xFFFFFFC0, v1  }
0x16e: {  	v0 =	vor.u32 v0, v1  }
0x16f: {  	v1 =	vperm.xlane v0, v2;
	_ =	sdelay $0x1  }
0x170: {  	v1 =	vadd.s32 v3, v1;
	_ =	sdelay $0x4  }
0x171: {  	[tilespmem:s6], [sflag:$0x2] =	stream.indirect_vreg.gather [hbm4b:s3+s31], $0x80, v1, vm0, $0xb8;
	[tilespmem:$0x18180] =	vst v63  }
0x172: {  	v0 =	vperm.xlane v0, v4  }
0x173: {  	[tilespmem:s17], [sflag:$0x2] =	stream.indirect_vreg.gather [hbm4b:s7+s31], $0x80, v1, vm0, $0xb8;
	[tilespmem:$0x18180] =	vst v63  }
0x174: {  	v0 =	vadd.s32 v3, v0  }
0x175: {  	[tilespmem:s18], [sflag:$0x2] =	stream.indirect_vreg.gather [hbm4b:s8+s31], $0x80, v1, vm0, $0xb8;
	[tilespmem:$0x18180] =	vst v63  }
0x176: {  	_ = 	snop  }
0x177: {  	[tilespmem:s19], [sflag:$0x2] =	stream.indirect_vreg.gather [hbm4b:s9+s31], $0x80, v1, vm0, $0xb8;
	[tilespmem:$0x18180] =	vst v63  }
0x178: {  	_ = 	snop  }
0x179: {  	[tilespmem:s20], [sflag:$0x2] =	stream.indirect_vreg.gather [hbm4b:s3+s31], $0x80, v0, vm0, $0xb8;
	[tilespmem:$0x18180] =	vst v63  }
0x17a: {  	_ = 	snop  }
0x17b: {  	[tilespmem:s10], [sflag:$0x2] =	stream.indirect_vreg.gather [hbm4b:s7+s31], $0x80, v0, vm0, $0xb8;
	[tilespmem:$0x18180] =	vst v63  }
0x17c: {  	_ = 	snop  }
0x17d: {  	[tilespmem:s21], [sflag:$0x2] =	stream.indirect_vreg.gather [hbm4b:s8+s31], $0x80, v0, vm0, $0xb8;
	[tilespmem:$0x18180] =	vst v63  }
0x17e: {  	_ = 	snop  }
0x17f: {  	[tilespmem:s11], [sflag:$0x2] =	stream.indirect_vreg.gather [hbm4b:s9+s31], $0x80, v0, vm0, $0xb8;
	[tilespmem:$0x18180] =	vst v63  }
0x180: {  	v0 =	vld [tilespmem:$0x90];
	_ =	sdelay $0x4  }
0x181: {  	v1 =	vshll.u32 v0, $0x3  }
0x182: {  	v0 =	vand.u32 $0x7, v0;
	v1 =	vand.u32 $0xFFFFFFC0, v1  }
0x183: {  	v0 =	vor.u32 v0, v1  }
0x184: {  	v1 =	vperm.xlane v0, v2;
	_ =	sdelay $0x1  }
0x185: {  	v1 =	vadd.s32 v3, v1;
	_ =	sdelay $0x4  }
0x186: {  	[tilespmem:s22], [sflag:$0x2] =	stream.indirect_vreg.gather [hbm4b:s3+s31], $0x80, v1, vm0, $0xb8;
	[tilespmem:$0x18180] =	vst v63  }
0x187: {  	v0 =	vperm.xlane v0, v4  }
0x188: {  	[tilespmem:s12], [sflag:$0x2] =	stream.indirect_vreg.gather [hbm4b:s7+s31], $0x80, v1, vm0, $0xb8;
	[tilespmem:$0x18180] =	vst v63  }
0x189: {  	v0 =	vadd.s32 v3, v0  }
0x18a: {  	[tilespmem:s23], [sflag:$0x2] =	stream.indirect_vreg.gather [hbm4b:s8+s31], $0x80, v1, vm0, $0xb8;
	[tilespmem:$0x18180] =	vst v63  }
0x18b: {  	_ = 	snop  }
0x18c: {  	[tilespmem:s24], [sflag:$0x2] =	stream.indirect_vreg.gather [hbm4b:s9+s31], $0x80, v1, vm0, $0xb8;
	[tilespmem:$0x18180] =	vst v63  }
0x18d: {  	_ = 	snop  }
0x18e: {  	[tilespmem:s25], [sflag:$0x2] =	stream.indirect_vreg.gather [hbm4b:s3+s31], $0x80, v0, vm0, $0xb8;
	[tilespmem:$0x18180] =	vst v63  }
0x18f: {  	_ = 	snop  }
0x190: {  	[tilespmem:s13], [sflag:$0x2] =	stream.indirect_vreg.gather [hbm4b:s7+s31], $0x80, v0, vm0, $0xb8;
	[tilespmem:$0x18180] =	vst v63  }
0x191: {  	_ = 	snop  }
0x192: {  	[tilespmem:s26], [sflag:$0x2] =	stream.indirect_vreg.gather [hbm4b:s8+s31], $0x80, v0, vm0, $0xb8;
	[tilespmem:$0x18180] =	vst v63  }
0x193: {  	_ = 	snop  }
0x194: {  	[tilespmem:s14], [sflag:$0x2] =	stream.indirect_vreg.gather [hbm4b:s9+s31], $0x80, v0, vm0, $0xb8;
	[tilespmem:$0x18180] =	vst v63  }
0x195: {  	_ =	swait.ge [sflag:s28], $0x8000  }
0x196: {  	[sflag:s28] =	ssyncset.done $0x0  }
0x197: {  	[sflag:s28] =	ssyncadd.s32 $0xFFFF8000  }
0x198: {  	_ =	swait.ge [sflag:s15], $0x8000  }
0x199: {  	[sflag:s15] =	ssyncset.done $0x0  }
0x19a: {  	[sflag:s15] =	ssyncadd.s32 $0xFFFF8000  }
0x19b: {  	v0 =	vld [tilespmem:$0x100];
	_ =	sdelay $0x4  }
0x19c: {  	v1 =	vbroadcast v0, $0x0  }
0x19d: {  	v2 =	vbroadcast v0, $0x6  }
0x19e: {  	[tilespmem:$0x1FE10] =	vst v1;
	v1 =	vbroadcast v0, $0x1  }
0x19f: {  	v63 =	vld [tilespmem:$0x130];
	[tilespmem:$0x1FE70] =	vst v2;
	v2 =	vbroadcast v0, $0x7  }
0x1a0: {  	[tilespmem:$0x1FE20] =	vst v1;
	v1 =	vbroadcast v0, $0x2  }
0x1a1: {  	[tilespmem:$0x1FE80] =	vst v2;
	v2 =	vbroadcast v0, $0x8  }
0x1a2: {  	v17 =	vbroadcast v0, $0xE;
	[tilespmem:$0x1FE30] =	vst v1;
	v1 =	vbroadcast v0, $0x3  }
0x1a3: {  	v18 =	vbroadcast v0, $0xF;
	[tilespmem:$0x1FE90] =	vst v2;
	v2 =	vbroadcast v0, $0x9  }
0x1a4: {  	v51 =	vbroadcast v63, $0x0;
	[tilespmem:$0x1FE40] =	vst v1;
	v1 =	vbroadcast v0, $0x4  }
0x1a5: {  	v52 =	vbroadcast v63, $0x1;
	[tilespmem:$0x1FEA0] =	vst v2;
	v2 =	vbroadcast v0, $0xA  }
0x1a6: {  	v53 =	vbroadcast v63, $0x2;
	[tilespmem:$0x1FE50] =	vst v1;
	v1 =	vbroadcast v0, $0x5  }
0x1a7: {  	v54 =	vbroadcast v63, $0x3;
	[tilespmem:$0x1FEB0] =	vst v2;
	v2 =	vbroadcast v0, $0xB  }
0x1a8: {  	v55 =	vbroadcast v63, $0x4;
	v56 =	vbroadcast v63, $0x5;
	[tilespmem:$0x1FE60] =	vst v1;
	v1 =	vld [tilespmem:$0x110]  }
0x1a9: {  	v57 =	vbroadcast v63, $0x6;
	[tilespmem:$0x1FEC0] =	vst v2;
	v2 =	vbroadcast v0, $0xC  }
0x1aa: {  	v58 =	vbroadcast v63, $0x7;
	v59 =	vbroadcast v63, $0x8  }
0x1ab: {  	v60 =	vbroadcast v63, $0x9;
	[tilespmem:$0x1FED0] =	vst v2;
	v2 =	vbroadcast v0, $0xD  }
0x1ac: {  	v61 =	vbroadcast v63, $0xA;
	v62 =	vbroadcast v63, $0xB  }
0x1ad: {  	[tilespmem:$0x1FEE0] =	vst v2;
	v2 =	vbroadcast v63, $0xD;
	v19 =	vbroadcast v1, $0x0  }
0x1ae: {  	v20 =	vbroadcast v1, $0x1;
	v21 =	vbroadcast v1, $0x2  }
0x1af: {  	v22 =	vbroadcast v1, $0x3;
	v23 =	vbroadcast v1, $0x4  }
0x1b0: {  	v24 =	vbroadcast v1, $0x5;
	v25 =	vbroadcast v1, $0x6  }
0x1b1: {  	v0 =	vld [tilespmem:$0x120];
	v26 =	vbroadcast v1, $0x7;
	v27 =	vbroadcast v1, $0x8  }
0x1b2: {  	v28 =	vbroadcast v1, $0x9;
	v29 =	vbroadcast v1, $0xA  }
0x1b3: {  	v30 =	vbroadcast v1, $0xB;
	v31 =	vbroadcast v1, $0xC  }
0x1b4: {  	v32 =	vbroadcast v1, $0xD;
	v33 =	vbroadcast v1, $0xE  }
0x1b5: {  	v34 =	vbroadcast v1, $0xF;
	v1 =	vbroadcast v63, $0xE  }
0x1b6: {  	v35 =	vbroadcast v0, $0x0;
	v36 =	vbroadcast v0, $0x1  }
0x1b7: {  	v37 =	vbroadcast v0, $0x2;
	v38 =	vbroadcast v0, $0x3  }
0x1b8: {  	v39 =	vbroadcast v0, $0x4;
	v40 =	vbroadcast v0, $0x5  }
0x1b9: {  	v41 =	vbroadcast v0, $0x6;
	v42 =	vbroadcast v0, $0x7  }
0x1ba: {  	v43 =	vbroadcast v0, $0x8;
	v44 =	vbroadcast v0, $0x9  }
0x1bb: {  	v45 =	vbroadcast v0, $0xA;
	v46 =	vbroadcast v0, $0xB  }
0x1bc: {  	v47 =	vbroadcast v0, $0xC;
	v48 =	vbroadcast v0, $0xD  }
0x1bd: {  	v49 =	vbroadcast v0, $0xE;
	v50 =	vbroadcast v0, $0xF  }
0x1be: {  	s0 =	simm.s32 $0x0;
	v0 =	vbroadcast v63, $0xC;
	v63 =	vbroadcast v63, $0xF  }
.LBB2_4:
0x1bf: {  	s2 =	sand.u32 $0x70, s0;
	s4 =	sand.u32 $0x1C00, s31  }
0x1c0: {  	v15 =	vld [tilespmem:$0x1FE10];
	s2 =	sor.u32 s2, s4  }
0x1c1: {  	v3 =	vld [tilespmem:s2+$0x180];
	_ =	sdelay $0x3  }
0x1c2: {  	v4 =	vld [tilespmem:s2+$0x8180]  }
0x1c3: {  	v3 =	vmul.f32 v3, v15;
	v15 =	vld [tilespmem:$0x1FE20];
	_ =	sdelay $0x4  }
0x1c4: {  	v4 =	vmul.f32 v4, v15  }
0x1c5: {  	v7 =	vld [tilespmem:s2+$0x280]  }
0x1c6: {  	v3 =	vadd.f32 v4, v3;
	v4 =	vld [tilespmem:$0x1FE50];
	_ =	sdelay $0x3  }
0x1c7: {  	v8 =	vld [tilespmem:s2+$0x8280]  }
0x1c8: {  	v4 =	vmul.f32 v7, v4;
	v7 =	vld [tilespmem:$0x1FE60];
	_ =	sdelay $0x2  }
0x1c9: {  	v16 =	vld [tilespmem:$0x1FE30]  }
0x1ca: {  	v10 =	vld [tilespmem:s2+$0x8300]  }
0x1cb: {  	v7 =	vmul.f32 v8, v7;
	v8 =	vld [tilespmem:$0x1FE80]  }
0x1cc: {  	v5 =	vld [tilespmem:s2+$0x200];
	_ =	sdelay $0x1  }
0x1cd: {  	v6 =	vld [tilespmem:s2+$0x8200]  }
0x1ce: {  	v11 =	vld [tilespmem:s2+$0x380]  }
0x1cf: {  	v8 =	vmul.f32 v10, v8;
	v10 =	vld [tilespmem:$0x1FE90]  }
0x1d0: {  	v5 =	vmul.f32 v5, v16;
	v16 =	vld [tilespmem:$0x1FE40];
	_ =	sdelay $0x2  }
0x1d1: {  	v12 =	vld [tilespmem:s2+$0x8380]  }
0x1d2: {  	[tilespmem:s2+$0x10180] =	vst v3;
	v3 =	vadd.f32 v7, v4;
	v4 =	vmul.f32 v11, v10;
	v11 =	vld [tilespmem:$0x1FEA0]  }
0x1d3: {  	v6 =	vmul.f32 v6, v16  }
0x1d4: {  	v9 =	vld [tilespmem:s2+$0x300]  }
0x1d5: {  	v5 =	vadd.f32 v6, v5;
	v6 =	vld [tilespmem:$0x1FE70]  }
0x1d6: {  	v13 =	vld [tilespmem:s2+$0x400]  }
0x1d7: {  	v7 =	vmul.f32 v12, v11;
	v12 =	vld [tilespmem:$0x1FEB0];
	_ =	sdelay $0x2  }
0x1d8: {  	v6 =	vmul.f32 v9, v6  }
0x1d9: {  	v14 =	vld [tilespmem:s2+$0x8400]  }
0x1da: {  	[tilespmem:s2+$0x10200] =	vst v5;
	v5 =	vadd.f32 v8, v6;
	v6 =	vmul.f32 v13, v12;
	v13 =	vld [tilespmem:$0x1FEC0];
	_ =	sdelay $0x1  }
0x1db: {  	v15 =	vld [tilespmem:s2+$0x480]  }
0x1dc: {  	v16 =	vld [tilespmem:s2+$0x8480]  }
0x1dd: {  	v9 =	vld [tilespmem:$0x1FEE0]  }
0x1de: {  	v8 =	vmul.f32 v14, v13;
	v14 =	vld [tilespmem:$0x1FED0];
	_ =	sdelay $0x4  }
0x1df: {  	[tilespmem:s2+$0x10280] =	vst v3;
	v3 =	vadd.f32 v7, v4;
	v7 =	vmul.f32 v16, v9;
	v4 =	vmul.f32 v15, v14  }
0x1e0: {  	[tilespmem:s2+$0x10300] =	vst v5;
	v10 =	vadd.f32 v8, v6  }
0x1e1: {  	[tilespmem:s2+$0x10380] =	vst v3;
	v3 =	vadd.f32 v7, v4  }
0x1e2: {  	s4 =	sor.u32 s0, s31;
	[tilespmem:s2+$0x10400] =	vst v10  }
0x1e3: {  	s5 =	sor.u32 $0x380, s4;
	[tilespmem:s2+$0x10480] =	vst v3  }
0x1e4: {  	v3 =	vld [tilespmem:s5+$0x180]  }
0x1e5: {  	v11 =	vld [tilespmem:s5+$0x8180];
	_ =	sdelay $0x4  }
0x1e6: {  	v3 =	vmul.f32 v3, v17;
	v4 =	vmul.f32 v11, v18;
	_ =	sdelay $0x1  }
0x1e7: {  	v3 =	vadd.f32 v4, v3;
	_ =	sdelay $0x1  }
0x1e8: {  	[tilespmem:s5+$0x10180] =	vst v3  }
0x1e9: {  	v3 =	vld [tilespmem:s2+$0x2180]  }
0x1ea: {  	v4 =	vld [tilespmem:s2+$0xA180]  }
0x1eb: {  	v5 =	vld [tilespmem:s2+$0x2200]  }
0x1ec: {  	v6 =	vld [tilespmem:s2+$0xA200]  }
0x1ed: {  	v7 =	vld [tilespmem:s2+$0x2280]  }
0x1ee: {  	v8 =	vld [tilespmem:s2+$0xA280]  }
0x1ef: {  	v9 =	vld [tilespmem:s2+$0x2300]  }
0x1f0: {  	v10 =	vld [tilespmem:s2+$0xA300]  }
0x1f1: {  	v11 =	vld [tilespmem:s2+$0x2380]  }
0x1f2: {  	v12 =	vld [tilespmem:s2+$0xA380]  }
0x1f3: {  	v13 =	vld [tilespmem:s2+$0x2400]  }
0x1f4: {  	v14 =	vld [tilespmem:s2+$0xA400]  }
0x1f5: {  	v15 =	vld [tilespmem:s2+$0x2480];
	v3 =	vmul.f32 v3, v19;
	v4 =	vmul.f32 v4, v20  }
0x1f6: {  	v16 =	vld [tilespmem:s2+$0xA480];
	v5 =	vmul.f32 v5, v21;
	v6 =	vmul.f32 v6, v22  }
0x1f7: {  	v3 =	vadd.f32 v4, v3;
	v4 =	vmul.f32 v7, v23;
	v7 =	vmul.f32 v8, v24  }
0x1f8: {  	v5 =	vadd.f32 v6, v5;
	v6 =	vmul.f32 v9, v25;
	v8 =	vmul.f32 v10, v26  }
0x1f9: {  	[tilespmem:s2+$0x12180] =	vst v3;
	v3 =	vadd.f32 v7, v4;
	v4 =	vmul.f32 v11, v27;
	v7 =	vmul.f32 v12, v28  }
0x1fa: {  	[tilespmem:s2+$0x12200] =	vst v5;
	v5 =	vadd.f32 v8, v6;
	v12 =	vmul.f32 v13, v29;
	v13 =	vmul.f32 v14, v30  }
0x1fb: {  	v9 =	vmul.f32 v16, v32;
	v14 =	vmul.f32 v15, v31;
	[tilespmem:s2+$0x12280] =	vst v3;
	v3 =	vadd.f32 v7, v4  }
0x1fc: {  	[tilespmem:s2+$0x12300] =	vst v5;
	v10 =	vadd.f32 v13, v12  }
0x1fd: {  	[tilespmem:s2+$0x12380] =	vst v3;
	v3 =	vadd.f32 v9, v14  }
0x1fe: {  	[tilespmem:s2+$0x12400] =	vst v10  }
0x1ff: {  	s5 =	sor.u32 $0x2380, s4;
	[tilespmem:s2+$0x12480] =	vst v3  }
0x200: {  	v3 =	vld [tilespmem:s5+$0x180]  }
0x201: {  	v11 =	vld [tilespmem:s5+$0x8180];
	_ =	sdelay $0x4  }
0x202: {  	v3 =	vmul.f32 v3, v33;
	v4 =	vmul.f32 v11, v34;
	_ =	sdelay $0x1  }
0x203: {  	v3 =	vadd.f32 v4, v3;
	_ =	sdelay $0x1  }
0x204: {  	[tilespmem:s5+$0x10180] =	vst v3  }
0x205: {  	v3 =	vld [tilespmem:s2+$0x4180]  }
0x206: {  	v4 =	vld [tilespmem:s2+$0xC180]  }
0x207: {  	v5 =	vld [tilespmem:s2+$0x4200]  }
0x208: {  	v6 =	vld [tilespmem:s2+$0xC200]  }
0x209: {  	v7 =	vld [tilespmem:s2+$0x4280]  }
0x20a: {  	v8 =	vld [tilespmem:s2+$0xC280]  }
0x20b: {  	v9 =	vld [tilespmem:s2+$0x4300]  }
0x20c: {  	v10 =	vld [tilespmem:s2+$0xC300]  }
0x20d: {  	v11 =	vld [tilespmem:s2+$0x4380]  }
0x20e: {  	v12 =	vld [tilespmem:s2+$0xC380]  }
0x20f: {  	v13 =	vld [tilespmem:s2+$0x4400]  }
0x210: {  	v14 =	vld [tilespmem:s2+$0xC400]  }
0x211: {  	v15 =	vld [tilespmem:s2+$0x4480];
	v3 =	vmul.f32 v3, v35;
	v4 =	vmul.f32 v4, v36  }
0x212: {  	v16 =	vld [tilespmem:s2+$0xC480];
	v5 =	vmul.f32 v5, v37;
	v6 =	vmul.f32 v6, v38  }
0x213: {  	v3 =	vadd.f32 v4, v3;
	v4 =	vmul.f32 v7, v39;
	v7 =	vmul.f32 v8, v40  }
0x214: {  	v5 =	vadd.f32 v6, v5;
	v6 =	vmul.f32 v9, v41;
	v8 =	vmul.f32 v10, v42  }
0x215: {  	[tilespmem:s2+$0x14180] =	vst v3;
	v3 =	vadd.f32 v7, v4;
	v4 =	vmul.f32 v11, v43;
	v7 =	vmul.f32 v12, v44  }
0x216: {  	[tilespmem:s2+$0x14200] =	vst v5;
	v5 =	vadd.f32 v8, v6;
	v12 =	vmul.f32 v13, v45;
	v13 =	vmul.f32 v14, v46  }
0x217: {  	v9 =	vmul.f32 v16, v48;
	v14 =	vmul.f32 v15, v47;
	[tilespmem:s2+$0x14280] =	vst v3;
	v3 =	vadd.f32 v7, v4  }
0x218: {  	[tilespmem:s2+$0x14300] =	vst v5;
	v10 =	vadd.f32 v13, v12  }
0x219: {  	[tilespmem:s2+$0x14380] =	vst v3;
	v3 =	vadd.f32 v9, v14  }
0x21a: {  	[tilespmem:s2+$0x14400] =	vst v10  }
0x21b: {  	s5 =	sor.u32 $0x4380, s4;
	[tilespmem:s2+$0x14480] =	vst v3  }
0x21c: {  	v3 =	vld [tilespmem:s5+$0x180]  }
0x21d: {  	v11 =	vld [tilespmem:s5+$0x8180];
	_ =	sdelay $0x4  }
0x21e: {  	v3 =	vmul.f32 v3, v49;
	v4 =	vmul.f32 v11, v50;
	_ =	sdelay $0x1  }
0x21f: {  	v3 =	vadd.f32 v4, v3;
	_ =	sdelay $0x1  }
0x220: {  	[tilespmem:s5+$0x10180] =	vst v3  }
0x221: {  	v3 =	vld [tilespmem:s2+$0x6180]  }
0x222: {  	v4 =	vld [tilespmem:s2+$0xE180]  }
0x223: {  	v5 =	vld [tilespmem:s2+$0x6200]  }
0x224: {  	v6 =	vld [tilespmem:s2+$0xE200]  }
0x225: {  	v7 =	vld [tilespmem:s2+$0x6280]  }
0x226: {  	v8 =	vld [tilespmem:s2+$0xE280]  }
0x227: {  	v9 =	vld [tilespmem:s2+$0x6300]  }
0x228: {  	v10 =	vld [tilespmem:s2+$0xE300]  }
0x229: {  	v11 =	vld [tilespmem:s2+$0x6380]  }
0x22a: {  	v13 =	vld [tilespmem:s2+$0x6400]  }
0x22b: {  	v14 =	vld [tilespmem:s2+$0xE400]  }
0x22c: {  	v12 =	vld [tilespmem:s2+$0xE380]  }
0x22d: {  	v15 =	vld [tilespmem:s2+$0x6480];
	v3 =	vmul.f32 v3, v51;
	v4 =	vmul.f32 v4, v52  }
0x22e: {  	v16 =	vld [tilespmem:s2+$0xE480];
	v5 =	vmul.f32 v5, v53;
	v6 =	vmul.f32 v6, v54  }
0x22f: {  	v3 =	vadd.f32 v4, v3;
	v4 =	vmul.f32 v7, v55;
	v7 =	vmul.f32 v8, v56  }
0x230: {  	v13 =	vmul.f32 v13, v61;
	v14 =	vmul.f32 v14, v62;
	v5 =	vadd.f32 v6, v5  }
0x231: {  	v12 =	vmul.f32 v12, v60;
	[tilespmem:s2+$0x16180] =	vst v3;
	v3 =	vadd.f32 v7, v4;
	v4 =	vmul.f32 v11, v59  }
0x232: {  	v6 =	vmul.f32 v9, v57;
	v8 =	vmul.f32 v10, v58;
	v13 =	vadd.f32 v14, v13;
	[tilespmem:s2+$0x16200] =	vst v5  }
0x233: {  	v11 =	vmul.f32 v15, v0;
	[tilespmem:s2+$0x16280] =	vst v3;
	v3 =	vadd.f32 v12, v4;
	v12 =	vmul.f32 v16, v2  }
0x234: {  	v5 =	vadd.f32 v8, v6;
	[tilespmem:s2+$0x16400] =	vst v13  }
0x235: {  	[tilespmem:s2+$0x16380] =	vst v3;
	v3 =	vadd.f32 v12, v11  }
0x236: {  	[tilespmem:s2+$0x16300] =	vst v5  }
0x237: {  	s5 =	sor.u32 $0x6380, s4;
	[tilespmem:s2+$0x16480] =	vst v3  }
0x238: {  	v3 =	vld [tilespmem:s5+$0x180]  }
0x239: {  	v14 =	vld [tilespmem:s5+$0x8180];
	_ =	sdelay $0x3  }
0x23a: {  	p0 =	sne.s32 s0, $0x3F0  }
.Ltmp1:
0x23b: {  	v3 =	vmul.f32 v3, v1;
	v4 =	vmul.f32 v14, v63;
	(pc) =	sbr.rel @p0 .LBB2_4-.Ltmp1, $3  }
0x23c: {  	_ = 	snop  }
0x23d: {  	v3 =	vadd.f32 v4, v3;
	_ =	sdelay $0x1  }
0x23e: {  	s31 =	sadd.s32 $0x80, s31;
	s0 =	sadd.s32 $0x10, s0;
	[tilespmem:s5+$0x10180] =	vst v3  }
0x23f: {  	s0 =	rddreg [dreg:$0xa]  }
0x240: {  	[hbm4b:s0+s1] =	stream.linear.scatter [tilespmem:s29], [sflag:$0x3], $0x8000, $0x38;
	[tilespmem:$0x18180] =	vst v63  }
0x241: {  	_ =	swait.ge [sflag:s16], $0x8000  }
0x242: {  	s30 =	sadd.s32 $0x1, s30;
	s31 =	rddreg [dreg:$0xb]  }
0x243: {  	p0 =	sne.s32 s30, s31  }
.Ltmp2:
0x244: {  	_ = 	snop;
	(pc) =	sbr.rel @p0 .LBB2_1-.Ltmp2, $3  }
0x245: {  	_ =	sdelay $0x1  }
0x246: {  	[sflag:s16] =	ssyncset.done $0x0  }
0x247: {  	[sflag:s16] =	ssyncadd.s32 $0xFFFF8000  }
0x248: {  	_ =	sfence.sel $0x180000  }
0x249: {  	[bflag:$0x0] =	sbarrier.arrive $0xFFFF  }
0x24a: {  	_ =	strace $0x90000047  }
0x24b: {  	s0 =	stileid.u32;
	[bflag:$0x2] =	sbarrier.arrive $0xFFFF  }
0x24c: {  	p0 =	sne.s32 s0, $0x0;
	s0 =	rddreg [dreg:$0x2]  }
0x24d: {  	s0 =	sadd.s32 @!p0 $0x100000, s0  }
0x24e: {  	[sflag:s0] =	ssyncadd.tile.s32 @!p0 $0x1;
	_ =	shalt  }
.Lfunc_end2:
_tile_overlayer_lowered:
.L_overlay_start_2:
0x24f: {  	(tag) =	ssettag $0x2  }
0x250: {  	s0 =	rddreg [dreg:$0x0];
	s2 =	stileid.u32  }
0x251: {  	s1 =	rddreg [dreg:$0x1];
	p0 =	sne.s32 s2, $0x0  }
0x252: {  	s3 =	rddreg [dreg:$0x2];
	[bflag:$0x3] =	sbarrier.arrive $0xFFFF;
	s2 =	simm.s32 @!p0 $0x1C03  }
0x253: {  	[timem:s3], [sflag:s2] =	dma.local @!p0 [hbm:s0], s1  }
0x254: {  	s0 =	simm.s32 @!p0 $0x3  }
0x255: {  	_ =	swait.ge @!p0 [sflag:s0], s1  }
0x256: {  	s1 =	ssub.s32 @!p0 $0x0, s1;
	[sflag:s0] =	ssyncset.done @!p0 $0x0  }
0x257: {  	[sflag:s0] =	ssyncadd.s32 @!p0 s1  }
0x258: {  	[bflag:$0x3] =	sbarrier.arrive $0xFFFF  }
0x259: {  	_ =	shalt  }

</sc_bundles>
